<compile_context>
chip_gen: v7x
topology: tpu7x:2x2x1
jax: 0.10.2.dev20260603
libtpu: 0.0.44.dev20260713+nightly
codegen_flags: <defaults>
</compile_context>

<pallas_src>
import functools

import jax
import jax.numpy as jnp
from jax import lax
from jax.experimental import pallas as pl
from jax.experimental.pallas import tpu as pltpu
from jax.experimental.pallas import tpu_sc as plsc

D = 128
N = 10000
NTILES = 16
L = 16
RPT = 640
N_PAD = NTILES * RPT
CHUNK = 128
G = 8
R_BLK = 1000


def _tc1_body(x_ref, wn_ref, bn_ref, we_ref, be_ref, node_ref, a2_ref):
    node = jnp.dot(x_ref[...], wn_ref[...], preferred_element_type=jnp.float32)
    node = node + bn_ref[...]
    node_ref[...] = node
    a2_ref[...] = (jnp.dot(node, we_ref[:D], preferred_element_type=jnp.float32)
                   + be_ref[...])


def _tc2_body(node_ref, s_ref, deg_ref, a2_ref, we_ref, wu_ref, bu_ref, o_ref):
    node = node_ref[...]
    s_n = s_ref[0] + s_ref[1]
    deg = deg_ref[0] + deg_ref[1]
    s_b = jnp.dot(s_n, we_ref[D:], preferred_element_type=jnp.float32)
    agg_e = deg * a2_ref[...] + s_b

    def g(v):
        return 0.5 * v * (1.0 + lax.erf(v * (2.0 ** -0.5)))

    out = jnp.dot(g(node), wu_ref[:D], preferred_element_type=jnp.float32)
    out = out + jnp.dot(g(s_n), wu_ref[D:2 * D], preferred_element_type=jnp.float32)
    out = out + jnp.dot(g(agg_e), wu_ref[2 * D:], preferred_element_type=jnp.float32)
    o_ref[...] = out + bu_ref[...]


@functools.lru_cache(maxsize=None)
def _make_sc_scatter(n_groups: int):
    mesh = plsc.VectorSubcoreMesh(core_axis_name="c", subcore_axis_name="s")

    def body(t_hbm, src_hbm, dst_hbm, s_hbm, deg_hbm,
             idx_src, idx_dst, rows, ones_b, zb1, acc, deg_sh,
             gsem, ssem, dsem, csem):
        cid = lax.axis_index("c")
        tid = lax.axis_index("s")
        base = tid * RPT
        zeros16 = jnp.zeros((L,), jnp.float32)
        ones16 = jnp.ones((L,), jnp.float32)

        def init_ones(i, carry):
            ones_b[pl.ds(i * L, L)] = ones16
            return carry
        lax.fori_loop(0, CHUNK // L, init_ones, 0)

        def zero_zb1(i, carry):
            zb1[pl.ds(i * L, L)] = zeros16
            return carry
        lax.fori_loop(0, RPT // L, zero_zb1, 0)

        def zero_rows(i, carry):
            for k in range(D // L):
                rows[0, i, pl.ds(k * L, L)] = zeros16
            return carry
        lax.fori_loop(0, CHUNK, zero_rows, 0)

        for q in range(RPT // CHUNK):
            pltpu.sync_copy(rows.at[0],
                            acc.at[pl.ds(base + q * CHUNK, CHUNK)])
        pltpu.sync_copy(zb1, deg_sh.at[pl.ds(base, RPT)])

        pltpu.sync_copy(src_hbm.at[cid, tid, 0], idx_src.at[0])
        pltpu.sync_copy(dst_hbm.at[cid, tid, 0], idx_dst.at[0])

        plsc.subcore_barrier()

        pltpu.async_copy(t_hbm.at[idx_dst.at[0].at[0]], rows.at[0], gsem)

        def group(g, carry):
            b = lax.bitwise_and(g, 1)
            nb = lax.bitwise_xor(b, 1)

            for j in range(G):
                if j == 2:
                    @pl.when(g + 1 < n_groups)
                    def _():
                        pltpu.async_copy(src_hbm.at[cid, tid, g + 1],
                                         idx_src.at[nb], ssem)
                        pltpu.async_copy(dst_hbm.at[cid, tid, g + 1],
                                         idx_dst.at[nb], dsem)
                if j >= 2:
                    pltpu.make_async_copy(rows.at[(j - 1) % 2],
                                          acc.at[idx_src.at[b].at[j - 1]],
                                          csem).wait()
                elif j == 1:
                    @pl.when(g > 0)
                    def _():
                        pltpu.make_async_copy(rows.at[0],
                                              acc.at[idx_src.at[b].at[0]],
                                              csem).wait()
                else:
                    @pl.when(g > 0)
                    def _():
                        pltpu.make_async_copy(rows.at[1],
                                              acc.at[idx_src.at[nb].at[G - 1]],
                                              csem).wait()
                if j + 1 < G:
                    pltpu.async_copy(t_hbm.at[idx_dst.at[b].at[j + 1]],
                                     rows.at[(j + 1) % 2], gsem)
                else:
                    @pl.when(g + 1 < n_groups)
                    def _():
                        pltpu.make_async_copy(src_hbm.at[cid, tid, g + 1],
                                              idx_src.at[nb], ssem).wait()
                        pltpu.make_async_copy(dst_hbm.at[cid, tid, g + 1],
                                              idx_dst.at[nb], dsem).wait()
                        pltpu.async_copy(t_hbm.at[idx_dst.at[nb].at[0]],
                                         rows.at[0], gsem)
                pltpu.make_async_copy(t_hbm.at[idx_dst.at[b].at[j]],
                                      rows.at[j % 2], gsem).wait()
                pltpu.async_copy(rows.at[j % 2],
                                 acc.at[idx_src.at[b].at[j]], csem, add=True)
                pltpu.sync_copy(ones_b, deg_sh.at[idx_src.at[b].at[j]],
                                add=True)
            return carry
        lax.fori_loop(0, n_groups, group, 0)

        lb = lax.bitwise_and(n_groups - 1, 1)
        pltpu.make_async_copy(rows.at[(G - 2) % 2],
                              acc.at[idx_src.at[lb].at[G - 2]], csem).wait()
        pltpu.make_async_copy(rows.at[(G - 1) % 2],
                              acc.at[idx_src.at[lb].at[G - 1]], csem).wait()

        plsc.subcore_barrier()

        pltpu.sync_copy(acc.at[pl.ds(base, RPT)],
                        s_hbm.at[cid, pl.ds(base, RPT)])
        pltpu.sync_copy(deg_sh.at[pl.ds(base, RPT)],
                        deg_hbm.at[cid, pl.ds(base, RPT)])

    return pl.kernel(
        body,
        out_type=(
            jax.ShapeDtypeStruct((2, N_PAD, D), jnp.float32),
            jax.ShapeDtypeStruct((2, N_PAD), jnp.float32),
        ),
        mesh=mesh,
        compiler_params=pltpu.CompilerParams(needs_layout_passes=False),
        scratch_types=[
            pltpu.VMEM((2, G, CHUNK), jnp.int32),
            pltpu.VMEM((2, G, CHUNK), jnp.int32),
            pltpu.VMEM((2, CHUNK, D), jnp.float32),
            pltpu.VMEM((CHUNK,), jnp.float32),
            pltpu.VMEM((RPT,), jnp.float32),
            pltpu.VMEM_SHARED((N_PAD, D), jnp.float32),
            pltpu.VMEM_SHARED((N_PAD,), jnp.float32),
            pltpu.SemaphoreType.DMA,
            pltpu.SemaphoreType.DMA,
            pltpu.SemaphoreType.DMA,
            pltpu.SemaphoreType.DMA,
        ],
    )


def kernel(input_embeddings, edge_index, W_node, b_node, W_edge, b_edge,
           W_upd, b_upd):
    x = input_embeddings
    src = edge_index[0].astype(jnp.int32)
    dst = edge_index[1].astype(jnp.int32)
    e = src.shape[0]
    epg = 2 * NTILES * G * CHUNK
    n_groups = -(-e // epg)
    pad = n_groups * epg - e
    if pad:
        src = jnp.concatenate([src, jnp.full((pad,), N, jnp.int32)])
        dst = jnp.concatenate([dst, jnp.zeros((pad,), jnp.int32)])
    src5 = src.reshape(2, NTILES, n_groups, G, CHUNK)
    dst5 = dst.reshape(2, NTILES, n_groups, G, CHUNK)

    bn = b_node.reshape(1, D)
    be = b_edge.reshape(1, D)
    bu = b_upd.reshape(1, D)

    grid = N // R_BLK
    node, a2 = pl.pallas_call(
        _tc1_body,
        grid=(grid,),
        in_specs=[
            pl.BlockSpec((R_BLK, D), lambda i: (i, 0)),
            pl.BlockSpec((D, D), lambda i: (0, 0)),
            pl.BlockSpec((1, D), lambda i: (0, 0)),
            pl.BlockSpec((2 * D, D), lambda i: (0, 0)),
            pl.BlockSpec((1, D), lambda i: (0, 0)),
        ],
        out_specs=[
            pl.BlockSpec((R_BLK, D), lambda i: (i, 0)),
            pl.BlockSpec((R_BLK, D), lambda i: (i, 0)),
        ],
        out_shape=[
            jax.ShapeDtypeStruct((N, D), jnp.float32),
            jax.ShapeDtypeStruct((N, D), jnp.float32),
        ],
    )(x, W_node, bn, W_edge, be)

    s, deg = _make_sc_scatter(n_groups)(node, src5, dst5)
    deg3 = deg.reshape(2, N_PAD, 1)

    out = pl.pallas_call(
        _tc2_body,
        grid=(grid,),
        in_specs=[
            pl.BlockSpec((R_BLK, D), lambda i: (i, 0)),
            pl.BlockSpec((2, R_BLK, D), lambda i: (0, i, 0)),
            pl.BlockSpec((2, R_BLK, 1), lambda i: (0, i, 0)),
            pl.BlockSpec((R_BLK, D), lambda i: (i, 0)),
            pl.BlockSpec((2 * D, D), lambda i: (0, 0)),
            pl.BlockSpec((3 * D, D), lambda i: (0, 0)),
            pl.BlockSpec((1, D), lambda i: (0, 0)),
        ],
        out_specs=pl.BlockSpec((R_BLK, D), lambda i: (i, 0)),
        out_shape=jax.ShapeDtypeStruct((N, D), jnp.float32),
    )(node, s, deg3, a2, W_edge, W_upd, bu)
    return out

# --- scband reference (transcript-rebuilt; emitter-appended) ---
"""Pipeline reference for scband-gnnlayer-7516192768729 (READ-ONLY COPY).

The authoritative reference and input builder live on the scoring server;
editing this copy changes nothing except your own understanding.
"""

import jax, jax.numpy as jnp
import numpy as np

EMBED_DIM = 128
N_NODES = 10000
N_EDGES = 320000


def setup_inputs(seed: int = 0) -> dict:
    key = jax.random.key(seed)
    ks = jax.random.split(key, 10)
    d = EMBED_DIM
    x = jax.random.normal(ks[0], (N_NODES, d), dtype=jnp.float32)
    edge_index = jax.random.randint(ks[1], (2, N_EDGES), 0, N_NODES, dtype=jnp.int64)
    # Linear layers (PyTorch convention: y = x @ W.T + b; here we store W already transposed)
    s1 = 1.0 / np.sqrt(d)
    s2 = 1.0 / np.sqrt(2 * d)
    s3 = 1.0 / np.sqrt(3 * d)
    W_node = jax.random.uniform(ks[2], (d, d), minval=-s1, maxval=s1, dtype=jnp.float32)
    b_node = jax.random.uniform(ks[3], (d,), minval=-s1, maxval=s1, dtype=jnp.float32)
    W_edge = jax.random.uniform(ks[4], (2 * d, d), minval=-s2, maxval=s2, dtype=jnp.float32)
    b_edge = jax.random.uniform(ks[5], (d,), minval=-s2, maxval=s2, dtype=jnp.float32)
    W_upd = jax.random.uniform(ks[6], (3 * d, d), minval=-s3, maxval=s3, dtype=jnp.float32)
    b_upd = jax.random.uniform(ks[7], (d,), minval=-s3, maxval=s3, dtype=jnp.float32)
    return {
        "input_embeddings": x,
        "edge_index": edge_index,
        "W_node": W_node, "b_node": b_node,
        "W_edge": W_edge, "b_edge": b_edge,
        "W_upd": W_upd, "b_upd": b_upd,
    }


def reference(input_embeddings, edge_index, W_node, b_node, W_edge, b_edge, W_upd, b_upd):
    d = EMBED_DIM
    num_vertices = input_embeddings.shape[0]
    src = edge_index[0]
    dst = edge_index[1]
    # node_weights linear
    node_embeddings = input_embeddings @ W_node + b_node
    # edge_weights linear on concatenated endpoint node embeddings (gather)
    edge_cat = jnp.concatenate([node_embeddings[src], node_embeddings[dst]], axis=1)
    edge_embeddings = edge_cat @ W_edge + b_edge
    # pre-gelu: slot 0 = node_embeddings, slot 1 = scatter-add of neighbor node embeddings,
    # slot 2 = scatter-add of edge embeddings (all accumulated at source node)
    agg_node = jnp.zeros((num_vertices, d), dtype=jnp.float32).at[src].add(node_embeddings[dst])
    agg_edge = jnp.zeros((num_vertices, d), dtype=jnp.float32).at[src].add(edge_embeddings)
    pre_gelu = jnp.concatenate([node_embeddings, agg_node, agg_edge], axis=1)
    gelu_embeddings = jax.nn.gelu(pre_gelu, approximate=False)
    out_embeddings = gelu_embeddings @ W_upd + b_upd
    return out_embeddings

if __name__ == "__main__":
    import jax
    _d = setup_inputs()
    print(jax.jit(kernel)(*tuple(_d.values())))

</pallas_src>

<mosaic_0001>
#map = affine_map<(d0, d1) -> (0, 0)>
#map1 = affine_map<(d0, d1) -> (0, 0, 0, 0, 0)>
#map2 = affine_map<(d0, d1) -> (0, 0, 0)>
module attributes {stable_mosaic.version = 14 : i64} {
  func.func @body(%arg0: i32, %arg1: i32, %arg2: memref<10000x128xf32, #tpu.memory_space<hbm>>, %arg3: memref<2x16x10x8x128xi32, #tpu.memory_space<hbm>>, %arg4: memref<2x16x10x8x128xi32, #tpu.memory_space<hbm>>, %arg5: memref<2x10240x128xf32, #tpu.memory_space<hbm>>, %arg6: memref<2x10240xf32, #tpu.memory_space<hbm>>, %arg7: memref<2x8x128xi32, #tpu.memory_space<vmem>>, %arg8: memref<2x8x128xi32, #tpu.memory_space<vmem>>, %arg9: memref<2x128x128xf32, #tpu.memory_space<vmem>>, %arg10: memref<128xf32, #tpu.memory_space<vmem>>, %arg11: memref<640xf32, #tpu.memory_space<vmem>>, %arg12: memref<10240x128xf32, #tpu.memory_space<vmem_shared>>, %arg13: memref<10240xf32, #tpu.memory_space<vmem_shared>>, %arg14: memref<!tpu.dma_semaphore, #tpu.memory_space<semaphore_mem>>, %arg15: memref<!tpu.dma_semaphore, #tpu.memory_space<semaphore_mem>>, %arg16: memref<!tpu.dma_semaphore, #tpu.memory_space<semaphore_mem>>, %arg17: memref<!tpu.dma_semaphore, #tpu.memory_space<semaphore_mem>>) attributes {dimension_semantics = [#tpu.dimension_semantics<core_parallel>, #tpu.dimension_semantics<subcore_parallel>], iteration_bounds = array<i64: 2, 16>, scalar_prefetch = 0 : i64, scratch_operands = 11 : i64, tpu.core_type = #tpu.core_type<sc_vector_subcore>, window_params = [{transform_indices = #map}, {transform_indices = #map1}, {transform_indices = #map1}, {transform_indices = #map2}, {transform_indices = #map}]} {
    %mul3A = arith.constant 640 : i32
    %mul3A_0 = arith.muli %arg1, %mul3A : i32
    %broadcast_in_dim3A = arith.constant 0.000000e+00 : f32
    %broadcast_in_dim3A_1 = vector.broadcast %broadcast_in_dim3A : f32 to vector<16xf32>
    %broadcast_in_dim3A_2 = arith.constant 1.000000e+00 : f32
    %broadcast_in_dim3A_3 = vector.broadcast %broadcast_in_dim3A_2 : f32 to vector<16xf32>
    %scan3A = arith.constant 0 : i32
    %scan3A_4 = arith.constant 0 : i32
    %scan3A_5 = arith.constant 8 : i32
    %scan3A_6 = arith.addi %scan3A_4, %scan3A_5 : i32
    %scan3A_7 = arith.constant 1 : i32
    scf.for %scan3A_94 = %scan3A_4 to %scan3A_6 step %scan3A_7  : i32 {
      %mul3A_95 = arith.constant 16 : i32
      %mul3A_96 = arith.muli %scan3A_94, %mul3A_95 : i32
      %swap3A = arith.index_cast %mul3A_96 : i32 to index
      %swap3A_97 = tpu.vector_load %arg10[%swap3A] {strides = array<i32>} : memref<128xf32, #tpu.memory_space<vmem>>, vector<16xf32>,
      tpu.vector_store %arg10[%swap3A], %broadcast_in_dim3A_3 {strides = array<i32>} : memref<128xf32, #tpu.memory_space<vmem>>, vector<16xf32>,
    }
    %scan3A_8 = arith.constant 8 : i32
    %scan3A_9 = arith.constant 0 : i32
    %scan3A_10 = arith.constant 0 : i32
    %scan3A_11 = arith.constant 40 : i32
    %scan3A_12 = arith.addi %scan3A_10, %scan3A_11 : i32
    %scan3A_13 = arith.constant 1 : i32
    scf.for %scan3A_94 = %scan3A_10 to %scan3A_12 step %scan3A_13  : i32 {
      %mul3A_95 = arith.constant 16 : i32
      %mul3A_96 = arith.muli %scan3A_94, %mul3A_95 : i32
      %swap3A = arith.index_cast %mul3A_96 : i32 to index
      %swap3A_97 = tpu.vector_load %arg11[%swap3A] {strides = array<i32>} : memref<640xf32, #tpu.memory_space<vmem>>, vector<16xf32>,
      tpu.vector_store %arg11[%swap3A], %broadcast_in_dim3A_1 {strides = array<i32>} : memref<640xf32, #tpu.memory_space<vmem>>, vector<16xf32>,
    }
    %scan3A_14 = arith.constant 40 : i32
    %scan3A_15 = arith.constant 0 : i32
    %scan3A_16 = arith.constant 0 : i32
    %scan3A_17 = arith.constant 128 : i32
    %scan3A_18 = arith.addi %scan3A_16, %scan3A_17 : i32
    %scan3A_19 = arith.constant 1 : i32
    scf.for %scan3A_94 = %scan3A_16 to %scan3A_18 step %scan3A_19  : i32 {
      %swap3A = arith.constant 0 : i32
      %swap3A_95 = arith.index_cast %swap3A : i32 to index
      %swap3A_96 = arith.index_cast %scan3A_94 : i32 to index
      %swap3A_97 = arith.constant 0 : index
      %swap3A_98 = tpu.vector_load %arg9[%swap3A_95, %swap3A_96, %swap3A_97] {strides = array<i32>} : memref<2x128x128xf32, #tpu.memory_space<vmem>>, vector<16xf32>,
      tpu.vector_store %arg9[%swap3A_95, %swap3A_96, %swap3A_97], %broadcast_in_dim3A_1 {strides = array<i32>} : memref<2x128x128xf32, #tpu.memory_space<vmem>>, vector<16xf32>,
      %swap3A_99 = arith.constant 0 : i32
      %swap3A_100 = arith.index_cast %swap3A_99 : i32 to index
      %swap3A_101 = arith.index_cast %scan3A_94 : i32 to index
      %swap3A_102 = arith.constant 16 : index
      %swap3A_103 = tpu.vector_load %arg9[%swap3A_100, %swap3A_101, %swap3A_102] {strides = array<i32>} : memref<2x128x128xf32, #tpu.memory_space<vmem>>, vector<16xf32>,
      tpu.vector_store %arg9[%swap3A_100, %swap3A_101, %swap3A_102], %broadcast_in_dim3A_1 {strides = array<i32>} : memref<2x128x128xf32, #tpu.memory_space<vmem>>, vector<16xf32>,
      %swap3A_104 = arith.constant 0 : i32
      %swap3A_105 = arith.index_cast %swap3A_104 : i32 to index
      %swap3A_106 = arith.index_cast %scan3A_94 : i32 to index
      %swap3A_107 = arith.constant 32 : index
      %swap3A_108 = tpu.vector_load %arg9[%swap3A_105, %swap3A_106, %swap3A_107] {strides = array<i32>} : memref<2x128x128xf32, #tpu.memory_space<vmem>>, vector<16xf32>,
      tpu.vector_store %arg9[%swap3A_105, %swap3A_106, %swap3A_107], %broadcast_in_dim3A_1 {strides = array<i32>} : memref<2x128x128xf32, #tpu.memory_space<vmem>>, vector<16xf32>,
      %swap3A_109 = arith.constant 0 : i32
      %swap3A_110 = arith.index_cast %swap3A_109 : i32 to index
      %swap3A_111 = arith.index_cast %scan3A_94 : i32 to index
      %swap3A_112 = arith.constant 48 : index
      %swap3A_113 = tpu.vector_load %arg9[%swap3A_110, %swap3A_111, %swap3A_112] {strides = array<i32>} : memref<2x128x128xf32, #tpu.memory_space<vmem>>, vector<16xf32>,
      tpu.vector_store %arg9[%swap3A_110, %swap3A_111, %swap3A_112], %broadcast_in_dim3A_1 {strides = array<i32>} : memref<2x128x128xf32, #tpu.memory_space<vmem>>, vector<16xf32>,
      %swap3A_114 = arith.constant 0 : i32
      %swap3A_115 = arith.index_cast %swap3A_114 : i32 to index
      %swap3A_116 = arith.index_cast %scan3A_94 : i32 to index
      %swap3A_117 = arith.constant 64 : index
      %swap3A_118 = tpu.vector_load %arg9[%swap3A_115, %swap3A_116, %swap3A_117] {strides = array<i32>} : memref<2x128x128xf32, #tpu.memory_space<vmem>>, vector<16xf32>,
      tpu.vector_store %arg9[%swap3A_115, %swap3A_116, %swap3A_117], %broadcast_in_dim3A_1 {strides = array<i32>} : memref<2x128x128xf32, #tpu.memory_space<vmem>>, vector<16xf32>,
      %swap3A_119 = arith.constant 0 : i32
      %swap3A_120 = arith.index_cast %swap3A_119 : i32 to index
      %swap3A_121 = arith.index_cast %scan3A_94 : i32 to index
      %swap3A_122 = arith.constant 80 : index
      %swap3A_123 = tpu.vector_load %arg9[%swap3A_120, %swap3A_121, %swap3A_122] {strides = array<i32>} : memref<2x128x128xf32, #tpu.memory_space<vmem>>, vector<16xf32>,
      tpu.vector_store %arg9[%swap3A_120, %swap3A_121, %swap3A_122], %broadcast_in_dim3A_1 {strides = array<i32>} : memref<2x128x128xf32, #tpu.memory_space<vmem>>, vector<16xf32>,
      %swap3A_124 = arith.constant 0 : i32
      %swap3A_125 = arith.index_cast %swap3A_124 : i32 to index
      %swap3A_126 = arith.index_cast %scan3A_94 : i32 to index
      %swap3A_127 = arith.constant 96 : index
      %swap3A_128 = tpu.vector_load %arg9[%swap3A_125, %swap3A_126, %swap3A_127] {strides = array<i32>} : memref<2x128x128xf32, #tpu.memory_space<vmem>>, vector<16xf32>,
      tpu.vector_store %arg9[%swap3A_125, %swap3A_126, %swap3A_127], %broadcast_in_dim3A_1 {strides = array<i32>} : memref<2x128x128xf32, #tpu.memory_space<vmem>>, vector<16xf32>,
      %swap3A_129 = arith.constant 0 : i32
      %swap3A_130 = arith.index_cast %swap3A_129 : i32 to index
      %swap3A_131 = arith.index_cast %scan3A_94 : i32 to index
      %swap3A_132 = arith.constant 112 : index
      %swap3A_133 = tpu.vector_load %arg9[%swap3A_130, %swap3A_131, %swap3A_132] {strides = array<i32>} : memref<2x128x128xf32, #tpu.memory_space<vmem>>, vector<16xf32>,
      tpu.vector_store %arg9[%swap3A_130, %swap3A_131, %swap3A_132], %broadcast_in_dim3A_1 {strides = array<i32>} : memref<2x128x128xf32, #tpu.memory_space<vmem>>, vector<16xf32>,
    }
    %scan3A_20 = arith.constant 128 : i32
    %add3A = arith.constant 0 : i32
    %add3A_21 = arith.addi %mul3A_0, %add3A : i32
    %run_scoped3A = arith.constant 0 : i32
    "tpu.region"() ({
      %run_scoped3A_94 = tpu.sem_alloc : memref<!tpu.dma_semaphore, #tpu.memory_space<semaphore_mem>>
      %dma_start3A_95 = arith.constant 0 : i32
      %dma_start3A_96 = arith.constant 0 : i32
      %dma_start3A_97 = tpu.memref_slice %arg9[%run_scoped3A, %dma_start3A_95, %dma_start3A_96] : memref<2x128x128xf32, #tpu.memory_space<vmem>> -> memref<1x128x128xf32, #tpu.memory_space<vmem>>
      %dma_start3A_98 = tpu.memref_squeeze %dma_start3A_97 : memref<1x128x128xf32, #tpu.memory_space<vmem>> -> memref<128x128xf32, #tpu.memory_space<vmem>>
      %dma_start3A_99 = arith.constant 0 : i32
      %dma_start3A_100 = tpu.memref_slice %arg12[%add3A_21, %dma_start3A_99] : memref<10240x128xf32, #tpu.memory_space<vmem_shared>> -> memref<128x128xf32, #tpu.memory_space<vmem_shared>>
      %dma_start3A_101 = arith.constant 0 : i32
      %dma_start3A_102 = tpu.memref_slice %arg12[%add3A_21, %dma_start3A_101] : memref<10240x128xf32, #tpu.memory_space<vmem_shared>> -> memref<128x128xf32, #tpu.memory_space<vmem_shared>>
      %dma_start3A_103 = arith.constant 0 : i32
      %dma_start3A_104 = arith.constant 0 : i32
      %dma_start3A_105 = tpu.memref_slice %arg9[%run_scoped3A, %dma_start3A_103, %dma_start3A_104] : memref<2x128x128xf32, #tpu.memory_space<vmem>> -> memref<1x128x128xf32, #tpu.memory_space<vmem>>
      %dma_start3A_106 = tpu.memref_squeeze %dma_start3A_105 : memref<1x128x128xf32, #tpu.memory_space<vmem>> -> memref<128x128xf32, #tpu.memory_space<vmem>>
      tpu.enqueue_dma source(%dma_start3A_106 : memref<128x128xf32, #tpu.memory_space<vmem>>) target(%dma_start3A_102 : memref<128x128xf32, #tpu.memory_space<vmem_shared>>) target_semaphore(%run_scoped3A_94 : memref<!tpu.dma_semaphore, #tpu.memory_space<semaphore_mem>>)
      %dma_wait3A_107 = arith.constant 0 : i32
      %dma_wait3A_108 = arith.constant 0 : i32
      %dma_wait3A_109 = tpu.memref_slice %arg9[%run_scoped3A, %dma_wait3A_107, %dma_wait3A_108] : memref<2x128x128xf32, #tpu.memory_space<vmem>> -> memref<1x128x128xf32, #tpu.memory_space<vmem>>
      %dma_wait3A_110 = tpu.memref_squeeze %dma_wait3A_109 : memref<1x128x128xf32, #tpu.memory_space<vmem>> -> memref<128x128xf32, #tpu.memory_space<vmem>>
      %dma_wait3A_111 = arith.constant 0 : i32
      %dma_wait3A_112 = tpu.memref_slice %arg12[%add3A_21, %dma_wait3A_111] : memref<10240x128xf32, #tpu.memory_space<vmem_shared>> -> memref<128x128xf32, #tpu.memory_space<vmem_shared>>
      %dma_wait3A_113 = arith.constant 0 : i32
      %dma_wait3A_114 = tpu.memref_slice %arg12[%add3A_21, %dma_wait3A_113] : memref<10240x128xf32, #tpu.memory_space<vmem_shared>> -> memref<128x128xf32, #tpu.memory_space<vmem_shared>>
      %dma_wait3A_115 = arith.constant 0 : i32
      %dma_wait3A_116 = arith.constant 0 : i32
      %dma_wait3A_117 = tpu.memref_slice %arg9[%run_scoped3A, %dma_wait3A_115, %dma_wait3A_116] : memref<2x128x128xf32, #tpu.memory_space<vmem>> -> memref<1x128x128xf32, #tpu.memory_space<vmem>>
      %dma_wait3A_118 = tpu.memref_squeeze %dma_wait3A_117 : memref<1x128x128xf32, #tpu.memory_space<vmem>> -> memref<128x128xf32, #tpu.memory_space<vmem>>
      tpu.wait_dma2 semaphore(%run_scoped3A_94 : memref<!tpu.dma_semaphore, #tpu.memory_space<semaphore_mem>>) src(%dma_wait3A_118 : memref<128x128xf32, #tpu.memory_space<vmem>>) dst(%dma_wait3A_114 : memref<128x128xf32, #tpu.memory_space<vmem_shared>>)
      tpu.yield
    }) : () -> ()
    %add3A_22 = arith.constant 128 : i32
    %add3A_23 = arith.addi %mul3A_0, %add3A_22 : i32
    %run_scoped3A_24 = arith.constant 0 : i32
    "tpu.region"() ({
      %run_scoped3A_94 = tpu.sem_alloc : memref<!tpu.dma_semaphore, #tpu.memory_space<semaphore_mem>>
      %dma_start3A_95 = arith.constant 0 : i32
      %dma_start3A_96 = arith.constant 0 : i32
      %dma_start3A_97 = tpu.memref_slice %arg9[%run_scoped3A_24, %dma_start3A_95, %dma_start3A_96] : memref<2x128x128xf32, #tpu.memory_space<vmem>> -> memref<1x128x128xf32, #tpu.memory_space<vmem>>
      %dma_start3A_98 = tpu.memref_squeeze %dma_start3A_97 : memref<1x128x128xf32, #tpu.memory_space<vmem>> -> memref<128x128xf32, #tpu.memory_space<vmem>>
      %dma_start3A_99 = arith.constant 0 : i32
      %dma_start3A_100 = tpu.memref_slice %arg12[%add3A_23, %dma_start3A_99] : memref<10240x128xf32, #tpu.memory_space<vmem_shared>> -> memref<128x128xf32, #tpu.memory_space<vmem_shared>>
      %dma_start3A_101 = arith.constant 0 : i32
      %dma_start3A_102 = tpu.memref_slice %arg12[%add3A_23, %dma_start3A_101] : memref<10240x128xf32, #tpu.memory_space<vmem_shared>> -> memref<128x128xf32, #tpu.memory_space<vmem_shared>>
      %dma_start3A_103 = arith.constant 0 : i32
      %dma_start3A_104 = arith.constant 0 : i32
      %dma_start3A_105 = tpu.memref_slice %arg9[%run_scoped3A_24, %dma_start3A_103, %dma_start3A_104] : memref<2x128x128xf32, #tpu.memory_space<vmem>> -> memref<1x128x128xf32, #tpu.memory_space<vmem>>
      %dma_start3A_106 = tpu.memref_squeeze %dma_start3A_105 : memref<1x128x128xf32, #tpu.memory_space<vmem>> -> memref<128x128xf32, #tpu.memory_space<vmem>>
      tpu.enqueue_dma source(%dma_start3A_106 : memref<128x128xf32, #tpu.memory_space<vmem>>) target(%dma_start3A_102 : memref<128x128xf32, #tpu.memory_space<vmem_shared>>) target_semaphore(%run_scoped3A_94 : memref<!tpu.dma_semaphore, #tpu.memory_space<semaphore_mem>>)
      %dma_wait3A_107 = arith.constant 0 : i32
      %dma_wait3A_108 = arith.constant 0 : i32
      %dma_wait3A_109 = tpu.memref_slice %arg9[%run_scoped3A_24, %dma_wait3A_107, %dma_wait3A_108] : memref<2x128x128xf32, #tpu.memory_space<vmem>> -> memref<1x128x128xf32, #tpu.memory_space<vmem>>
      %dma_wait3A_110 = tpu.memref_squeeze %dma_wait3A_109 : memref<1x128x128xf32, #tpu.memory_space<vmem>> -> memref<128x128xf32, #tpu.memory_space<vmem>>
      %dma_wait3A_111 = arith.constant 0 : i32
      %dma_wait3A_112 = tpu.memref_slice %arg12[%add3A_23, %dma_wait3A_111] : memref<10240x128xf32, #tpu.memory_space<vmem_shared>> -> memref<128x128xf32, #tpu.memory_space<vmem_shared>>
      %dma_wait3A_113 = arith.constant 0 : i32
      %dma_wait3A_114 = tpu.memref_slice %arg12[%add3A_23, %dma_wait3A_113] : memref<10240x128xf32, #tpu.memory_space<vmem_shared>> -> memref<128x128xf32, #tpu.memory_space<vmem_shared>>
      %dma_wait3A_115 = arith.constant 0 : i32
      %dma_wait3A_116 = arith.constant 0 : i32
      %dma_wait3A_117 = tpu.memref_slice %arg9[%run_scoped3A_24, %dma_wait3A_115, %dma_wait3A_116] : memref<2x128x128xf32, #tpu.memory_space<vmem>> -> memref<1x128x128xf32, #tpu.memory_space<vmem>>
      %dma_wait3A_118 = tpu.memref_squeeze %dma_wait3A_117 : memref<1x128x128xf32, #tpu.memory_space<vmem>> -> memref<128x128xf32, #tpu.memory_space<vmem>>
      tpu.wait_dma2 semaphore(%run_scoped3A_94 : memref<!tpu.dma_semaphore, #tpu.memory_space<semaphore_mem>>) src(%dma_wait3A_118 : memref<128x128xf32, #tpu.memory_space<vmem>>) dst(%dma_wait3A_114 : memref<128x128xf32, #tpu.memory_space<vmem_shared>>)
      tpu.yield
    }) : () -> ()
    %add3A_25 = arith.constant 256 : i32
    %add3A_26 = arith.addi %mul3A_0, %add3A_25 : i32
    %run_scoped3A_27 = arith.constant 0 : i32
    "tpu.region"() ({
      %run_scoped3A_94 = tpu.sem_alloc : memref<!tpu.dma_semaphore, #tpu.memory_space<semaphore_mem>>
      %dma_start3A_95 = arith.constant 0 : i32
      %dma_start3A_96 = arith.constant 0 : i32
      %dma_start3A_97 = tpu.memref_slice %arg9[%run_scoped3A_27, %dma_start3A_95, %dma_start3A_96] : memref<2x128x128xf32, #tpu.memory_space<vmem>> -> memref<1x128x128xf32, #tpu.memory_space<vmem>>
      %dma_start3A_98 = tpu.memref_squeeze %dma_start3A_97 : memref<1x128x128xf32, #tpu.memory_space<vmem>> -> memref<128x128xf32, #tpu.memory_space<vmem>>
      %dma_start3A_99 = arith.constant 0 : i32
      %dma_start3A_100 = tpu.memref_slice %arg12[%add3A_26, %dma_start3A_99] : memref<10240x128xf32, #tpu.memory_space<vmem_shared>> -> memref<128x128xf32, #tpu.memory_space<vmem_shared>>
      %dma_start3A_101 = arith.constant 0 : i32
      %dma_start3A_102 = tpu.memref_slice %arg12[%add3A_26, %dma_start3A_101] : memref<10240x128xf32, #tpu.memory_space<vmem_shared>> -> memref<128x128xf32, #tpu.memory_space<vmem_shared>>
      %dma_start3A_103 = arith.constant 0 : i32
      %dma_start3A_104 = arith.constant 0 : i32
      %dma_start3A_105 = tpu.memref_slice %arg9[%run_scoped3A_27, %dma_start3A_103, %dma_start3A_104] : memref<2x128x128xf32, #tpu.memory_space<vmem>> -> memref<1x128x128xf32, #tpu.memory_space<vmem>>
      %dma_start3A_106 = tpu.memref_squeeze %dma_start3A_105 : memref<1x128x128xf32, #tpu.memory_space<vmem>> -> memref<128x128xf32, #tpu.memory_space<vmem>>
      tpu.enqueue_dma source(%dma_start3A_106 : memref<128x128xf32, #tpu.memory_space<vmem>>) target(%dma_start3A_102 : memref<128x128xf32, #tpu.memory_space<vmem_shared>>) target_semaphore(%run_scoped3A_94 : memref<!tpu.dma_semaphore, #tpu.memory_space<semaphore_mem>>)
      %dma_wait3A_107 = arith.constant 0 : i32
      %dma_wait3A_108 = arith.constant 0 : i32
      %dma_wait3A_109 = tpu.memref_slice %arg9[%run_scoped3A_27, %dma_wait3A_107, %dma_wait3A_108] : memref<2x128x128xf32, #tpu.memory_space<vmem>> -> memref<1x128x128xf32, #tpu.memory_space<vmem>>
      %dma_wait3A_110 = tpu.memref_squeeze %dma_wait3A_109 : memref<1x128x128xf32, #tpu.memory_space<vmem>> -> memref<128x128xf32, #tpu.memory_space<vmem>>
      %dma_wait3A_111 = arith.constant 0 : i32
      %dma_wait3A_112 = tpu.memref_slice %arg12[%add3A_26, %dma_wait3A_111] : memref<10240x128xf32, #tpu.memory_space<vmem_shared>> -> memref<128x128xf32, #tpu.memory_space<vmem_shared>>
      %dma_wait3A_113 = arith.constant 0 : i32
      %dma_wait3A_114 = tpu.memref_slice %arg12[%add3A_26, %dma_wait3A_113] : memref<10240x128xf32, #tpu.memory_space<vmem_shared>> -> memref<128x128xf32, #tpu.memory_space<vmem_shared>>
      %dma_wait3A_115 = arith.constant 0 : i32
      %dma_wait3A_116 = arith.constant 0 : i32
      %dma_wait3A_117 = tpu.memref_slice %arg9[%run_scoped3A_27, %dma_wait3A_115, %dma_wait3A_116] : memref<2x128x128xf32, #tpu.memory_space<vmem>> -> memref<1x128x128xf32, #tpu.memory_space<vmem>>
      %dma_wait3A_118 = tpu.memref_squeeze %dma_wait3A_117 : memref<1x128x128xf32, #tpu.memory_space<vmem>> -> memref<128x128xf32, #tpu.memory_space<vmem>>
      tpu.wait_dma2 semaphore(%run_scoped3A_94 : memref<!tpu.dma_semaphore, #tpu.memory_space<semaphore_mem>>) src(%dma_wait3A_118 : memref<128x128xf32, #tpu.memory_space<vmem>>) dst(%dma_wait3A_114 : memref<128x128xf32, #tpu.memory_space<vmem_shared>>)
      tpu.yield
    }) : () -> ()
    %add3A_28 = arith.constant 384 : i32
    %add3A_29 = arith.addi %mul3A_0, %add3A_28 : i32
    %run_scoped3A_30 = arith.constant 0 : i32
    "tpu.region"() ({
      %run_scoped3A_94 = tpu.sem_alloc : memref<!tpu.dma_semaphore, #tpu.memory_space<semaphore_mem>>
      %dma_start3A_95 = arith.constant 0 : i32
      %dma_start3A_96 = arith.constant 0 : i32
      %dma_start3A_97 = tpu.memref_slice %arg9[%run_scoped3A_30, %dma_start3A_95, %dma_start3A_96] : memref<2x128x128xf32, #tpu.memory_space<vmem>> -> memref<1x128x128xf32, #tpu.memory_space<vmem>>
      %dma_start3A_98 = tpu.memref_squeeze %dma_start3A_97 : memref<1x128x128xf32, #tpu.memory_space<vmem>> -> memref<128x128xf32, #tpu.memory_space<vmem>>
      %dma_start3A_99 = arith.constant 0 : i32
      %dma_start3A_100 = tpu.memref_slice %arg12[%add3A_29, %dma_start3A_99] : memref<10240x128xf32, #tpu.memory_space<vmem_shared>> -> memref<128x128xf32, #tpu.memory_space<vmem_shared>>
      %dma_start3A_101 = arith.constant 0 : i32
      %dma_start3A_102 = tpu.memref_slice %arg12[%add3A_29, %dma_start3A_101] : memref<10240x128xf32, #tpu.memory_space<vmem_shared>> -> memref<128x128xf32, #tpu.memory_space<vmem_shared>>
      %dma_start3A_103 = arith.constant 0 : i32
      %dma_start3A_104 = arith.constant 0 : i32
      %dma_start3A_105 = tpu.memref_slice %arg9[%run_scoped3A_30, %dma_start3A_103, %dma_start3A_104] : memref<2x128x128xf32, #tpu.memory_space<vmem>> -> memref<1x128x128xf32, #tpu.memory_space<vmem>>
      %dma_start3A_106 = tpu.memref_squeeze %dma_start3A_105 : memref<1x128x128xf32, #tpu.memory_space<vmem>> -> memref<128x128xf32, #tpu.memory_space<vmem>>
      tpu.enqueue_dma source(%dma_start3A_106 : memref<128x128xf32, #tpu.memory_space<vmem>>) target(%dma_start3A_102 : memref<128x128xf32, #tpu.memory_space<vmem_shared>>) target_semaphore(%run_scoped3A_94 : memref<!tpu.dma_semaphore, #tpu.memory_space<semaphore_mem>>)
      %dma_wait3A_107 = arith.constant 0 : i32
      %dma_wait3A_108 = arith.constant 0 : i32
      %dma_wait3A_109 = tpu.memref_slice %arg9[%run_scoped3A_30, %dma_wait3A_107, %dma_wait3A_108] : memref<2x128x128xf32, #tpu.memory_space<vmem>> -> memref<1x128x128xf32, #tpu.memory_space<vmem>>
      %dma_wait3A_110 = tpu.memref_squeeze %dma_wait3A_109 : memref<1x128x128xf32, #tpu.memory_space<vmem>> -> memref<128x128xf32, #tpu.memory_space<vmem>>
      %dma_wait3A_111 = arith.constant 0 : i32
      %dma_wait3A_112 = tpu.memref_slice %arg12[%add3A_29, %dma_wait3A_111] : memref<10240x128xf32, #tpu.memory_space<vmem_shared>> -> memref<128x128xf32, #tpu.memory_space<vmem_shared>>
      %dma_wait3A_113 = arith.constant 0 : i32
      %dma_wait3A_114 = tpu.memref_slice %arg12[%add3A_29, %dma_wait3A_113] : memref<10240x128xf32, #tpu.memory_space<vmem_shared>> -> memref<128x128xf32, #tpu.memory_space<vmem_shared>>
      %dma_wait3A_115 = arith.constant 0 : i32
      %dma_wait3A_116 = arith.constant 0 : i32
      %dma_wait3A_117 = tpu.memref_slice %arg9[%run_scoped3A_30, %dma_wait3A_115, %dma_wait3A_116] : memref<2x128x128xf32, #tpu.memory_space<vmem>> -> memref<1x128x128xf32, #tpu.memory_space<vmem>>
      %dma_wait3A_118 = tpu.memref_squeeze %dma_wait3A_117 : memref<1x128x128xf32, #tpu.memory_space<vmem>> -> memref<128x128xf32, #tpu.memory_space<vmem>>
      tpu.wait_dma2 semaphore(%run_scoped3A_94 : memref<!tpu.dma_semaphore, #tpu.memory_space<semaphore_mem>>) src(%dma_wait3A_118 : memref<128x128xf32, #tpu.memory_space<vmem>>) dst(%dma_wait3A_114 : memref<128x128xf32, #tpu.memory_space<vmem_shared>>)
      tpu.yield
    }) : () -> ()
    %add3A_31 = arith.constant 512 : i32
    %add3A_32 = arith.addi %mul3A_0, %add3A_31 : i32
    %run_scoped3A_33 = arith.constant 0 : i32
    "tpu.region"() ({
      %run_scoped3A_94 = tpu.sem_alloc : memref<!tpu.dma_semaphore, #tpu.memory_space<semaphore_mem>>
      %dma_start3A_95 = arith.constant 0 : i32
      %dma_start3A_96 = arith.constant 0 : i32
      %dma_start3A_97 = tpu.memref_slice %arg9[%run_scoped3A_33, %dma_start3A_95, %dma_start3A_96] : memref<2x128x128xf32, #tpu.memory_space<vmem>> -> memref<1x128x128xf32, #tpu.memory_space<vmem>>
      %dma_start3A_98 = tpu.memref_squeeze %dma_start3A_97 : memref<1x128x128xf32, #tpu.memory_space<vmem>> -> memref<128x128xf32, #tpu.memory_space<vmem>>
      %dma_start3A_99 = arith.constant 0 : i32
      %dma_start3A_100 = tpu.memref_slice %arg12[%add3A_32, %dma_start3A_99] : memref<10240x128xf32, #tpu.memory_space<vmem_shared>> -> memref<128x128xf32, #tpu.memory_space<vmem_shared>>
      %dma_start3A_101 = arith.constant 0 : i32
      %dma_start3A_102 = tpu.memref_slice %arg12[%add3A_32, %dma_start3A_101] : memref<10240x128xf32, #tpu.memory_space<vmem_shared>> -> memref<128x128xf32, #tpu.memory_space<vmem_shared>>
      %dma_start3A_103 = arith.constant 0 : i32
      %dma_start3A_104 = arith.constant 0 : i32
      %dma_start3A_105 = tpu.memref_slice %arg9[%run_scoped3A_33, %dma_start3A_103, %dma_start3A_104] : memref<2x128x128xf32, #tpu.memory_space<vmem>> -> memref<1x128x128xf32, #tpu.memory_space<vmem>>
      %dma_start3A_106 = tpu.memref_squeeze %dma_start3A_105 : memref<1x128x128xf32, #tpu.memory_space<vmem>> -> memref<128x128xf32, #tpu.memory_space<vmem>>
      tpu.enqueue_dma source(%dma_start3A_106 : memref<128x128xf32, #tpu.memory_space<vmem>>) target(%dma_start3A_102 : memref<128x128xf32, #tpu.memory_space<vmem_shared>>) target_semaphore(%run_scoped3A_94 : memref<!tpu.dma_semaphore, #tpu.memory_space<semaphore_mem>>)
      %dma_wait3A_107 = arith.constant 0 : i32
      %dma_wait3A_108 = arith.constant 0 : i32
      %dma_wait3A_109 = tpu.memref_slice %arg9[%run_scoped3A_33, %dma_wait3A_107, %dma_wait3A_108] : memref<2x128x128xf32, #tpu.memory_space<vmem>> -> memref<1x128x128xf32, #tpu.memory_space<vmem>>
      %dma_wait3A_110 = tpu.memref_squeeze %dma_wait3A_109 : memref<1x128x128xf32, #tpu.memory_space<vmem>> -> memref<128x128xf32, #tpu.memory_space<vmem>>
      %dma_wait3A_111 = arith.constant 0 : i32
      %dma_wait3A_112 = tpu.memref_slice %arg12[%add3A_32, %dma_wait3A_111] : memref<10240x128xf32, #tpu.memory_space<vmem_shared>> -> memref<128x128xf32, #tpu.memory_space<vmem_shared>>
      %dma_wait3A_113 = arith.constant 0 : i32
      %dma_wait3A_114 = tpu.memref_slice %arg12[%add3A_32, %dma_wait3A_113] : memref<10240x128xf32, #tpu.memory_space<vmem_shared>> -> memref<128x128xf32, #tpu.memory_space<vmem_shared>>
      %dma_wait3A_115 = arith.constant 0 : i32
      %dma_wait3A_116 = arith.constant 0 : i32
      %dma_wait3A_117 = tpu.memref_slice %arg9[%run_scoped3A_33, %dma_wait3A_115, %dma_wait3A_116] : memref<2x128x128xf32, #tpu.memory_space<vmem>> -> memref<1x128x128xf32, #tpu.memory_space<vmem>>
      %dma_wait3A_118 = tpu.memref_squeeze %dma_wait3A_117 : memref<1x128x128xf32, #tpu.memory_space<vmem>> -> memref<128x128xf32, #tpu.memory_space<vmem>>
      tpu.wait_dma2 semaphore(%run_scoped3A_94 : memref<!tpu.dma_semaphore, #tpu.memory_space<semaphore_mem>>) src(%dma_wait3A_118 : memref<128x128xf32, #tpu.memory_space<vmem>>) dst(%dma_wait3A_114 : memref<128x128xf32, #tpu.memory_space<vmem_shared>>)
      tpu.yield
    }) : () -> ()
    "tpu.region"() ({
      %run_scoped3A_94 = tpu.sem_alloc : memref<!tpu.dma_semaphore, #tpu.memory_space<semaphore_mem>>
      %dma_start3A_95 = tpu.memref_slice %arg13[%mul3A_0] : memref<10240xf32, #tpu.memory_space<vmem_shared>> -> memref<640xf32, #tpu.memory_space<vmem_shared>>
      %dma_start3A_96 = tpu.memref_slice %arg13[%mul3A_0] : memref<10240xf32, #tpu.memory_space<vmem_shared>> -> memref<640xf32, #tpu.memory_space<vmem_shared>>
      tpu.enqueue_dma source(%arg11 : memref<640xf32, #tpu.memory_space<vmem>>) target(%dma_start3A_96 : memref<640xf32, #tpu.memory_space<vmem_shared>>) target_semaphore(%run_scoped3A_94 : memref<!tpu.dma_semaphore, #tpu.memory_space<semaphore_mem>>)
      %dma_wait3A_97 = tpu.memref_slice %arg13[%mul3A_0] : memref<10240xf32, #tpu.memory_space<vmem_shared>> -> memref<640xf32, #tpu.memory_space<vmem_shared>>
      %dma_wait3A_98 = tpu.memref_slice %arg13[%mul3A_0] : memref<10240xf32, #tpu.memory_space<vmem_shared>> -> memref<640xf32, #tpu.memory_space<vmem_shared>>
      tpu.wait_dma2 semaphore(%run_scoped3A_94 : memref<!tpu.dma_semaphore, #tpu.memory_space<semaphore_mem>>) src(%arg11 : memref<640xf32, #tpu.memory_space<vmem>>) dst(%dma_wait3A_98 : memref<640xf32, #tpu.memory_space<vmem_shared>>)
      tpu.yield
    }) : () -> ()
    %run_scoped3A_34 = arith.constant 0 : i32
    %run_scoped3A_35 = arith.constant 0 : i32
    "tpu.region"() ({
      %run_scoped3A_94 = tpu.sem_alloc : memref<!tpu.dma_semaphore, #tpu.memory_space<semaphore_mem>>
      %dma_start3A_95 = arith.constant 0 : i32
      %dma_start3A_96 = arith.constant 0 : i32
      %dma_start3A_97 = tpu.memref_slice %arg7[%run_scoped3A_35, %dma_start3A_95, %dma_start3A_96] : memref<2x8x128xi32, #tpu.memory_space<vmem>> -> memref<1x8x128xi32, #tpu.memory_space<vmem>>
      %dma_start3A_98 = tpu.memref_squeeze %dma_start3A_97 : memref<1x8x128xi32, #tpu.memory_space<vmem>> -> memref<8x128xi32, #tpu.memory_space<vmem>>
      %dma_start3A_99 = arith.constant 0 : i32
      %dma_start3A_100 = arith.constant 0 : i32
      %dma_start3A_101 = tpu.memref_slice %arg3[%arg0, %arg1, %run_scoped3A_34, %dma_start3A_99, %dma_start3A_100] : memref<2x16x10x8x128xi32, #tpu.memory_space<hbm>> -> memref<1x1x1x8x128xi32, #tpu.memory_space<hbm>>
      %dma_start3A_102 = tpu.memref_squeeze %dma_start3A_101 : memref<1x1x1x8x128xi32, #tpu.memory_space<hbm>> -> memref<8x128xi32, #tpu.memory_space<hbm>>
      %dma_start3A_103 = arith.constant 0 : i32
      %dma_start3A_104 = arith.constant 0 : i32
      %dma_start3A_105 = tpu.memref_slice %arg7[%run_scoped3A_35, %dma_start3A_103, %dma_start3A_104] : memref<2x8x128xi32, #tpu.memory_space<vmem>> -> memref<1x8x128xi32, #tpu.memory_space<vmem>>
      %dma_start3A_106 = tpu.memref_squeeze %dma_start3A_105 : memref<1x8x128xi32, #tpu.memory_space<vmem>> -> memref<8x128xi32, #tpu.memory_space<vmem>>
      %dma_start3A_107 = arith.constant 0 : i32
      %dma_start3A_108 = arith.constant 0 : i32
      %dma_start3A_109 = tpu.memref_slice %arg3[%arg0, %arg1, %run_scoped3A_34, %dma_start3A_107, %dma_start3A_108] : memref<2x16x10x8x128xi32, #tpu.memory_space<hbm>> -> memref<1x1x1x8x128xi32, #tpu.memory_space<hbm>>
      %dma_start3A_110 = tpu.memref_squeeze %dma_start3A_109 : memref<1x1x1x8x128xi32, #tpu.memory_space<hbm>> -> memref<8x128xi32, #tpu.memory_space<hbm>>
      tpu.enqueue_dma source(%dma_start3A_110 : memref<8x128xi32, #tpu.memory_space<hbm>>) target(%dma_start3A_106 : memref<8x128xi32, #tpu.memory_space<vmem>>) target_semaphore(%run_scoped3A_94 : memref<!tpu.dma_semaphore, #tpu.memory_space<semaphore_mem>>)
      %dma_wait3A_111 = arith.constant 0 : i32
      %dma_wait3A_112 = arith.constant 0 : i32
      %dma_wait3A_113 = tpu.memref_slice %arg7[%run_scoped3A_35, %dma_wait3A_111, %dma_wait3A_112] : memref<2x8x128xi32, #tpu.memory_space<vmem>> -> memref<1x8x128xi32, #tpu.memory_space<vmem>>
      %dma_wait3A_114 = tpu.memref_squeeze %dma_wait3A_113 : memref<1x8x128xi32, #tpu.memory_space<vmem>> -> memref<8x128xi32, #tpu.memory_space<vmem>>
      %dma_wait3A_115 = arith.constant 0 : i32
      %dma_wait3A_116 = arith.constant 0 : i32
      %dma_wait3A_117 = tpu.memref_slice %arg3[%arg0, %arg1, %run_scoped3A_34, %dma_wait3A_115, %dma_wait3A_116] : memref<2x16x10x8x128xi32, #tpu.memory_space<hbm>> -> memref<1x1x1x8x128xi32, #tpu.memory_space<hbm>>
      %dma_wait3A_118 = tpu.memref_squeeze %dma_wait3A_117 : memref<1x1x1x8x128xi32, #tpu.memory_space<hbm>> -> memref<8x128xi32, #tpu.memory_space<hbm>>
      %dma_wait3A_119 = arith.constant 0 : i32
      %dma_wait3A_120 = arith.constant 0 : i32
      %dma_wait3A_121 = tpu.memref_slice %arg7[%run_scoped3A_35, %dma_wait3A_119, %dma_wait3A_120] : memref<2x8x128xi32, #tpu.memory_space<vmem>> -> memref<1x8x128xi32, #tpu.memory_space<vmem>>
      %dma_wait3A_122 = tpu.memref_squeeze %dma_wait3A_121 : memref<1x8x128xi32, #tpu.memory_space<vmem>> -> memref<8x128xi32, #tpu.memory_space<vmem>>
      %dma_wait3A_123 = arith.constant 0 : i32
      %dma_wait3A_124 = arith.constant 0 : i32
      %dma_wait3A_125 = tpu.memref_slice %arg3[%arg0, %arg1, %run_scoped3A_34, %dma_wait3A_123, %dma_wait3A_124] : memref<2x16x10x8x128xi32, #tpu.memory_space<hbm>> -> memref<1x1x1x8x128xi32, #tpu.memory_space<hbm>>
      %dma_wait3A_126 = tpu.memref_squeeze %dma_wait3A_125 : memref<1x1x1x8x128xi32, #tpu.memory_space<hbm>> -> memref<8x128xi32, #tpu.memory_space<hbm>>
      tpu.wait_dma2 semaphore(%run_scoped3A_94 : memref<!tpu.dma_semaphore, #tpu.memory_space<semaphore_mem>>) src(%dma_wait3A_126 : memref<8x128xi32, #tpu.memory_space<hbm>>) dst(%dma_wait3A_122 : memref<8x128xi32, #tpu.memory_space<vmem>>)
      tpu.yield
    }) : () -> ()
    %run_scoped3A_36 = arith.constant 0 : i32
    %run_scoped3A_37 = arith.constant 0 : i32
    "tpu.region"() ({
      %run_scoped3A_94 = tpu.sem_alloc : memref<!tpu.dma_semaphore, #tpu.memory_space<semaphore_mem>>
      %dma_start3A_95 = arith.constant 0 : i32
      %dma_start3A_96 = arith.constant 0 : i32
      %dma_start3A_97 = tpu.memref_slice %arg8[%run_scoped3A_37, %dma_start3A_95, %dma_start3A_96] : memref<2x8x128xi32, #tpu.memory_space<vmem>> -> memref<1x8x128xi32, #tpu.memory_space<vmem>>
      %dma_start3A_98 = tpu.memref_squeeze %dma_start3A_97 : memref<1x8x128xi32, #tpu.memory_space<vmem>> -> memref<8x128xi32, #tpu.memory_space<vmem>>
      %dma_start3A_99 = arith.constant 0 : i32
      %dma_start3A_100 = arith.constant 0 : i32
      %dma_start3A_101 = tpu.memref_slice %arg4[%arg0, %arg1, %run_scoped3A_36, %dma_start3A_99, %dma_start3A_100] : memref<2x16x10x8x128xi32, #tpu.memory_space<hbm>> -> memref<1x1x1x8x128xi32, #tpu.memory_space<hbm>>
      %dma_start3A_102 = tpu.memref_squeeze %dma_start3A_101 : memref<1x1x1x8x128xi32, #tpu.memory_space<hbm>> -> memref<8x128xi32, #tpu.memory_space<hbm>>
      %dma_start3A_103 = arith.constant 0 : i32
      %dma_start3A_104 = arith.constant 0 : i32
      %dma_start3A_105 = tpu.memref_slice %arg8[%run_scoped3A_37, %dma_start3A_103, %dma_start3A_104] : memref<2x8x128xi32, #tpu.memory_space<vmem>> -> memref<1x8x128xi32, #tpu.memory_space<vmem>>
      %dma_start3A_106 = tpu.memref_squeeze %dma_start3A_105 : memref<1x8x128xi32, #tpu.memory_space<vmem>> -> memref<8x128xi32, #tpu.memory_space<vmem>>
      %dma_start3A_107 = arith.constant 0 : i32
      %dma_start3A_108 = arith.constant 0 : i32
      %dma_start3A_109 = tpu.memref_slice %arg4[%arg0, %arg1, %run_scoped3A_36, %dma_start3A_107, %dma_start3A_108] : memref<2x16x10x8x128xi32, #tpu.memory_space<hbm>> -> memref<1x1x1x8x128xi32, #tpu.memory_space<hbm>>
      %dma_start3A_110 = tpu.memref_squeeze %dma_start3A_109 : memref<1x1x1x8x128xi32, #tpu.memory_space<hbm>> -> memref<8x128xi32, #tpu.memory_space<hbm>>
      tpu.enqueue_dma source(%dma_start3A_110 : memref<8x128xi32, #tpu.memory_space<hbm>>) target(%dma_start3A_106 : memref<8x128xi32, #tpu.memory_space<vmem>>) target_semaphore(%run_scoped3A_94 : memref<!tpu.dma_semaphore, #tpu.memory_space<semaphore_mem>>)
      %dma_wait3A_111 = arith.constant 0 : i32
      %dma_wait3A_112 = arith.constant 0 : i32
      %dma_wait3A_113 = tpu.memref_slice %arg8[%run_scoped3A_37, %dma_wait3A_111, %dma_wait3A_112] : memref<2x8x128xi32, #tpu.memory_space<vmem>> -> memref<1x8x128xi32, #tpu.memory_space<vmem>>
      %dma_wait3A_114 = tpu.memref_squeeze %dma_wait3A_113 : memref<1x8x128xi32, #tpu.memory_space<vmem>> -> memref<8x128xi32, #tpu.memory_space<vmem>>
      %dma_wait3A_115 = arith.constant 0 : i32
      %dma_wait3A_116 = arith.constant 0 : i32
      %dma_wait3A_117 = tpu.memref_slice %arg4[%arg0, %arg1, %run_scoped3A_36, %dma_wait3A_115, %dma_wait3A_116] : memref<2x16x10x8x128xi32, #tpu.memory_space<hbm>> -> memref<1x1x1x8x128xi32, #tpu.memory_space<hbm>>
      %dma_wait3A_118 = tpu.memref_squeeze %dma_wait3A_117 : memref<1x1x1x8x128xi32, #tpu.memory_space<hbm>> -> memref<8x128xi32, #tpu.memory_space<hbm>>
      %dma_wait3A_119 = arith.constant 0 : i32
      %dma_wait3A_120 = arith.constant 0 : i32
      %dma_wait3A_121 = tpu.memref_slice %arg8[%run_scoped3A_37, %dma_wait3A_119, %dma_wait3A_120] : memref<2x8x128xi32, #tpu.memory_space<vmem>> -> memref<1x8x128xi32, #tpu.memory_space<vmem>>
      %dma_wait3A_122 = tpu.memref_squeeze %dma_wait3A_121 : memref<1x8x128xi32, #tpu.memory_space<vmem>> -> memref<8x128xi32, #tpu.memory_space<vmem>>
      %dma_wait3A_123 = arith.constant 0 : i32
      %dma_wait3A_124 = arith.constant 0 : i32
      %dma_wait3A_125 = tpu.memref_slice %arg4[%arg0, %arg1, %run_scoped3A_36, %dma_wait3A_123, %dma_wait3A_124] : memref<2x16x10x8x128xi32, #tpu.memory_space<hbm>> -> memref<1x1x1x8x128xi32, #tpu.memory_space<hbm>>
      %dma_wait3A_126 = tpu.memref_squeeze %dma_wait3A_125 : memref<1x1x1x8x128xi32, #tpu.memory_space<hbm>> -> memref<8x128xi32, #tpu.memory_space<hbm>>
      tpu.wait_dma2 semaphore(%run_scoped3A_94 : memref<!tpu.dma_semaphore, #tpu.memory_space<semaphore_mem>>) src(%dma_wait3A_126 : memref<8x128xi32, #tpu.memory_space<hbm>>) dst(%dma_wait3A_122 : memref<8x128xi32, #tpu.memory_space<vmem>>)
      tpu.yield
    }) : () -> ()
    %barrier3A = arith.constant 0 : index
    tpu.barrier barrier_id(%barrier3A)
    %dma_start3A = arith.constant 0 : i32
    %dma_start3A_38 = arith.constant 0 : i32
    %dma_start3A_39 = arith.constant 0 : i32
    %dma_start3A_40 = arith.constant 0 : i32
    %dma_start3A_41 = arith.constant 0 : i32
    %dma_start3A_42 = tpu.memref_slice %arg9[%dma_start3A_39, %dma_start3A_40, %dma_start3A_41] : memref<2x128x128xf32, #tpu.memory_space<vmem>> -> memref<1x128x128xf32, #tpu.memory_space<vmem>>
    %dma_start3A_43 = tpu.memref_squeeze %dma_start3A_42 : memref<1x128x128xf32, #tpu.memory_space<vmem>> -> memref<128x128xf32, #tpu.memory_space<vmem>>
    %dma_start3A_44 = arith.constant 0 : i32
    %dma_start3A_45 = arith.constant 0 : i32
    %dma_start3A_46 = tpu.memref_slice %arg8[%dma_start3A, %dma_start3A_44, %dma_start3A_45] : memref<2x8x128xi32, #tpu.memory_space<vmem>> -> memref<1x8x128xi32, #tpu.memory_space<vmem>>
    %dma_start3A_47 = tpu.memref_squeeze %dma_start3A_46 : memref<1x8x128xi32, #tpu.memory_space<vmem>> -> memref<8x128xi32, #tpu.memory_space<vmem>>
    %dma_start3A_48 = arith.constant 0 : i32
    %dma_start3A_49 = tpu.memref_slice %dma_start3A_47[%dma_start3A_38, %dma_start3A_48] : memref<8x128xi32, #tpu.memory_space<vmem>> -> memref<1x128xi32, #tpu.memory_space<vmem>>
    %dma_start3A_50 = tpu.memref_squeeze %dma_start3A_49 : memref<1x128xi32, #tpu.memory_space<vmem>> -> memref<128xi32, #tpu.memory_space<vmem>>
    %dma_start3A_51 = arith.constant 0 : i32
    %dma_start3A_52 = arith.constant 0 : i32
    %dma_start3A_53 = tpu.memref_slice %arg2[%dma_start3A_51, %dma_start3A_52] : memref<10000x128xf32, #tpu.memory_space<hbm>> -> memref<10000x128xf32, #tpu.memory_space<hbm>>
    tpu.enqueue_indirect_dma source(%dma_start3A_53 : memref<10000x128xf32, #tpu.memory_space<hbm>>) target(%dma_start3A_43 : memref<128x128xf32, #tpu.memory_space<vmem>>) offsets(%dma_start3A_50 : memref<128xi32, #tpu.memory_space<vmem>>) semaphore(%arg14 : memref<!tpu.dma_semaphore, #tpu.memory_space<semaphore_mem>>)
    %scan3A_54 = arith.constant 0 : i32
    %scan3A_55 = arith.constant 0 : i32
    %scan3A_56 = arith.constant 10 : i32
    %scan3A_57 = arith.addi %scan3A_55, %scan3A_56 : i32
    %scan3A_58 = arith.constant 1 : i32
    scf.for %scan3A_94 = %scan3A_55 to %scan3A_57 step %scan3A_58  : i32 {
      %and3A_95 = arith.constant 1 : i32
      %and3A_96 = arith.andi %scan3A_94, %and3A_95 : i32
      %xor3A = arith.constant 1 : i32
      %xor3A_97 = arith.xori %and3A_96, %xor3A : i32
      %gt3A = arith.constant 0 : i32
      %gt3A_98 = arith.cmpi sgt, %scan3A_94, %gt3A : i32
      %convert_element_type3A = arith.extui %gt3A_98 : i1 to i32
      %cond3A = arith.constant 0 : i32
      %cond3A_99 = arith.cmpi ne, %convert_element_type3A, %cond3A : i32
      scf.if %cond3A_99 {
        %dma_wait3A_590 = arith.constant 1 : i32
        %dma_wait3A_591 = arith.constant 7 : i32
        %dma_wait3A_592 = arith.constant 0 : i32
        %dma_wait3A_593 = arith.constant 0 : i32
        %dma_wait3A_594 = tpu.memref_slice %arg9[%dma_wait3A_590, %dma_wait3A_592, %dma_wait3A_593] : memref<2x128x128xf32, #tpu.memory_space<vmem>> -> memref<1x128x128xf32, #tpu.memory_space<vmem>>
        %dma_wait3A_595 = tpu.memref_squeeze %dma_wait3A_594 : memref<1x128x128xf32, #tpu.memory_space<vmem>> -> memref<128x128xf32, #tpu.memory_space<vmem>>
        %dma_wait3A_596 = arith.constant 0 : i32
        %dma_wait3A_597 = arith.constant 0 : i32
        %dma_wait3A_598 = tpu.memref_slice %arg7[%xor3A_97, %dma_wait3A_596, %dma_wait3A_597] : memref<2x8x128xi32, #tpu.memory_space<vmem>> -> memref<1x8x128xi32, #tpu.memory_space<vmem>>
        %dma_wait3A_599 = tpu.memref_squeeze %dma_wait3A_598 : memref<1x8x128xi32, #tpu.memory_space<vmem>> -> memref<8x128xi32, #tpu.memory_space<vmem>>
        %dma_wait3A_600 = arith.constant 0 : i32
        %dma_wait3A_601 = tpu.memref_slice %dma_wait3A_599[%dma_wait3A_591, %dma_wait3A_600] : memref<8x128xi32, #tpu.memory_space<vmem>> -> memref<1x128xi32, #tpu.memory_space<vmem>>
        %dma_wait3A_602 = tpu.memref_squeeze %dma_wait3A_601 : memref<1x128xi32, #tpu.memory_space<vmem>> -> memref<128xi32, #tpu.memory_space<vmem>>
        %dma_wait3A_603 = arith.constant 0 : i32
        %dma_wait3A_604 = arith.constant 0 : i32
        %dma_wait3A_605 = tpu.memref_slice %arg12[%dma_wait3A_603, %dma_wait3A_604] : memref<10240x128xf32, #tpu.memory_space<vmem_shared>> -> memref<10240x128xf32, #tpu.memory_space<vmem_shared>>
        tpu.wait_indirect_dma semaphore(%arg17 : memref<!tpu.dma_semaphore, #tpu.memory_space<semaphore_mem>>) src(%dma_wait3A_595 : memref<128x128xf32, #tpu.memory_space<vmem>>) dst(%dma_wait3A_605 : memref<10240x128xf32, #tpu.memory_space<vmem_shared>>)
      } else {
      }
      %dma_start3A_100 = arith.constant 1 : i32
      %dma_start3A_101 = arith.constant 1 : i32
      %dma_start3A_102 = arith.constant 0 : i32
      %dma_start3A_103 = arith.constant 0 : i32
      %dma_start3A_104 = tpu.memref_slice %arg9[%dma_start3A_101, %dma_start3A_102, %dma_start3A_103] : memref<2x128x128xf32, #tpu.memory_space<vmem>> -> memref<1x128x128xf32, #tpu.memory_space<vmem>>
      %dma_start3A_105 = tpu.memref_squeeze %dma_start3A_104 : memref<1x128x128xf32, #tpu.memory_space<vmem>> -> memref<128x128xf32, #tpu.memory_space<vmem>>
      %dma_start3A_106 = arith.constant 0 : i32
      %dma_start3A_107 = arith.constant 0 : i32
      %dma_start3A_108 = tpu.memref_slice %arg8[%and3A_96, %dma_start3A_106, %dma_start3A_107] : memref<2x8x128xi32, #tpu.memory_space<vmem>> -> memref<1x8x128xi32, #tpu.memory_space<vmem>>
      %dma_start3A_109 = tpu.memref_squeeze %dma_start3A_108 : memref<1x8x128xi32, #tpu.memory_space<vmem>> -> memref<8x128xi32, #tpu.memory_space<vmem>>
      %dma_start3A_110 = arith.constant 0 : i32
      %dma_start3A_111 = tpu.memref_slice %dma_start3A_109[%dma_start3A_100, %dma_start3A_110] : memref<8x128xi32, #tpu.memory_space<vmem>> -> memref<1x128xi32, #tpu.memory_space<vmem>>
      %dma_start3A_112 = tpu.memref_squeeze %dma_start3A_111 : memref<1x128xi32, #tpu.memory_space<vmem>> -> memref<128xi32, #tpu.memory_space<vmem>>
      %dma_start3A_113 = arith.constant 0 : i32
      %dma_start3A_114 = arith.constant 0 : i32
      %dma_start3A_115 = tpu.memref_slice %arg2[%dma_start3A_113, %dma_start3A_114] : memref<10000x128xf32, #tpu.memory_space<hbm>> -> memref<10000x128xf32, #tpu.memory_space<hbm>>
      tpu.enqueue_indirect_dma source(%dma_start3A_115 : memref<10000x128xf32, #tpu.memory_space<hbm>>) target(%dma_start3A_105 : memref<128x128xf32, #tpu.memory_space<vmem>>) offsets(%dma_start3A_112 : memref<128xi32, #tpu.memory_space<vmem>>) semaphore(%arg14 : memref<!tpu.dma_semaphore, #tpu.memory_space<semaphore_mem>>)
      %dma_wait3A_116 = arith.constant 0 : i32
      %dma_wait3A_117 = arith.constant 0 : i32
      %dma_wait3A_118 = arith.constant 0 : i32
      %dma_wait3A_119 = arith.constant 0 : i32
      %dma_wait3A_120 = tpu.memref_slice %arg9[%dma_wait3A_117, %dma_wait3A_118, %dma_wait3A_119] : memref<2x128x128xf32, #tpu.memory_space<vmem>> -> memref<1x128x128xf32, #tpu.memory_space<vmem>>
      %dma_wait3A_121 = tpu.memref_squeeze %dma_wait3A_120 : memref<1x128x128xf32, #tpu.memory_space<vmem>> -> memref<128x128xf32, #tpu.memory_space<vmem>>
      %dma_wait3A_122 = arith.constant 0 : i32
      %dma_wait3A_123 = arith.constant 0 : i32
      %dma_wait3A_124 = tpu.memref_slice %arg8[%and3A_96, %dma_wait3A_122, %dma_wait3A_123] : memref<2x8x128xi32, #tpu.memory_space<vmem>> -> memref<1x8x128xi32, #tpu.memory_space<vmem>>
      %dma_wait3A_125 = tpu.memref_squeeze %dma_wait3A_124 : memref<1x8x128xi32, #tpu.memory_space<vmem>> -> memref<8x128xi32, #tpu.memory_space<vmem>>
      %dma_wait3A_126 = arith.constant 0 : i32
      %dma_wait3A_127 = tpu.memref_slice %dma_wait3A_125[%dma_wait3A_116, %dma_wait3A_126] : memref<8x128xi32, #tpu.memory_space<vmem>> -> memref<1x128xi32, #tpu.memory_space<vmem>>
      %dma_wait3A_128 = tpu.memref_squeeze %dma_wait3A_127 : memref<1x128xi32, #tpu.memory_space<vmem>> -> memref<128xi32, #tpu.memory_space<vmem>>
      %dma_wait3A_129 = arith.constant 0 : i32
      %dma_wait3A_130 = arith.constant 0 : i32
      %dma_wait3A_131 = tpu.memref_slice %arg2[%dma_wait3A_129, %dma_wait3A_130] : memref<10000x128xf32, #tpu.memory_space<hbm>> -> memref<10000x128xf32, #tpu.memory_space<hbm>>
      tpu.wait_indirect_dma semaphore(%arg14 : memref<!tpu.dma_semaphore, #tpu.memory_space<semaphore_mem>>) src(%dma_wait3A_131 : memref<10000x128xf32, #tpu.memory_space<hbm>>) dst(%dma_wait3A_121 : memref<128x128xf32, #tpu.memory_space<vmem>>)
      %dma_start3A_132 = arith.constant 0 : i32
      %dma_start3A_133 = arith.constant 0 : i32
      %dma_start3A_134 = arith.constant 0 : i32
      %dma_start3A_135 = arith.constant 0 : i32
      %dma_start3A_136 = tpu.memref_slice %arg9[%dma_start3A_132, %dma_start3A_134, %dma_start3A_135] : memref<2x128x128xf32, #tpu.memory_space<vmem>> -> memref<1x128x128xf32, #tpu.memory_space<vmem>>
      %dma_start3A_137 = tpu.memref_squeeze %dma_start3A_136 : memref<1x128x128xf32, #tpu.memory_space<vmem>> -> memref<128x128xf32, #tpu.memory_space<vmem>>
      %dma_start3A_138 = arith.constant 0 : i32
      %dma_start3A_139 = arith.constant 0 : i32
      %dma_start3A_140 = tpu.memref_slice %arg7[%and3A_96, %dma_start3A_138, %dma_start3A_139] : memref<2x8x128xi32, #tpu.memory_space<vmem>> -> memref<1x8x128xi32, #tpu.memory_space<vmem>>
      %dma_start3A_141 = tpu.memref_squeeze %dma_start3A_140 : memref<1x8x128xi32, #tpu.memory_space<vmem>> -> memref<8x128xi32, #tpu.memory_space<vmem>>
      %dma_start3A_142 = arith.constant 0 : i32
      %dma_start3A_143 = tpu.memref_slice %dma_start3A_141[%dma_start3A_133, %dma_start3A_142] : memref<8x128xi32, #tpu.memory_space<vmem>> -> memref<1x128xi32, #tpu.memory_space<vmem>>
      %dma_start3A_144 = tpu.memref_squeeze %dma_start3A_143 : memref<1x128xi32, #tpu.memory_space<vmem>> -> memref<128xi32, #tpu.memory_space<vmem>>
      %dma_start3A_145 = arith.constant 0 : i32
      %dma_start3A_146 = arith.constant 0 : i32
      %dma_start3A_147 = tpu.memref_slice %arg12[%dma_start3A_145, %dma_start3A_146] : memref<10240x128xf32, #tpu.memory_space<vmem_shared>> -> memref<10240x128xf32, #tpu.memory_space<vmem_shared>>
      tpu.enqueue_indirect_dma source(%dma_start3A_137 : memref<128x128xf32, #tpu.memory_space<vmem>>) target(%dma_start3A_147 : memref<10240x128xf32, #tpu.memory_space<vmem_shared>>) offsets(%dma_start3A_144 : memref<128xi32, #tpu.memory_space<vmem>>) semaphore(%arg17 : memref<!tpu.dma_semaphore, #tpu.memory_space<semaphore_mem>>) {add = true}
      %run_scoped3A_148 = arith.constant 0 : i32
      "tpu.region"() ({
        %run_scoped3A_590 = tpu.sem_alloc : memref<!tpu.dma_semaphore, #tpu.memory_space<semaphore_mem>>
        %dma_start3A_591 = arith.constant 0 : i32
        %dma_start3A_592 = arith.constant 0 : i32
        %dma_start3A_593 = tpu.memref_slice %arg7[%and3A_96, %dma_start3A_591, %dma_start3A_592] : memref<2x8x128xi32, #tpu.memory_space<vmem>> -> memref<1x8x128xi32, #tpu.memory_space<vmem>>
        %dma_start3A_594 = tpu.memref_squeeze %dma_start3A_593 : memref<1x8x128xi32, #tpu.memory_space<vmem>> -> memref<8x128xi32, #tpu.memory_space<vmem>>
        %dma_start3A_595 = arith.constant 0 : i32
        %dma_start3A_596 = tpu.memref_slice %dma_start3A_594[%run_scoped3A_148, %dma_start3A_595] : memref<8x128xi32, #tpu.memory_space<vmem>> -> memref<1x128xi32, #tpu.memory_space<vmem>>
        %dma_start3A_597 = tpu.memref_squeeze %dma_start3A_596 : memref<1x128xi32, #tpu.memory_space<vmem>> -> memref<128xi32, #tpu.memory_space<vmem>>
        %dma_start3A_598 = arith.constant 0 : i32
        %dma_start3A_599 = tpu.memref_slice %arg13[%dma_start3A_598] : memref<10240xf32, #tpu.memory_space<vmem_shared>> -> memref<10240xf32, #tpu.memory_space<vmem_shared>>
        tpu.enqueue_indirect_dma source(%arg10 : memref<128xf32, #tpu.memory_space<vmem>>) target(%dma_start3A_599 : memref<10240xf32, #tpu.memory_space<vmem_shared>>) offsets(%dma_start3A_597 : memref<128xi32, #tpu.memory_space<vmem>>) semaphore(%run_scoped3A_590 : memref<!tpu.dma_semaphore, #tpu.memory_space<semaphore_mem>>) {add = true}
        %dma_wait3A_600 = arith.constant 0 : i32
        %dma_wait3A_601 = arith.constant 0 : i32
        %dma_wait3A_602 = tpu.memref_slice %arg7[%and3A_96, %dma_wait3A_600, %dma_wait3A_601] : memref<2x8x128xi32, #tpu.memory_space<vmem>> -> memref<1x8x128xi32, #tpu.memory_space<vmem>>
        %dma_wait3A_603 = tpu.memref_squeeze %dma_wait3A_602 : memref<1x8x128xi32, #tpu.memory_space<vmem>> -> memref<8x128xi32, #tpu.memory_space<vmem>>
        %dma_wait3A_604 = arith.constant 0 : i32
        %dma_wait3A_605 = tpu.memref_slice %dma_wait3A_603[%run_scoped3A_148, %dma_wait3A_604] : memref<8x128xi32, #tpu.memory_space<vmem>> -> memref<1x128xi32, #tpu.memory_space<vmem>>
        %dma_wait3A_606 = tpu.memref_squeeze %dma_wait3A_605 : memref<1x128xi32, #tpu.memory_space<vmem>> -> memref<128xi32, #tpu.memory_space<vmem>>
        %dma_wait3A_607 = arith.constant 0 : i32
        %dma_wait3A_608 = tpu.memref_slice %arg13[%dma_wait3A_607] : memref<10240xf32, #tpu.memory_space<vmem_shared>> -> memref<10240xf32, #tpu.memory_space<vmem_shared>>
        tpu.wait_indirect_dma semaphore(%run_scoped3A_590 : memref<!tpu.dma_semaphore, #tpu.memory_space<semaphore_mem>>) src(%arg10 : memref<128xf32, #tpu.memory_space<vmem>>) dst(%dma_wait3A_608 : memref<10240xf32, #tpu.memory_space<vmem_shared>>)
        tpu.yield
      }) : () -> ()
      %gt3A_149 = arith.constant 0 : i32
      %gt3A_150 = arith.cmpi sgt, %scan3A_94, %gt3A_149 : i32
      %convert_element_type3A_151 = arith.extui %gt3A_150 : i1 to i32
      %cond3A_152 = arith.constant 0 : i32
      %cond3A_153 = arith.cmpi ne, %convert_element_type3A_151, %cond3A_152 : i32
      scf.if %cond3A_153 {
        %dma_wait3A_590 = arith.constant 0 : i32
        %dma_wait3A_591 = arith.constant 0 : i32
        %dma_wait3A_592 = arith.constant 0 : i32
        %dma_wait3A_593 = arith.constant 0 : i32
        %dma_wait3A_594 = tpu.memref_slice %arg9[%dma_wait3A_590, %dma_wait3A_592, %dma_wait3A_593] : memref<2x128x128xf32, #tpu.memory_space<vmem>> -> memref<1x128x128xf32, #tpu.memory_space<vmem>>
        %dma_wait3A_595 = tpu.memref_squeeze %dma_wait3A_594 : memref<1x128x128xf32, #tpu.memory_space<vmem>> -> memref<128x128xf32, #tpu.memory_space<vmem>>
        %dma_wait3A_596 = arith.constant 0 : i32
        %dma_wait3A_597 = arith.constant 0 : i32
        %dma_wait3A_598 = tpu.memref_slice %arg7[%and3A_96, %dma_wait3A_596, %dma_wait3A_597] : memref<2x8x128xi32, #tpu.memory_space<vmem>> -> memref<1x8x128xi32, #tpu.memory_space<vmem>>
        %dma_wait3A_599 = tpu.memref_squeeze %dma_wait3A_598 : memref<1x8x128xi32, #tpu.memory_space<vmem>> -> memref<8x128xi32, #tpu.memory_space<vmem>>
        %dma_wait3A_600 = arith.constant 0 : i32
        %dma_wait3A_601 = tpu.memref_slice %dma_wait3A_599[%dma_wait3A_591, %dma_wait3A_600] : memref<8x128xi32, #tpu.memory_space<vmem>> -> memref<1x128xi32, #tpu.memory_space<vmem>>
        %dma_wait3A_602 = tpu.memref_squeeze %dma_wait3A_601 : memref<1x128xi32, #tpu.memory_space<vmem>> -> memref<128xi32, #tpu.memory_space<vmem>>
        %dma_wait3A_603 = arith.constant 0 : i32
        %dma_wait3A_604 = arith.constant 0 : i32
        %dma_wait3A_605 = tpu.memref_slice %arg12[%dma_wait3A_603, %dma_wait3A_604] : memref<10240x128xf32, #tpu.memory_space<vmem_shared>> -> memref<10240x128xf32, #tpu.memory_space<vmem_shared>>
        tpu.wait_indirect_dma semaphore(%arg17 : memref<!tpu.dma_semaphore, #tpu.memory_space<semaphore_mem>>) src(%dma_wait3A_595 : memref<128x128xf32, #tpu.memory_space<vmem>>) dst(%dma_wait3A_605 : memref<10240x128xf32, #tpu.memory_space<vmem_shared>>)
      } else {
      }
      %dma_start3A_154 = arith.constant 2 : i32
      %dma_start3A_155 = arith.constant 0 : i32
      %dma_start3A_156 = arith.constant 0 : i32
      %dma_start3A_157 = arith.constant 0 : i32
      %dma_start3A_158 = tpu.memref_slice %arg9[%dma_start3A_155, %dma_start3A_156, %dma_start3A_157] : memref<2x128x128xf32, #tpu.memory_space<vmem>> -> memref<1x128x128xf32, #tpu.memory_space<vmem>>
      %dma_start3A_159 = tpu.memref_squeeze %dma_start3A_158 : memref<1x128x128xf32, #tpu.memory_space<vmem>> -> memref<128x128xf32, #tpu.memory_space<vmem>>
      %dma_start3A_160 = arith.constant 0 : i32
      %dma_start3A_161 = arith.constant 0 : i32
      %dma_start3A_162 = tpu.memref_slice %arg8[%and3A_96, %dma_start3A_160, %dma_start3A_161] : memref<2x8x128xi32, #tpu.memory_space<vmem>> -> memref<1x8x128xi32, #tpu.memory_space<vmem>>
      %dma_start3A_163 = tpu.memref_squeeze %dma_start3A_162 : memref<1x8x128xi32, #tpu.memory_space<vmem>> -> memref<8x128xi32, #tpu.memory_space<vmem>>
      %dma_start3A_164 = arith.constant 0 : i32
      %dma_start3A_165 = tpu.memref_slice %dma_start3A_163[%dma_start3A_154, %dma_start3A_164] : memref<8x128xi32, #tpu.memory_space<vmem>> -> memref<1x128xi32, #tpu.memory_space<vmem>>
      %dma_start3A_166 = tpu.memref_squeeze %dma_start3A_165 : memref<1x128xi32, #tpu.memory_space<vmem>> -> memref<128xi32, #tpu.memory_space<vmem>>
      %dma_start3A_167 = arith.constant 0 : i32
      %dma_start3A_168 = arith.constant 0 : i32
      %dma_start3A_169 = tpu.memref_slice %arg2[%dma_start3A_167, %dma_start3A_168] : memref<10000x128xf32, #tpu.memory_space<hbm>> -> memref<10000x128xf32, #tpu.memory_space<hbm>>
      tpu.enqueue_indirect_dma source(%dma_start3A_169 : memref<10000x128xf32, #tpu.memory_space<hbm>>) target(%dma_start3A_159 : memref<128x128xf32, #tpu.memory_space<vmem>>) offsets(%dma_start3A_166 : memref<128xi32, #tpu.memory_space<vmem>>) semaphore(%arg14 : memref<!tpu.dma_semaphore, #tpu.memory_space<semaphore_mem>>)
      %dma_wait3A_170 = arith.constant 1 : i32
      %dma_wait3A_171 = arith.constant 1 : i32
      %dma_wait3A_172 = arith.constant 0 : i32
      %dma_wait3A_173 = arith.constant 0 : i32
      %dma_wait3A_174 = tpu.memref_slice %arg9[%dma_wait3A_171, %dma_wait3A_172, %dma_wait3A_173] : memref<2x128x128xf32, #tpu.memory_space<vmem>> -> memref<1x128x128xf32, #tpu.memory_space<vmem>>
      %dma_wait3A_175 = tpu.memref_squeeze %dma_wait3A_174 : memref<1x128x128xf32, #tpu.memory_space<vmem>> -> memref<128x128xf32, #tpu.memory_space<vmem>>
      %dma_wait3A_176 = arith.constant 0 : i32
      %dma_wait3A_177 = arith.constant 0 : i32
      %dma_wait3A_178 = tpu.memref_slice %arg8[%and3A_96, %dma_wait3A_176, %dma_wait3A_177] : memref<2x8x128xi32, #tpu.memory_space<vmem>> -> memref<1x8x128xi32, #tpu.memory_space<vmem>>
      %dma_wait3A_179 = tpu.memref_squeeze %dma_wait3A_178 : memref<1x8x128xi32, #tpu.memory_space<vmem>> -> memref<8x128xi32, #tpu.memory_space<vmem>>
      %dma_wait3A_180 = arith.constant 0 : i32
      %dma_wait3A_181 = tpu.memref_slice %dma_wait3A_179[%dma_wait3A_170, %dma_wait3A_180] : memref<8x128xi32, #tpu.memory_space<vmem>> -> memref<1x128xi32, #tpu.memory_space<vmem>>
      %dma_wait3A_182 = tpu.memref_squeeze %dma_wait3A_181 : memref<1x128xi32, #tpu.memory_space<vmem>> -> memref<128xi32, #tpu.memory_space<vmem>>
      %dma_wait3A_183 = arith.constant 0 : i32
      %dma_wait3A_184 = arith.constant 0 : i32
      %dma_wait3A_185 = tpu.memref_slice %arg2[%dma_wait3A_183, %dma_wait3A_184] : memref<10000x128xf32, #tpu.memory_space<hbm>> -> memref<10000x128xf32, #tpu.memory_space<hbm>>
      tpu.wait_indirect_dma semaphore(%arg14 : memref<!tpu.dma_semaphore, #tpu.memory_space<semaphore_mem>>) src(%dma_wait3A_185 : memref<10000x128xf32, #tpu.memory_space<hbm>>) dst(%dma_wait3A_175 : memref<128x128xf32, #tpu.memory_space<vmem>>)
      %dma_start3A_186 = arith.constant 1 : i32
      %dma_start3A_187 = arith.constant 1 : i32
      %dma_start3A_188 = arith.constant 0 : i32
      %dma_start3A_189 = arith.constant 0 : i32
      %dma_start3A_190 = tpu.memref_slice %arg9[%dma_start3A_186, %dma_start3A_188, %dma_start3A_189] : memref<2x128x128xf32, #tpu.memory_space<vmem>> -> memref<1x128x128xf32, #tpu.memory_space<vmem>>
      %dma_start3A_191 = tpu.memref_squeeze %dma_start3A_190 : memref<1x128x128xf32, #tpu.memory_space<vmem>> -> memref<128x128xf32, #tpu.memory_space<vmem>>
      %dma_start3A_192 = arith.constant 0 : i32
      %dma_start3A_193 = arith.constant 0 : i32
      %dma_start3A_194 = tpu.memref_slice %arg7[%and3A_96, %dma_start3A_192, %dma_start3A_193] : memref<2x8x128xi32, #tpu.memory_space<vmem>> -> memref<1x8x128xi32, #tpu.memory_space<vmem>>
      %dma_start3A_195 = tpu.memref_squeeze %dma_start3A_194 : memref<1x8x128xi32, #tpu.memory_space<vmem>> -> memref<8x128xi32, #tpu.memory_space<vmem>>
      %dma_start3A_196 = arith.constant 0 : i32
      %dma_start3A_197 = tpu.memref_slice %dma_start3A_195[%dma_start3A_187, %dma_start3A_196] : memref<8x128xi32, #tpu.memory_space<vmem>> -> memref<1x128xi32, #tpu.memory_space<vmem>>
      %dma_start3A_198 = tpu.memref_squeeze %dma_start3A_197 : memref<1x128xi32, #tpu.memory_space<vmem>> -> memref<128xi32, #tpu.memory_space<vmem>>
      %dma_start3A_199 = arith.constant 0 : i32
      %dma_start3A_200 = arith.constant 0 : i32
      %dma_start3A_201 = tpu.memref_slice %arg12[%dma_start3A_199, %dma_start3A_200] : memref<10240x128xf32, #tpu.memory_space<vmem_shared>> -> memref<10240x128xf32, #tpu.memory_space<vmem_shared>>
      tpu.enqueue_indirect_dma source(%dma_start3A_191 : memref<128x128xf32, #tpu.memory_space<vmem>>) target(%dma_start3A_201 : memref<10240x128xf32, #tpu.memory_space<vmem_shared>>) offsets(%dma_start3A_198 : memref<128xi32, #tpu.memory_space<vmem>>) semaphore(%arg17 : memref<!tpu.dma_semaphore, #tpu.memory_space<semaphore_mem>>) {add = true}
      %run_scoped3A_202 = arith.constant 1 : i32
      "tpu.region"() ({
        %run_scoped3A_590 = tpu.sem_alloc : memref<!tpu.dma_semaphore, #tpu.memory_space<semaphore_mem>>
        %dma_start3A_591 = arith.constant 0 : i32
        %dma_start3A_592 = arith.constant 0 : i32
        %dma_start3A_593 = tpu.memref_slice %arg7[%and3A_96, %dma_start3A_591, %dma_start3A_592] : memref<2x8x128xi32, #tpu.memory_space<vmem>> -> memref<1x8x128xi32, #tpu.memory_space<vmem>>
        %dma_start3A_594 = tpu.memref_squeeze %dma_start3A_593 : memref<1x8x128xi32, #tpu.memory_space<vmem>> -> memref<8x128xi32, #tpu.memory_space<vmem>>
        %dma_start3A_595 = arith.constant 0 : i32
        %dma_start3A_596 = tpu.memref_slice %dma_start3A_594[%run_scoped3A_202, %dma_start3A_595] : memref<8x128xi32, #tpu.memory_space<vmem>> -> memref<1x128xi32, #tpu.memory_space<vmem>>
        %dma_start3A_597 = tpu.memref_squeeze %dma_start3A_596 : memref<1x128xi32, #tpu.memory_space<vmem>> -> memref<128xi32, #tpu.memory_space<vmem>>
        %dma_start3A_598 = arith.constant 0 : i32
        %dma_start3A_599 = tpu.memref_slice %arg13[%dma_start3A_598] : memref<10240xf32, #tpu.memory_space<vmem_shared>> -> memref<10240xf32, #tpu.memory_space<vmem_shared>>
        tpu.enqueue_indirect_dma source(%arg10 : memref<128xf32, #tpu.memory_space<vmem>>) target(%dma_start3A_599 : memref<10240xf32, #tpu.memory_space<vmem_shared>>) offsets(%dma_start3A_597 : memref<128xi32, #tpu.memory_space<vmem>>) semaphore(%run_scoped3A_590 : memref<!tpu.dma_semaphore, #tpu.memory_space<semaphore_mem>>) {add = true}
        %dma_wait3A_600 = arith.constant 0 : i32
        %dma_wait3A_601 = arith.constant 0 : i32
        %dma_wait3A_602 = tpu.memref_slice %arg7[%and3A_96, %dma_wait3A_600, %dma_wait3A_601] : memref<2x8x128xi32, #tpu.memory_space<vmem>> -> memref<1x8x128xi32, #tpu.memory_space<vmem>>
        %dma_wait3A_603 = tpu.memref_squeeze %dma_wait3A_602 : memref<1x8x128xi32, #tpu.memory_space<vmem>> -> memref<8x128xi32, #tpu.memory_space<vmem>>
        %dma_wait3A_604 = arith.constant 0 : i32
        %dma_wait3A_605 = tpu.memref_slice %dma_wait3A_603[%run_scoped3A_202, %dma_wait3A_604] : memref<8x128xi32, #tpu.memory_space<vmem>> -> memref<1x128xi32, #tpu.memory_space<vmem>>
        %dma_wait3A_606 = tpu.memref_squeeze %dma_wait3A_605 : memref<1x128xi32, #tpu.memory_space<vmem>> -> memref<128xi32, #tpu.memory_space<vmem>>
        %dma_wait3A_607 = arith.constant 0 : i32
        %dma_wait3A_608 = tpu.memref_slice %arg13[%dma_wait3A_607] : memref<10240xf32, #tpu.memory_space<vmem_shared>> -> memref<10240xf32, #tpu.memory_space<vmem_shared>>
        tpu.wait_indirect_dma semaphore(%run_scoped3A_590 : memref<!tpu.dma_semaphore, #tpu.memory_space<semaphore_mem>>) src(%arg10 : memref<128xf32, #tpu.memory_space<vmem>>) dst(%dma_wait3A_608 : memref<10240xf32, #tpu.memory_space<vmem_shared>>)
        tpu.yield
      }) : () -> ()
      %add3A_203 = arith.constant 1 : i32
      %add3A_204 = arith.addi %scan3A_94, %add3A_203 : i32
      %lt3A = arith.constant 10 : i32
      %lt3A_205 = arith.cmpi slt, %add3A_204, %lt3A : i32
      %convert_element_type3A_206 = arith.extui %lt3A_205 : i1 to i32
      %cond3A_207 = arith.constant 0 : i32
      %cond3A_208 = arith.cmpi ne, %convert_element_type3A_206, %cond3A_207 : i32
      scf.if %cond3A_208 {
        %add3A_590 = arith.constant 1 : i32
        %add3A_591 = arith.addi %scan3A_94, %add3A_590 : i32
        %dma_start3A_592 = arith.constant 0 : i32
        %dma_start3A_593 = arith.constant 0 : i32
        %dma_start3A_594 = tpu.memref_slice %arg7[%xor3A_97, %dma_start3A_592, %dma_start3A_593] : memref<2x8x128xi32, #tpu.memory_space<vmem>> -> memref<1x8x128xi32, #tpu.memory_space<vmem>>
        %dma_start3A_595 = tpu.memref_squeeze %dma_start3A_594 : memref<1x8x128xi32, #tpu.memory_space<vmem>> -> memref<8x128xi32, #tpu.memory_space<vmem>>
        %dma_start3A_596 = arith.constant 0 : i32
        %dma_start3A_597 = arith.constant 0 : i32
        %dma_start3A_598 = tpu.memref_slice %arg3[%arg0, %arg1, %add3A_591, %dma_start3A_596, %dma_start3A_597] : memref<2x16x10x8x128xi32, #tpu.memory_space<hbm>> -> memref<1x1x1x8x128xi32, #tpu.memory_space<hbm>>
        %dma_start3A_599 = tpu.memref_squeeze %dma_start3A_598 : memref<1x1x1x8x128xi32, #tpu.memory_space<hbm>> -> memref<8x128xi32, #tpu.memory_space<hbm>>
        %dma_start3A_600 = arith.constant 0 : i32
        %dma_start3A_601 = arith.constant 0 : i32
        %dma_start3A_602 = tpu.memref_slice %arg7[%xor3A_97, %dma_start3A_600, %dma_start3A_601] : memref<2x8x128xi32, #tpu.memory_space<vmem>> -> memref<1x8x128xi32, #tpu.memory_space<vmem>>
        %dma_start3A_603 = tpu.memref_squeeze %dma_start3A_602 : memref<1x8x128xi32, #tpu.memory_space<vmem>> -> memref<8x128xi32, #tpu.memory_space<vmem>>
        %dma_start3A_604 = arith.constant 0 : i32
        %dma_start3A_605 = arith.constant 0 : i32
        %dma_start3A_606 = tpu.memref_slice %arg3[%arg0, %arg1, %add3A_591, %dma_start3A_604, %dma_start3A_605] : memref<2x16x10x8x128xi32, #tpu.memory_space<hbm>> -> memref<1x1x1x8x128xi32, #tpu.memory_space<hbm>>
        %dma_start3A_607 = tpu.memref_squeeze %dma_start3A_606 : memref<1x1x1x8x128xi32, #tpu.memory_space<hbm>> -> memref<8x128xi32, #tpu.memory_space<hbm>>
        tpu.enqueue_dma source(%dma_start3A_607 : memref<8x128xi32, #tpu.memory_space<hbm>>) target(%dma_start3A_603 : memref<8x128xi32, #tpu.memory_space<vmem>>) target_semaphore(%arg15 : memref<!tpu.dma_semaphore, #tpu.memory_space<semaphore_mem>>)
        %add3A_608 = arith.constant 1 : i32
        %add3A_609 = arith.addi %scan3A_94, %add3A_608 : i32
        %dma_start3A_610 = arith.constant 0 : i32
        %dma_start3A_611 = arith.constant 0 : i32
        %dma_start3A_612 = tpu.memref_slice %arg8[%xor3A_97, %dma_start3A_610, %dma_start3A_611] : memref<2x8x128xi32, #tpu.memory_space<vmem>> -> memref<1x8x128xi32, #tpu.memory_space<vmem>>
        %dma_start3A_613 = tpu.memref_squeeze %dma_start3A_612 : memref<1x8x128xi32, #tpu.memory_space<vmem>> -> memref<8x128xi32, #tpu.memory_space<vmem>>
        %dma_start3A_614 = arith.constant 0 : i32
        %dma_start3A_615 = arith.constant 0 : i32
        %dma_start3A_616 = tpu.memref_slice %arg4[%arg0, %arg1, %add3A_609, %dma_start3A_614, %dma_start3A_615] : memref<2x16x10x8x128xi32, #tpu.memory_space<hbm>> -> memref<1x1x1x8x128xi32, #tpu.memory_space<hbm>>
        %dma_start3A_617 = tpu.memref_squeeze %dma_start3A_616 : memref<1x1x1x8x128xi32, #tpu.memory_space<hbm>> -> memref<8x128xi32, #tpu.memory_space<hbm>>
        %dma_start3A_618 = arith.constant 0 : i32
        %dma_start3A_619 = arith.constant 0 : i32
        %dma_start3A_620 = tpu.memref_slice %arg8[%xor3A_97, %dma_start3A_618, %dma_start3A_619] : memref<2x8x128xi32, #tpu.memory_space<vmem>> -> memref<1x8x128xi32, #tpu.memory_space<vmem>>
        %dma_start3A_621 = tpu.memref_squeeze %dma_start3A_620 : memref<1x8x128xi32, #tpu.memory_space<vmem>> -> memref<8x128xi32, #tpu.memory_space<vmem>>
        %dma_start3A_622 = arith.constant 0 : i32
        %dma_start3A_623 = arith.constant 0 : i32
        %dma_start3A_624 = tpu.memref_slice %arg4[%arg0, %arg1, %add3A_609, %dma_start3A_622, %dma_start3A_623] : memref<2x16x10x8x128xi32, #tpu.memory_space<hbm>> -> memref<1x1x1x8x128xi32, #tpu.memory_space<hbm>>
        %dma_start3A_625 = tpu.memref_squeeze %dma_start3A_624 : memref<1x1x1x8x128xi32, #tpu.memory_space<hbm>> -> memref<8x128xi32, #tpu.memory_space<hbm>>
        tpu.enqueue_dma source(%dma_start3A_625 : memref<8x128xi32, #tpu.memory_space<hbm>>) target(%dma_start3A_621 : memref<8x128xi32, #tpu.memory_space<vmem>>) target_semaphore(%arg16 : memref<!tpu.dma_semaphore, #tpu.memory_space<semaphore_mem>>)
      } else {
      }
      %dma_wait3A_209 = arith.constant 1 : i32
      %dma_wait3A_210 = arith.constant 1 : i32
      %dma_wait3A_211 = arith.constant 0 : i32
      %dma_wait3A_212 = arith.constant 0 : i32
      %dma_wait3A_213 = tpu.memref_slice %arg9[%dma_wait3A_209, %dma_wait3A_211, %dma_wait3A_212] : memref<2x128x128xf32, #tpu.memory_space<vmem>> -> memref<1x128x128xf32, #tpu.memory_space<vmem>>
      %dma_wait3A_214 = tpu.memref_squeeze %dma_wait3A_213 : memref<1x128x128xf32, #tpu.memory_space<vmem>> -> memref<128x128xf32, #tpu.memory_space<vmem>>
      %dma_wait3A_215 = arith.constant 0 : i32
      %dma_wait3A_216 = arith.constant 0 : i32
      %dma_wait3A_217 = tpu.memref_slice %arg7[%and3A_96, %dma_wait3A_215, %dma_wait3A_216] : memref<2x8x128xi32, #tpu.memory_space<vmem>> -> memref<1x8x128xi32, #tpu.memory_space<vmem>>
      %dma_wait3A_218 = tpu.memref_squeeze %dma_wait3A_217 : memref<1x8x128xi32, #tpu.memory_space<vmem>> -> memref<8x128xi32, #tpu.memory_space<vmem>>
      %dma_wait3A_219 = arith.constant 0 : i32
      %dma_wait3A_220 = tpu.memref_slice %dma_wait3A_218[%dma_wait3A_210, %dma_wait3A_219] : memref<8x128xi32, #tpu.memory_space<vmem>> -> memref<1x128xi32, #tpu.memory_space<vmem>>
      %dma_wait3A_221 = tpu.memref_squeeze %dma_wait3A_220 : memref<1x128xi32, #tpu.memory_space<vmem>> -> memref<128xi32, #tpu.memory_space<vmem>>
      %dma_wait3A_222 = arith.constant 0 : i32
      %dma_wait3A_223 = arith.constant 0 : i32
      %dma_wait3A_224 = tpu.memref_slice %arg12[%dma_wait3A_222, %dma_wait3A_223] : memref<10240x128xf32, #tpu.memory_space<vmem_shared>> -> memref<10240x128xf32, #tpu.memory_space<vmem_shared>>
      tpu.wait_indirect_dma semaphore(%arg17 : memref<!tpu.dma_semaphore, #tpu.memory_space<semaphore_mem>>) src(%dma_wait3A_214 : memref<128x128xf32, #tpu.memory_space<vmem>>) dst(%dma_wait3A_224 : memref<10240x128xf32, #tpu.memory_space<vmem_shared>>)
      %dma_start3A_225 = arith.constant 3 : i32
      %dma_start3A_226 = arith.constant 1 : i32
      %dma_start3A_227 = arith.constant 0 : i32
      %dma_start3A_228 = arith.constant 0 : i32
      %dma_start3A_229 = tpu.memref_slice %arg9[%dma_start3A_226, %dma_start3A_227, %dma_start3A_228] : memref<2x128x128xf32, #tpu.memory_space<vmem>> -> memref<1x128x128xf32, #tpu.memory_space<vmem>>
      %dma_start3A_230 = tpu.memref_squeeze %dma_start3A_229 : memref<1x128x128xf32, #tpu.memory_space<vmem>> -> memref<128x128xf32, #tpu.memory_space<vmem>>
      %dma_start3A_231 = arith.constant 0 : i32
      %dma_start3A_232 = arith.constant 0 : i32
      %dma_start3A_233 = tpu.memref_slice %arg8[%and3A_96, %dma_start3A_231, %dma_start3A_232] : memref<2x8x128xi32, #tpu.memory_space<vmem>> -> memref<1x8x128xi32, #tpu.memory_space<vmem>>
      %dma_start3A_234 = tpu.memref_squeeze %dma_start3A_233 : memref<1x8x128xi32, #tpu.memory_space<vmem>> -> memref<8x128xi32, #tpu.memory_space<vmem>>
      %dma_start3A_235 = arith.constant 0 : i32
      %dma_start3A_236 = tpu.memref_slice %dma_start3A_234[%dma_start3A_225, %dma_start3A_235] : memref<8x128xi32, #tpu.memory_space<vmem>> -> memref<1x128xi32, #tpu.memory_space<vmem>>
      %dma_start3A_237 = tpu.memref_squeeze %dma_start3A_236 : memref<1x128xi32, #tpu.memory_space<vmem>> -> memref<128xi32, #tpu.memory_space<vmem>>
      %dma_start3A_238 = arith.constant 0 : i32
      %dma_start3A_239 = arith.constant 0 : i32
      %dma_start3A_240 = tpu.memref_slice %arg2[%dma_start3A_238, %dma_start3A_239] : memref<10000x128xf32, #tpu.memory_space<hbm>> -> memref<10000x128xf32, #tpu.memory_space<hbm>>
      tpu.enqueue_indirect_dma source(%dma_start3A_240 : memref<10000x128xf32, #tpu.memory_space<hbm>>) target(%dma_start3A_230 : memref<128x128xf32, #tpu.memory_space<vmem>>) offsets(%dma_start3A_237 : memref<128xi32, #tpu.memory_space<vmem>>) semaphore(%arg14 : memref<!tpu.dma_semaphore, #tpu.memory_space<semaphore_mem>>)
      %dma_wait3A_241 = arith.constant 2 : i32
      %dma_wait3A_242 = arith.constant 0 : i32
      %dma_wait3A_243 = arith.constant 0 : i32
      %dma_wait3A_244 = arith.constant 0 : i32
      %dma_wait3A_245 = tpu.memref_slice %arg9[%dma_wait3A_242, %dma_wait3A_243, %dma_wait3A_244] : memref<2x128x128xf32, #tpu.memory_space<vmem>> -> memref<1x128x128xf32, #tpu.memory_space<vmem>>
      %dma_wait3A_246 = tpu.memref_squeeze %dma_wait3A_245 : memref<1x128x128xf32, #tpu.memory_space<vmem>> -> memref<128x128xf32, #tpu.memory_space<vmem>>
      %dma_wait3A_247 = arith.constant 0 : i32
      %dma_wait3A_248 = arith.constant 0 : i32
      %dma_wait3A_249 = tpu.memref_slice %arg8[%and3A_96, %dma_wait3A_247, %dma_wait3A_248] : memref<2x8x128xi32, #tpu.memory_space<vmem>> -> memref<1x8x128xi32, #tpu.memory_space<vmem>>
      %dma_wait3A_250 = tpu.memref_squeeze %dma_wait3A_249 : memref<1x8x128xi32, #tpu.memory_space<vmem>> -> memref<8x128xi32, #tpu.memory_space<vmem>>
      %dma_wait3A_251 = arith.constant 0 : i32
      %dma_wait3A_252 = tpu.memref_slice %dma_wait3A_250[%dma_wait3A_241, %dma_wait3A_251] : memref<8x128xi32, #tpu.memory_space<vmem>> -> memref<1x128xi32, #tpu.memory_space<vmem>>
      %dma_wait3A_253 = tpu.memref_squeeze %dma_wait3A_252 : memref<1x128xi32, #tpu.memory_space<vmem>> -> memref<128xi32, #tpu.memory_space<vmem>>
      %dma_wait3A_254 = arith.constant 0 : i32
      %dma_wait3A_255 = arith.constant 0 : i32
      %dma_wait3A_256 = tpu.memref_slice %arg2[%dma_wait3A_254, %dma_wait3A_255] : memref<10000x128xf32, #tpu.memory_space<hbm>> -> memref<10000x128xf32, #tpu.memory_space<hbm>>
      tpu.wait_indirect_dma semaphore(%arg14 : memref<!tpu.dma_semaphore, #tpu.memory_space<semaphore_mem>>) src(%dma_wait3A_256 : memref<10000x128xf32, #tpu.memory_space<hbm>>) dst(%dma_wait3A_246 : memref<128x128xf32, #tpu.memory_space<vmem>>)
      %dma_start3A_257 = arith.constant 0 : i32
      %dma_start3A_258 = arith.constant 2 : i32
      %dma_start3A_259 = arith.constant 0 : i32
      %dma_start3A_260 = arith.constant 0 : i32
      %dma_start3A_261 = tpu.memref_slice %arg9[%dma_start3A_257, %dma_start3A_259, %dma_start3A_260] : memref<2x128x128xf32, #tpu.memory_space<vmem>> -> memref<1x128x128xf32, #tpu.memory_space<vmem>>
      %dma_start3A_262 = tpu.memref_squeeze %dma_start3A_261 : memref<1x128x128xf32, #tpu.memory_space<vmem>> -> memref<128x128xf32, #tpu.memory_space<vmem>>
      %dma_start3A_263 = arith.constant 0 : i32
      %dma_start3A_264 = arith.constant 0 : i32
      %dma_start3A_265 = tpu.memref_slice %arg7[%and3A_96, %dma_start3A_263, %dma_start3A_264] : memref<2x8x128xi32, #tpu.memory_space<vmem>> -> memref<1x8x128xi32, #tpu.memory_space<vmem>>
      %dma_start3A_266 = tpu.memref_squeeze %dma_start3A_265 : memref<1x8x128xi32, #tpu.memory_space<vmem>> -> memref<8x128xi32, #tpu.memory_space<vmem>>
      %dma_start3A_267 = arith.constant 0 : i32
      %dma_start3A_268 = tpu.memref_slice %dma_start3A_266[%dma_start3A_258, %dma_start3A_267] : memref<8x128xi32, #tpu.memory_space<vmem>> -> memref<1x128xi32, #tpu.memory_space<vmem>>
      %dma_start3A_269 = tpu.memref_squeeze %dma_start3A_268 : memref<1x128xi32, #tpu.memory_space<vmem>> -> memref<128xi32, #tpu.memory_space<vmem>>
      %dma_start3A_270 = arith.constant 0 : i32
      %dma_start3A_271 = arith.constant 0 : i32
      %dma_start3A_272 = tpu.memref_slice %arg12[%dma_start3A_270, %dma_start3A_271] : memref<10240x128xf32, #tpu.memory_space<vmem_shared>> -> memref<10240x128xf32, #tpu.memory_space<vmem_shared>>
      tpu.enqueue_indirect_dma source(%dma_start3A_262 : memref<128x128xf32, #tpu.memory_space<vmem>>) target(%dma_start3A_272 : memref<10240x128xf32, #tpu.memory_space<vmem_shared>>) offsets(%dma_start3A_269 : memref<128xi32, #tpu.memory_space<vmem>>) semaphore(%arg17 : memref<!tpu.dma_semaphore, #tpu.memory_space<semaphore_mem>>) {add = true}
      %run_scoped3A_273 = arith.constant 2 : i32
      "tpu.region"() ({
        %run_scoped3A_590 = tpu.sem_alloc : memref<!tpu.dma_semaphore, #tpu.memory_space<semaphore_mem>>
        %dma_start3A_591 = arith.constant 0 : i32
        %dma_start3A_592 = arith.constant 0 : i32
        %dma_start3A_593 = tpu.memref_slice %arg7[%and3A_96, %dma_start3A_591, %dma_start3A_592] : memref<2x8x128xi32, #tpu.memory_space<vmem>> -> memref<1x8x128xi32, #tpu.memory_space<vmem>>
        %dma_start3A_594 = tpu.memref_squeeze %dma_start3A_593 : memref<1x8x128xi32, #tpu.memory_space<vmem>> -> memref<8x128xi32, #tpu.memory_space<vmem>>
        %dma_start3A_595 = arith.constant 0 : i32
        %dma_start3A_596 = tpu.memref_slice %dma_start3A_594[%run_scoped3A_273, %dma_start3A_595] : memref<8x128xi32, #tpu.memory_space<vmem>> -> memref<1x128xi32, #tpu.memory_space<vmem>>
        %dma_start3A_597 = tpu.memref_squeeze %dma_start3A_596 : memref<1x128xi32, #tpu.memory_space<vmem>> -> memref<128xi32, #tpu.memory_space<vmem>>
        %dma_start3A_598 = arith.constant 0 : i32
        %dma_start3A_599 = tpu.memref_slice %arg13[%dma_start3A_598] : memref<10240xf32, #tpu.memory_space<vmem_shared>> -> memref<10240xf32, #tpu.memory_space<vmem_shared>>
        tpu.enqueue_indirect_dma source(%arg10 : memref<128xf32, #tpu.memory_space<vmem>>) target(%dma_start3A_599 : memref<10240xf32, #tpu.memory_space<vmem_shared>>) offsets(%dma_start3A_597 : memref<128xi32, #tpu.memory_space<vmem>>) semaphore(%run_scoped3A_590 : memref<!tpu.dma_semaphore, #tpu.memory_space<semaphore_mem>>) {add = true}
        %dma_wait3A_600 = arith.constant 0 : i32
        %dma_wait3A_601 = arith.constant 0 : i32
        %dma_wait3A_602 = tpu.memref_slice %arg7[%and3A_96, %dma_wait3A_600, %dma_wait3A_601] : memref<2x8x128xi32, #tpu.memory_space<vmem>> -> memref<1x8x128xi32, #tpu.memory_space<vmem>>
        %dma_wait3A_603 = tpu.memref_squeeze %dma_wait3A_602 : memref<1x8x128xi32, #tpu.memory_space<vmem>> -> memref<8x128xi32, #tpu.memory_space<vmem>>
        %dma_wait3A_604 = arith.constant 0 : i32
        %dma_wait3A_605 = tpu.memref_slice %dma_wait3A_603[%run_scoped3A_273, %dma_wait3A_604] : memref<8x128xi32, #tpu.memory_space<vmem>> -> memref<1x128xi32, #tpu.memory_space<vmem>>
        %dma_wait3A_606 = tpu.memref_squeeze %dma_wait3A_605 : memref<1x128xi32, #tpu.memory_space<vmem>> -> memref<128xi32, #tpu.memory_space<vmem>>
        %dma_wait3A_607 = arith.constant 0 : i32
        %dma_wait3A_608 = tpu.memref_slice %arg13[%dma_wait3A_607] : memref<10240xf32, #tpu.memory_space<vmem_shared>> -> memref<10240xf32, #tpu.memory_space<vmem_shared>>
        tpu.wait_indirect_dma semaphore(%run_scoped3A_590 : memref<!tpu.dma_semaphore, #tpu.memory_space<semaphore_mem>>) src(%arg10 : memref<128xf32, #tpu.memory_space<vmem>>) dst(%dma_wait3A_608 : memref<10240xf32, #tpu.memory_space<vmem_shared>>)
        tpu.yield
      }) : () -> ()
      %dma_wait3A_274 = arith.constant 0 : i32
      %dma_wait3A_275 = arith.constant 2 : i32
      %dma_wait3A_276 = arith.constant 0 : i32
      %dma_wait3A_277 = arith.constant 0 : i32
      %dma_wait3A_278 = tpu.memref_slice %arg9[%dma_wait3A_274, %dma_wait3A_276, %dma_wait3A_277] : memref<2x128x128xf32, #tpu.memory_space<vmem>> -> memref<1x128x128xf32, #tpu.memory_space<vmem>>
      %dma_wait3A_279 = tpu.memref_squeeze %dma_wait3A_278 : memref<1x128x128xf32, #tpu.memory_space<vmem>> -> memref<128x128xf32, #tpu.memory_space<vmem>>
      %dma_wait3A_280 = arith.constant 0 : i32
      %dma_wait3A_281 = arith.constant 0 : i32
      %dma_wait3A_282 = tpu.memref_slice %arg7[%and3A_96, %dma_wait3A_280, %dma_wait3A_281] : memref<2x8x128xi32, #tpu.memory_space<vmem>> -> memref<1x8x128xi32, #tpu.memory_space<vmem>>
      %dma_wait3A_283 = tpu.memref_squeeze %dma_wait3A_282 : memref<1x8x128xi32, #tpu.memory_space<vmem>> -> memref<8x128xi32, #tpu.memory_space<vmem>>
      %dma_wait3A_284 = arith.constant 0 : i32
      %dma_wait3A_285 = tpu.memref_slice %dma_wait3A_283[%dma_wait3A_275, %dma_wait3A_284] : memref<8x128xi32, #tpu.memory_space<vmem>> -> memref<1x128xi32, #tpu.memory_space<vmem>>
      %dma_wait3A_286 = tpu.memref_squeeze %dma_wait3A_285 : memref<1x128xi32, #tpu.memory_space<vmem>> -> memref<128xi32, #tpu.memory_space<vmem>>
      %dma_wait3A_287 = arith.constant 0 : i32
      %dma_wait3A_288 = arith.constant 0 : i32
      %dma_wait3A_289 = tpu.memref_slice %arg12[%dma_wait3A_287, %dma_wait3A_288] : memref<10240x128xf32, #tpu.memory_space<vmem_shared>> -> memref<10240x128xf32, #tpu.memory_space<vmem_shared>>
      tpu.wait_indirect_dma semaphore(%arg17 : memref<!tpu.dma_semaphore, #tpu.memory_space<semaphore_mem>>) src(%dma_wait3A_279 : memref<128x128xf32, #tpu.memory_space<vmem>>) dst(%dma_wait3A_289 : memref<10240x128xf32, #tpu.memory_space<vmem_shared>>)
      %dma_start3A_290 = arith.constant 4 : i32
      %dma_start3A_291 = arith.constant 0 : i32
      %dma_start3A_292 = arith.constant 0 : i32
      %dma_start3A_293 = arith.constant 0 : i32
      %dma_start3A_294 = tpu.memref_slice %arg9[%dma_start3A_291, %dma_start3A_292, %dma_start3A_293] : memref<2x128x128xf32, #tpu.memory_space<vmem>> -> memref<1x128x128xf32, #tpu.memory_space<vmem>>
      %dma_start3A_295 = tpu.memref_squeeze %dma_start3A_294 : memref<1x128x128xf32, #tpu.memory_space<vmem>> -> memref<128x128xf32, #tpu.memory_space<vmem>>
      %dma_start3A_296 = arith.constant 0 : i32
      %dma_start3A_297 = arith.constant 0 : i32
      %dma_start3A_298 = tpu.memref_slice %arg8[%and3A_96, %dma_start3A_296, %dma_start3A_297] : memref<2x8x128xi32, #tpu.memory_space<vmem>> -> memref<1x8x128xi32, #tpu.memory_space<vmem>>
      %dma_start3A_299 = tpu.memref_squeeze %dma_start3A_298 : memref<1x8x128xi32, #tpu.memory_space<vmem>> -> memref<8x128xi32, #tpu.memory_space<vmem>>
      %dma_start3A_300 = arith.constant 0 : i32
      %dma_start3A_301 = tpu.memref_slice %dma_start3A_299[%dma_start3A_290, %dma_start3A_300] : memref<8x128xi32, #tpu.memory_space<vmem>> -> memref<1x128xi32, #tpu.memory_space<vmem>>
      %dma_start3A_302 = tpu.memref_squeeze %dma_start3A_301 : memref<1x128xi32, #tpu.memory_space<vmem>> -> memref<128xi32, #tpu.memory_space<vmem>>
      %dma_start3A_303 = arith.constant 0 : i32
      %dma_start3A_304 = arith.constant 0 : i32
      %dma_start3A_305 = tpu.memref_slice %arg2[%dma_start3A_303, %dma_start3A_304] : memref<10000x128xf32, #tpu.memory_space<hbm>> -> memref<10000x128xf32, #tpu.memory_space<hbm>>
      tpu.enqueue_indirect_dma source(%dma_start3A_305 : memref<10000x128xf32, #tpu.memory_space<hbm>>) target(%dma_start3A_295 : memref<128x128xf32, #tpu.memory_space<vmem>>) offsets(%dma_start3A_302 : memref<128xi32, #tpu.memory_space<vmem>>) semaphore(%arg14 : memref<!tpu.dma_semaphore, #tpu.memory_space<semaphore_mem>>)
      %dma_wait3A_306 = arith.constant 3 : i32
      %dma_wait3A_307 = arith.constant 1 : i32
      %dma_wait3A_308 = arith.constant 0 : i32
      %dma_wait3A_309 = arith.constant 0 : i32
      %dma_wait3A_310 = tpu.memref_slice %arg9[%dma_wait3A_307, %dma_wait3A_308, %dma_wait3A_309] : memref<2x128x128xf32, #tpu.memory_space<vmem>> -> memref<1x128x128xf32, #tpu.memory_space<vmem>>
      %dma_wait3A_311 = tpu.memref_squeeze %dma_wait3A_310 : memref<1x128x128xf32, #tpu.memory_space<vmem>> -> memref<128x128xf32, #tpu.memory_space<vmem>>
      %dma_wait3A_312 = arith.constant 0 : i32
      %dma_wait3A_313 = arith.constant 0 : i32
      %dma_wait3A_314 = tpu.memref_slice %arg8[%and3A_96, %dma_wait3A_312, %dma_wait3A_313] : memref<2x8x128xi32, #tpu.memory_space<vmem>> -> memref<1x8x128xi32, #tpu.memory_space<vmem>>
      %dma_wait3A_315 = tpu.memref_squeeze %dma_wait3A_314 : memref<1x8x128xi32, #tpu.memory_space<vmem>> -> memref<8x128xi32, #tpu.memory_space<vmem>>
      %dma_wait3A_316 = arith.constant 0 : i32
      %dma_wait3A_317 = tpu.memref_slice %dma_wait3A_315[%dma_wait3A_306, %dma_wait3A_316] : memref<8x128xi32, #tpu.memory_space<vmem>> -> memref<1x128xi32, #tpu.memory_space<vmem>>
      %dma_wait3A_318 = tpu.memref_squeeze %dma_wait3A_317 : memref<1x128xi32, #tpu.memory_space<vmem>> -> memref<128xi32, #tpu.memory_space<vmem>>
      %dma_wait3A_319 = arith.constant 0 : i32
      %dma_wait3A_320 = arith.constant 0 : i32
      %dma_wait3A_321 = tpu.memref_slice %arg2[%dma_wait3A_319, %dma_wait3A_320] : memref<10000x128xf32, #tpu.memory_space<hbm>> -> memref<10000x128xf32, #tpu.memory_space<hbm>>
      tpu.wait_indirect_dma semaphore(%arg14 : memref<!tpu.dma_semaphore, #tpu.memory_space<semaphore_mem>>) src(%dma_wait3A_321 : memref<10000x128xf32, #tpu.memory_space<hbm>>) dst(%dma_wait3A_311 : memref<128x128xf32, #tpu.memory_space<vmem>>)
      %dma_start3A_322 = arith.constant 1 : i32
      %dma_start3A_323 = arith.constant 3 : i32
      %dma_start3A_324 = arith.constant 0 : i32
      %dma_start3A_325 = arith.constant 0 : i32
      %dma_start3A_326 = tpu.memref_slice %arg9[%dma_start3A_322, %dma_start3A_324, %dma_start3A_325] : memref<2x128x128xf32, #tpu.memory_space<vmem>> -> memref<1x128x128xf32, #tpu.memory_space<vmem>>
      %dma_start3A_327 = tpu.memref_squeeze %dma_start3A_326 : memref<1x128x128xf32, #tpu.memory_space<vmem>> -> memref<128x128xf32, #tpu.memory_space<vmem>>
      %dma_start3A_328 = arith.constant 0 : i32
      %dma_start3A_329 = arith.constant 0 : i32
      %dma_start3A_330 = tpu.memref_slice %arg7[%and3A_96, %dma_start3A_328, %dma_start3A_329] : memref<2x8x128xi32, #tpu.memory_space<vmem>> -> memref<1x8x128xi32, #tpu.memory_space<vmem>>
      %dma_start3A_331 = tpu.memref_squeeze %dma_start3A_330 : memref<1x8x128xi32, #tpu.memory_space<vmem>> -> memref<8x128xi32, #tpu.memory_space<vmem>>
      %dma_start3A_332 = arith.constant 0 : i32
      %dma_start3A_333 = tpu.memref_slice %dma_start3A_331[%dma_start3A_323, %dma_start3A_332] : memref<8x128xi32, #tpu.memory_space<vmem>> -> memref<1x128xi32, #tpu.memory_space<vmem>>
      %dma_start3A_334 = tpu.memref_squeeze %dma_start3A_333 : memref<1x128xi32, #tpu.memory_space<vmem>> -> memref<128xi32, #tpu.memory_space<vmem>>
      %dma_start3A_335 = arith.constant 0 : i32
      %dma_start3A_336 = arith.constant 0 : i32
      %dma_start3A_337 = tpu.memref_slice %arg12[%dma_start3A_335, %dma_start3A_336] : memref<10240x128xf32, #tpu.memory_space<vmem_shared>> -> memref<10240x128xf32, #tpu.memory_space<vmem_shared>>
      tpu.enqueue_indirect_dma source(%dma_start3A_327 : memref<128x128xf32, #tpu.memory_space<vmem>>) target(%dma_start3A_337 : memref<10240x128xf32, #tpu.memory_space<vmem_shared>>) offsets(%dma_start3A_334 : memref<128xi32, #tpu.memory_space<vmem>>) semaphore(%arg17 : memref<!tpu.dma_semaphore, #tpu.memory_space<semaphore_mem>>) {add = true}
      %run_scoped3A_338 = arith.constant 3 : i32
      "tpu.region"() ({
        %run_scoped3A_590 = tpu.sem_alloc : memref<!tpu.dma_semaphore, #tpu.memory_space<semaphore_mem>>
        %dma_start3A_591 = arith.constant 0 : i32
        %dma_start3A_592 = arith.constant 0 : i32
        %dma_start3A_593 = tpu.memref_slice %arg7[%and3A_96, %dma_start3A_591, %dma_start3A_592] : memref<2x8x128xi32, #tpu.memory_space<vmem>> -> memref<1x8x128xi32, #tpu.memory_space<vmem>>
        %dma_start3A_594 = tpu.memref_squeeze %dma_start3A_593 : memref<1x8x128xi32, #tpu.memory_space<vmem>> -> memref<8x128xi32, #tpu.memory_space<vmem>>
        %dma_start3A_595 = arith.constant 0 : i32
        %dma_start3A_596 = tpu.memref_slice %dma_start3A_594[%run_scoped3A_338, %dma_start3A_595] : memref<8x128xi32, #tpu.memory_space<vmem>> -> memref<1x128xi32, #tpu.memory_space<vmem>>
        %dma_start3A_597 = tpu.memref_squeeze %dma_start3A_596 : memref<1x128xi32, #tpu.memory_space<vmem>> -> memref<128xi32, #tpu.memory_space<vmem>>
        %dma_start3A_598 = arith.constant 0 : i32
        %dma_start3A_599 = tpu.memref_slice %arg13[%dma_start3A_598] : memref<10240xf32, #tpu.memory_space<vmem_shared>> -> memref<10240xf32, #tpu.memory_space<vmem_shared>>
        tpu.enqueue_indirect_dma source(%arg10 : memref<128xf32, #tpu.memory_space<vmem>>) target(%dma_start3A_599 : memref<10240xf32, #tpu.memory_space<vmem_shared>>) offsets(%dma_start3A_597 : memref<128xi32, #tpu.memory_space<vmem>>) semaphore(%run_scoped3A_590 : memref<!tpu.dma_semaphore, #tpu.memory_space<semaphore_mem>>) {add = true}
        %dma_wait3A_600 = arith.constant 0 : i32
        %dma_wait3A_601 = arith.constant 0 : i32
        %dma_wait3A_602 = tpu.memref_slice %arg7[%and3A_96, %dma_wait3A_600, %dma_wait3A_601] : memref<2x8x128xi32, #tpu.memory_space<vmem>> -> memref<1x8x128xi32, #tpu.memory_space<vmem>>
        %dma_wait3A_603 = tpu.memref_squeeze %dma_wait3A_602 : memref<1x8x128xi32, #tpu.memory_space<vmem>> -> memref<8x128xi32, #tpu.memory_space<vmem>>
        %dma_wait3A_604 = arith.constant 0 : i32
        %dma_wait3A_605 = tpu.memref_slice %dma_wait3A_603[%run_scoped3A_338, %dma_wait3A_604] : memref<8x128xi32, #tpu.memory_space<vmem>> -> memref<1x128xi32, #tpu.memory_space<vmem>>
        %dma_wait3A_606 = tpu.memref_squeeze %dma_wait3A_605 : memref<1x128xi32, #tpu.memory_space<vmem>> -> memref<128xi32, #tpu.memory_space<vmem>>
        %dma_wait3A_607 = arith.constant 0 : i32
        %dma_wait3A_608 = tpu.memref_slice %arg13[%dma_wait3A_607] : memref<10240xf32, #tpu.memory_space<vmem_shared>> -> memref<10240xf32, #tpu.memory_space<vmem_shared>>
        tpu.wait_indirect_dma semaphore(%run_scoped3A_590 : memref<!tpu.dma_semaphore, #tpu.memory_space<semaphore_mem>>) src(%arg10 : memref<128xf32, #tpu.memory_space<vmem>>) dst(%dma_wait3A_608 : memref<10240xf32, #tpu.memory_space<vmem_shared>>)
        tpu.yield
      }) : () -> ()
      %dma_wait3A_339 = arith.constant 1 : i32
      %dma_wait3A_340 = arith.constant 3 : i32
      %dma_wait3A_341 = arith.constant 0 : i32
      %dma_wait3A_342 = arith.constant 0 : i32
      %dma_wait3A_343 = tpu.memref_slice %arg9[%dma_wait3A_339, %dma_wait3A_341, %dma_wait3A_342] : memref<2x128x128xf32, #tpu.memory_space<vmem>> -> memref<1x128x128xf32, #tpu.memory_space<vmem>>
      %dma_wait3A_344 = tpu.memref_squeeze %dma_wait3A_343 : memref<1x128x128xf32, #tpu.memory_space<vmem>> -> memref<128x128xf32, #tpu.memory_space<vmem>>
      %dma_wait3A_345 = arith.constant 0 : i32
      %dma_wait3A_346 = arith.constant 0 : i32
      %dma_wait3A_347 = tpu.memref_slice %arg7[%and3A_96, %dma_wait3A_345, %dma_wait3A_346] : memref<2x8x128xi32, #tpu.memory_space<vmem>> -> memref<1x8x128xi32, #tpu.memory_space<vmem>>
      %dma_wait3A_348 = tpu.memref_squeeze %dma_wait3A_347 : memref<1x8x128xi32, #tpu.memory_space<vmem>> -> memref<8x128xi32, #tpu.memory_space<vmem>>
      %dma_wait3A_349 = arith.constant 0 : i32
      %dma_wait3A_350 = tpu.memref_slice %dma_wait3A_348[%dma_wait3A_340, %dma_wait3A_349] : memref<8x128xi32, #tpu.memory_space<vmem>> -> memref<1x128xi32, #tpu.memory_space<vmem>>
      %dma_wait3A_351 = tpu.memref_squeeze %dma_wait3A_350 : memref<1x128xi32, #tpu.memory_space<vmem>> -> memref<128xi32, #tpu.memory_space<vmem>>
      %dma_wait3A_352 = arith.constant 0 : i32
      %dma_wait3A_353 = arith.constant 0 : i32
      %dma_wait3A_354 = tpu.memref_slice %arg12[%dma_wait3A_352, %dma_wait3A_353] : memref<10240x128xf32, #tpu.memory_space<vmem_shared>> -> memref<10240x128xf32, #tpu.memory_space<vmem_shared>>
      tpu.wait_indirect_dma semaphore(%arg17 : memref<!tpu.dma_semaphore, #tpu.memory_space<semaphore_mem>>) src(%dma_wait3A_344 : memref<128x128xf32, #tpu.memory_space<vmem>>) dst(%dma_wait3A_354 : memref<10240x128xf32, #tpu.memory_space<vmem_shared>>)
      %dma_start3A_355 = arith.constant 5 : i32
      %dma_start3A_356 = arith.constant 1 : i32
      %dma_start3A_357 = arith.constant 0 : i32
      %dma_start3A_358 = arith.constant 0 : i32
      %dma_start3A_359 = tpu.memref_slice %arg9[%dma_start3A_356, %dma_start3A_357, %dma_start3A_358] : memref<2x128x128xf32, #tpu.memory_space<vmem>> -> memref<1x128x128xf32, #tpu.memory_space<vmem>>
      %dma_start3A_360 = tpu.memref_squeeze %dma_start3A_359 : memref<1x128x128xf32, #tpu.memory_space<vmem>> -> memref<128x128xf32, #tpu.memory_space<vmem>>
      %dma_start3A_361 = arith.constant 0 : i32
      %dma_start3A_362 = arith.constant 0 : i32
      %dma_start3A_363 = tpu.memref_slice %arg8[%and3A_96, %dma_start3A_361, %dma_start3A_362] : memref<2x8x128xi32, #tpu.memory_space<vmem>> -> memref<1x8x128xi32, #tpu.memory_space<vmem>>
      %dma_start3A_364 = tpu.memref_squeeze %dma_start3A_363 : memref<1x8x128xi32, #tpu.memory_space<vmem>> -> memref<8x128xi32, #tpu.memory_space<vmem>>
      %dma_start3A_365 = arith.constant 0 : i32
      %dma_start3A_366 = tpu.memref_slice %dma_start3A_364[%dma_start3A_355, %dma_start3A_365] : memref<8x128xi32, #tpu.memory_space<vmem>> -> memref<1x128xi32, #tpu.memory_space<vmem>>
      %dma_start3A_367 = tpu.memref_squeeze %dma_start3A_366 : memref<1x128xi32, #tpu.memory_space<vmem>> -> memref<128xi32, #tpu.memory_space<vmem>>
      %dma_start3A_368 = arith.constant 0 : i32
      %dma_start3A_369 = arith.constant 0 : i32
      %dma_start3A_370 = tpu.memref_slice %arg2[%dma_start3A_368, %dma_start3A_369] : memref<10000x128xf32, #tpu.memory_space<hbm>> -> memref<10000x128xf32, #tpu.memory_space<hbm>>
      tpu.enqueue_indirect_dma source(%dma_start3A_370 : memref<10000x128xf32, #tpu.memory_space<hbm>>) target(%dma_start3A_360 : memref<128x128xf32, #tpu.memory_space<vmem>>) offsets(%dma_start3A_367 : memref<128xi32, #tpu.memory_space<vmem>>) semaphore(%arg14 : memref<!tpu.dma_semaphore, #tpu.memory_space<semaphore_mem>>)
      %dma_wait3A_371 = arith.constant 4 : i32
      %dma_wait3A_372 = arith.constant 0 : i32
      %dma_wait3A_373 = arith.constant 0 : i32
      %dma_wait3A_374 = arith.constant 0 : i32
      %dma_wait3A_375 = tpu.memref_slice %arg9[%dma_wait3A_372, %dma_wait3A_373, %dma_wait3A_374] : memref<2x128x128xf32, #tpu.memory_space<vmem>> -> memref<1x128x128xf32, #tpu.memory_space<vmem>>
      %dma_wait3A_376 = tpu.memref_squeeze %dma_wait3A_375 : memref<1x128x128xf32, #tpu.memory_space<vmem>> -> memref<128x128xf32, #tpu.memory_space<vmem>>
      %dma_wait3A_377 = arith.constant 0 : i32
      %dma_wait3A_378 = arith.constant 0 : i32
      %dma_wait3A_379 = tpu.memref_slice %arg8[%and3A_96, %dma_wait3A_377, %dma_wait3A_378] : memref<2x8x128xi32, #tpu.memory_space<vmem>> -> memref<1x8x128xi32, #tpu.memory_space<vmem>>
      %dma_wait3A_380 = tpu.memref_squeeze %dma_wait3A_379 : memref<1x8x128xi32, #tpu.memory_space<vmem>> -> memref<8x128xi32, #tpu.memory_space<vmem>>
      %dma_wait3A_381 = arith.constant 0 : i32
      %dma_wait3A_382 = tpu.memref_slice %dma_wait3A_380[%dma_wait3A_371, %dma_wait3A_381] : memref<8x128xi32, #tpu.memory_space<vmem>> -> memref<1x128xi32, #tpu.memory_space<vmem>>
      %dma_wait3A_383 = tpu.memref_squeeze %dma_wait3A_382 : memref<1x128xi32, #tpu.memory_space<vmem>> -> memref<128xi32, #tpu.memory_space<vmem>>
      %dma_wait3A_384 = arith.constant 0 : i32
      %dma_wait3A_385 = arith.constant 0 : i32
      %dma_wait3A_386 = tpu.memref_slice %arg2[%dma_wait3A_384, %dma_wait3A_385] : memref<10000x128xf32, #tpu.memory_space<hbm>> -> memref<10000x128xf32, #tpu.memory_space<hbm>>
      tpu.wait_indirect_dma semaphore(%arg14 : memref<!tpu.dma_semaphore, #tpu.memory_space<semaphore_mem>>) src(%dma_wait3A_386 : memref<10000x128xf32, #tpu.memory_space<hbm>>) dst(%dma_wait3A_376 : memref<128x128xf32, #tpu.memory_space<vmem>>)
      %dma_start3A_387 = arith.constant 0 : i32
      %dma_start3A_388 = arith.constant 4 : i32
      %dma_start3A_389 = arith.constant 0 : i32
      %dma_start3A_390 = arith.constant 0 : i32
      %dma_start3A_391 = tpu.memref_slice %arg9[%dma_start3A_387, %dma_start3A_389, %dma_start3A_390] : memref<2x128x128xf32, #tpu.memory_space<vmem>> -> memref<1x128x128xf32, #tpu.memory_space<vmem>>
      %dma_start3A_392 = tpu.memref_squeeze %dma_start3A_391 : memref<1x128x128xf32, #tpu.memory_space<vmem>> -> memref<128x128xf32, #tpu.memory_space<vmem>>
      %dma_start3A_393 = arith.constant 0 : i32
      %dma_start3A_394 = arith.constant 0 : i32
      %dma_start3A_395 = tpu.memref_slice %arg7[%and3A_96, %dma_start3A_393, %dma_start3A_394] : memref<2x8x128xi32, #tpu.memory_space<vmem>> -> memref<1x8x128xi32, #tpu.memory_space<vmem>>
      %dma_start3A_396 = tpu.memref_squeeze %dma_start3A_395 : memref<1x8x128xi32, #tpu.memory_space<vmem>> -> memref<8x128xi32, #tpu.memory_space<vmem>>
      %dma_start3A_397 = arith.constant 0 : i32
      %dma_start3A_398 = tpu.memref_slice %dma_start3A_396[%dma_start3A_388, %dma_start3A_397] : memref<8x128xi32, #tpu.memory_space<vmem>> -> memref<1x128xi32, #tpu.memory_space<vmem>>
      %dma_start3A_399 = tpu.memref_squeeze %dma_start3A_398 : memref<1x128xi32, #tpu.memory_space<vmem>> -> memref<128xi32, #tpu.memory_space<vmem>>
      %dma_start3A_400 = arith.constant 0 : i32
      %dma_start3A_401 = arith.constant 0 : i32
      %dma_start3A_402 = tpu.memref_slice %arg12[%dma_start3A_400, %dma_start3A_401] : memref<10240x128xf32, #tpu.memory_space<vmem_shared>> -> memref<10240x128xf32, #tpu.memory_space<vmem_shared>>
      tpu.enqueue_indirect_dma source(%dma_start3A_392 : memref<128x128xf32, #tpu.memory_space<vmem>>) target(%dma_start3A_402 : memref<10240x128xf32, #tpu.memory_space<vmem_shared>>) offsets(%dma_start3A_399 : memref<128xi32, #tpu.memory_space<vmem>>) semaphore(%arg17 : memref<!tpu.dma_semaphore, #tpu.memory_space<semaphore_mem>>) {add = true}
      %run_scoped3A_403 = arith.constant 4 : i32
      "tpu.region"() ({
        %run_scoped3A_590 = tpu.sem_alloc : memref<!tpu.dma_semaphore, #tpu.memory_space<semaphore_mem>>
        %dma_start3A_591 = arith.constant 0 : i32
        %dma_start3A_592 = arith.constant 0 : i32
        %dma_start3A_593 = tpu.memref_slice %arg7[%and3A_96, %dma_start3A_591, %dma_start3A_592] : memref<2x8x128xi32, #tpu.memory_space<vmem>> -> memref<1x8x128xi32, #tpu.memory_space<vmem>>
        %dma_start3A_594 = tpu.memref_squeeze %dma_start3A_593 : memref<1x8x128xi32, #tpu.memory_space<vmem>> -> memref<8x128xi32, #tpu.memory_space<vmem>>
        %dma_start3A_595 = arith.constant 0 : i32
        %dma_start3A_596 = tpu.memref_slice %dma_start3A_594[%run_scoped3A_403, %dma_start3A_595] : memref<8x128xi32, #tpu.memory_space<vmem>> -> memref<1x128xi32, #tpu.memory_space<vmem>>
        %dma_start3A_597 = tpu.memref_squeeze %dma_start3A_596 : memref<1x128xi32, #tpu.memory_space<vmem>> -> memref<128xi32, #tpu.memory_space<vmem>>
        %dma_start3A_598 = arith.constant 0 : i32
        %dma_start3A_599 = tpu.memref_slice %arg13[%dma_start3A_598] : memref<10240xf32, #tpu.memory_space<vmem_shared>> -> memref<10240xf32, #tpu.memory_space<vmem_shared>>
        tpu.enqueue_indirect_dma source(%arg10 : memref<128xf32, #tpu.memory_space<vmem>>) target(%dma_start3A_599 : memref<10240xf32, #tpu.memory_space<vmem_shared>>) offsets(%dma_start3A_597 : memref<128xi32, #tpu.memory_space<vmem>>) semaphore(%run_scoped3A_590 : memref<!tpu.dma_semaphore, #tpu.memory_space<semaphore_mem>>) {add = true}
        %dma_wait3A_600 = arith.constant 0 : i32
        %dma_wait3A_601 = arith.constant 0 : i32
        %dma_wait3A_602 = tpu.memref_slice %arg7[%and3A_96, %dma_wait3A_600, %dma_wait3A_601] : memref<2x8x128xi32, #tpu.memory_space<vmem>> -> memref<1x8x128xi32, #tpu.memory_space<vmem>>
        %dma_wait3A_603 = tpu.memref_squeeze %dma_wait3A_602 : memref<1x8x128xi32, #tpu.memory_space<vmem>> -> memref<8x128xi32, #tpu.memory_space<vmem>>
        %dma_wait3A_604 = arith.constant 0 : i32
        %dma_wait3A_605 = tpu.memref_slice %dma_wait3A_603[%run_scoped3A_403, %dma_wait3A_604] : memref<8x128xi32, #tpu.memory_space<vmem>> -> memref<1x128xi32, #tpu.memory_space<vmem>>
        %dma_wait3A_606 = tpu.memref_squeeze %dma_wait3A_605 : memref<1x128xi32, #tpu.memory_space<vmem>> -> memref<128xi32, #tpu.memory_space<vmem>>
        %dma_wait3A_607 = arith.constant 0 : i32
        %dma_wait3A_608 = tpu.memref_slice %arg13[%dma_wait3A_607] : memref<10240xf32, #tpu.memory_space<vmem_shared>> -> memref<10240xf32, #tpu.memory_space<vmem_shared>>
        tpu.wait_indirect_dma semaphore(%run_scoped3A_590 : memref<!tpu.dma_semaphore, #tpu.memory_space<semaphore_mem>>) src(%arg10 : memref<128xf32, #tpu.memory_space<vmem>>) dst(%dma_wait3A_608 : memref<10240xf32, #tpu.memory_space<vmem_shared>>)
        tpu.yield
      }) : () -> ()
      %dma_wait3A_404 = arith.constant 0 : i32
      %dma_wait3A_405 = arith.constant 4 : i32
      %dma_wait3A_406 = arith.constant 0 : i32
      %dma_wait3A_407 = arith.constant 0 : i32
      %dma_wait3A_408 = tpu.memref_slice %arg9[%dma_wait3A_404, %dma_wait3A_406, %dma_wait3A_407] : memref<2x128x128xf32, #tpu.memory_space<vmem>> -> memref<1x128x128xf32, #tpu.memory_space<vmem>>
      %dma_wait3A_409 = tpu.memref_squeeze %dma_wait3A_408 : memref<1x128x128xf32, #tpu.memory_space<vmem>> -> memref<128x128xf32, #tpu.memory_space<vmem>>
      %dma_wait3A_410 = arith.constant 0 : i32
      %dma_wait3A_411 = arith.constant 0 : i32
      %dma_wait3A_412 = tpu.memref_slice %arg7[%and3A_96, %dma_wait3A_410, %dma_wait3A_411] : memref<2x8x128xi32, #tpu.memory_space<vmem>> -> memref<1x8x128xi32, #tpu.memory_space<vmem>>
      %dma_wait3A_413 = tpu.memref_squeeze %dma_wait3A_412 : memref<1x8x128xi32, #tpu.memory_space<vmem>> -> memref<8x128xi32, #tpu.memory_space<vmem>>
      %dma_wait3A_414 = arith.constant 0 : i32
      %dma_wait3A_415 = tpu.memref_slice %dma_wait3A_413[%dma_wait3A_405, %dma_wait3A_414] : memref<8x128xi32, #tpu.memory_space<vmem>> -> memref<1x128xi32, #tpu.memory_space<vmem>>
      %dma_wait3A_416 = tpu.memref_squeeze %dma_wait3A_415 : memref<1x128xi32, #tpu.memory_space<vmem>> -> memref<128xi32, #tpu.memory_space<vmem>>
      %dma_wait3A_417 = arith.constant 0 : i32
      %dma_wait3A_418 = arith.constant 0 : i32
      %dma_wait3A_419 = tpu.memref_slice %arg12[%dma_wait3A_417, %dma_wait3A_418] : memref<10240x128xf32, #tpu.memory_space<vmem_shared>> -> memref<10240x128xf32, #tpu.memory_space<vmem_shared>>
      tpu.wait_indirect_dma semaphore(%arg17 : memref<!tpu.dma_semaphore, #tpu.memory_space<semaphore_mem>>) src(%dma_wait3A_409 : memref<128x128xf32, #tpu.memory_space<vmem>>) dst(%dma_wait3A_419 : memref<10240x128xf32, #tpu.memory_space<vmem_shared>>)
      %dma_start3A_420 = arith.constant 6 : i32
      %dma_start3A_421 = arith.constant 0 : i32
      %dma_start3A_422 = arith.constant 0 : i32
      %dma_start3A_423 = arith.constant 0 : i32
      %dma_start3A_424 = tpu.memref_slice %arg9[%dma_start3A_421, %dma_start3A_422, %dma_start3A_423] : memref<2x128x128xf32, #tpu.memory_space<vmem>> -> memref<1x128x128xf32, #tpu.memory_space<vmem>>
      %dma_start3A_425 = tpu.memref_squeeze %dma_start3A_424 : memref<1x128x128xf32, #tpu.memory_space<vmem>> -> memref<128x128xf32, #tpu.memory_space<vmem>>
      %dma_start3A_426 = arith.constant 0 : i32
      %dma_start3A_427 = arith.constant 0 : i32
      %dma_start3A_428 = tpu.memref_slice %arg8[%and3A_96, %dma_start3A_426, %dma_start3A_427] : memref<2x8x128xi32, #tpu.memory_space<vmem>> -> memref<1x8x128xi32, #tpu.memory_space<vmem>>
      %dma_start3A_429 = tpu.memref_squeeze %dma_start3A_428 : memref<1x8x128xi32, #tpu.memory_space<vmem>> -> memref<8x128xi32, #tpu.memory_space<vmem>>
      %dma_start3A_430 = arith.constant 0 : i32
      %dma_start3A_431 = tpu.memref_slice %dma_start3A_429[%dma_start3A_420, %dma_start3A_430] : memref<8x128xi32, #tpu.memory_space<vmem>> -> memref<1x128xi32, #tpu.memory_space<vmem>>
      %dma_start3A_432 = tpu.memref_squeeze %dma_start3A_431 : memref<1x128xi32, #tpu.memory_space<vmem>> -> memref<128xi32, #tpu.memory_space<vmem>>
      %dma_start3A_433 = arith.constant 0 : i32
      %dma_start3A_434 = arith.constant 0 : i32
      %dma_start3A_435 = tpu.memref_slice %arg2[%dma_start3A_433, %dma_start3A_434] : memref<10000x128xf32, #tpu.memory_space<hbm>> -> memref<10000x128xf32, #tpu.memory_space<hbm>>
      tpu.enqueue_indirect_dma source(%dma_start3A_435 : memref<10000x128xf32, #tpu.memory_space<hbm>>) target(%dma_start3A_425 : memref<128x128xf32, #tpu.memory_space<vmem>>) offsets(%dma_start3A_432 : memref<128xi32, #tpu.memory_space<vmem>>) semaphore(%arg14 : memref<!tpu.dma_semaphore, #tpu.memory_space<semaphore_mem>>)
      %dma_wait3A_436 = arith.constant 5 : i32
      %dma_wait3A_437 = arith.constant 1 : i32
      %dma_wait3A_438 = arith.constant 0 : i32
      %dma_wait3A_439 = arith.constant 0 : i32
      %dma_wait3A_440 = tpu.memref_slice %arg9[%dma_wait3A_437, %dma_wait3A_438, %dma_wait3A_439] : memref<2x128x128xf32, #tpu.memory_space<vmem>> -> memref<1x128x128xf32, #tpu.memory_space<vmem>>
      %dma_wait3A_441 = tpu.memref_squeeze %dma_wait3A_440 : memref<1x128x128xf32, #tpu.memory_space<vmem>> -> memref<128x128xf32, #tpu.memory_space<vmem>>
      %dma_wait3A_442 = arith.constant 0 : i32
      %dma_wait3A_443 = arith.constant 0 : i32
      %dma_wait3A_444 = tpu.memref_slice %arg8[%and3A_96, %dma_wait3A_442, %dma_wait3A_443] : memref<2x8x128xi32, #tpu.memory_space<vmem>> -> memref<1x8x128xi32, #tpu.memory_space<vmem>>
      %dma_wait3A_445 = tpu.memref_squeeze %dma_wait3A_444 : memref<1x8x128xi32, #tpu.memory_space<vmem>> -> memref<8x128xi32, #tpu.memory_space<vmem>>
      %dma_wait3A_446 = arith.constant 0 : i32
      %dma_wait3A_447 = tpu.memref_slice %dma_wait3A_445[%dma_wait3A_436, %dma_wait3A_446] : memref<8x128xi32, #tpu.memory_space<vmem>> -> memref<1x128xi32, #tpu.memory_space<vmem>>
      %dma_wait3A_448 = tpu.memref_squeeze %dma_wait3A_447 : memref<1x128xi32, #tpu.memory_space<vmem>> -> memref<128xi32, #tpu.memory_space<vmem>>
      %dma_wait3A_449 = arith.constant 0 : i32
      %dma_wait3A_450 = arith.constant 0 : i32
      %dma_wait3A_451 = tpu.memref_slice %arg2[%dma_wait3A_449, %dma_wait3A_450] : memref<10000x128xf32, #tpu.memory_space<hbm>> -> memref<10000x128xf32, #tpu.memory_space<hbm>>
      tpu.wait_indirect_dma semaphore(%arg14 : memref<!tpu.dma_semaphore, #tpu.memory_space<semaphore_mem>>) src(%dma_wait3A_451 : memref<10000x128xf32, #tpu.memory_space<hbm>>) dst(%dma_wait3A_441 : memref<128x128xf32, #tpu.memory_space<vmem>>)
      %dma_start3A_452 = arith.constant 1 : i32
      %dma_start3A_453 = arith.constant 5 : i32
      %dma_start3A_454 = arith.constant 0 : i32
      %dma_start3A_455 = arith.constant 0 : i32
      %dma_start3A_456 = tpu.memref_slice %arg9[%dma_start3A_452, %dma_start3A_454, %dma_start3A_455] : memref<2x128x128xf32, #tpu.memory_space<vmem>> -> memref<1x128x128xf32, #tpu.memory_space<vmem>>
      %dma_start3A_457 = tpu.memref_squeeze %dma_start3A_456 : memref<1x128x128xf32, #tpu.memory_space<vmem>> -> memref<128x128xf32, #tpu.memory_space<vmem>>
      %dma_start3A_458 = arith.constant 0 : i32
      %dma_start3A_459 = arith.constant 0 : i32
      %dma_start3A_460 = tpu.memref_slice %arg7[%and3A_96, %dma_start3A_458, %dma_start3A_459] : memref<2x8x128xi32, #tpu.memory_space<vmem>> -> memref<1x8x128xi32, #tpu.memory_space<vmem>>
      %dma_start3A_461 = tpu.memref_squeeze %dma_start3A_460 : memref<1x8x128xi32, #tpu.memory_space<vmem>> -> memref<8x128xi32, #tpu.memory_space<vmem>>
      %dma_start3A_462 = arith.constant 0 : i32
      %dma_start3A_463 = tpu.memref_slice %dma_start3A_461[%dma_start3A_453, %dma_start3A_462] : memref<8x128xi32, #tpu.memory_space<vmem>> -> memref<1x128xi32, #tpu.memory_space<vmem>>
      %dma_start3A_464 = tpu.memref_squeeze %dma_start3A_463 : memref<1x128xi32, #tpu.memory_space<vmem>> -> memref<128xi32, #tpu.memory_space<vmem>>
      %dma_start3A_465 = arith.constant 0 : i32
      %dma_start3A_466 = arith.constant 0 : i32
      %dma_start3A_467 = tpu.memref_slice %arg12[%dma_start3A_465, %dma_start3A_466] : memref<10240x128xf32, #tpu.memory_space<vmem_shared>> -> memref<10240x128xf32, #tpu.memory_space<vmem_shared>>
      tpu.enqueue_indirect_dma source(%dma_start3A_457 : memref<128x128xf32, #tpu.memory_space<vmem>>) target(%dma_start3A_467 : memref<10240x128xf32, #tpu.memory_space<vmem_shared>>) offsets(%dma_start3A_464 : memref<128xi32, #tpu.memory_space<vmem>>) semaphore(%arg17 : memref<!tpu.dma_semaphore, #tpu.memory_space<semaphore_mem>>) {add = true}
      %run_scoped3A_468 = arith.constant 5 : i32
      "tpu.region"() ({
        %run_scoped3A_590 = tpu.sem_alloc : memref<!tpu.dma_semaphore, #tpu.memory_space<semaphore_mem>>
        %dma_start3A_591 = arith.constant 0 : i32
        %dma_start3A_592 = arith.constant 0 : i32
        %dma_start3A_593 = tpu.memref_slice %arg7[%and3A_96, %dma_start3A_591, %dma_start3A_592] : memref<2x8x128xi32, #tpu.memory_space<vmem>> -> memref<1x8x128xi32, #tpu.memory_space<vmem>>
        %dma_start3A_594 = tpu.memref_squeeze %dma_start3A_593 : memref<1x8x128xi32, #tpu.memory_space<vmem>> -> memref<8x128xi32, #tpu.memory_space<vmem>>
        %dma_start3A_595 = arith.constant 0 : i32
        %dma_start3A_596 = tpu.memref_slice %dma_start3A_594[%run_scoped3A_468, %dma_start3A_595] : memref<8x128xi32, #tpu.memory_space<vmem>> -> memref<1x128xi32, #tpu.memory_space<vmem>>
        %dma_start3A_597 = tpu.memref_squeeze %dma_start3A_596 : memref<1x128xi32, #tpu.memory_space<vmem>> -> memref<128xi32, #tpu.memory_space<vmem>>
        %dma_start3A_598 = arith.constant 0 : i32
        %dma_start3A_599 = tpu.memref_slice %arg13[%dma_start3A_598] : memref<10240xf32, #tpu.memory_space<vmem_shared>> -> memref<10240xf32, #tpu.memory_space<vmem_shared>>
        tpu.enqueue_indirect_dma source(%arg10 : memref<128xf32, #tpu.memory_space<vmem>>) target(%dma_start3A_599 : memref<10240xf32, #tpu.memory_space<vmem_shared>>) offsets(%dma_start3A_597 : memref<128xi32, #tpu.memory_space<vmem>>) semaphore(%run_scoped3A_590 : memref<!tpu.dma_semaphore, #tpu.memory_space<semaphore_mem>>) {add = true}
        %dma_wait3A_600 = arith.constant 0 : i32
        %dma_wait3A_601 = arith.constant 0 : i32
        %dma_wait3A_602 = tpu.memref_slice %arg7[%and3A_96, %dma_wait3A_600, %dma_wait3A_601] : memref<2x8x128xi32, #tpu.memory_space<vmem>> -> memref<1x8x128xi32, #tpu.memory_space<vmem>>
        %dma_wait3A_603 = tpu.memref_squeeze %dma_wait3A_602 : memref<1x8x128xi32, #tpu.memory_space<vmem>> -> memref<8x128xi32, #tpu.memory_space<vmem>>
        %dma_wait3A_604 = arith.constant 0 : i32
        %dma_wait3A_605 = tpu.memref_slice %dma_wait3A_603[%run_scoped3A_468, %dma_wait3A_604] : memref<8x128xi32, #tpu.memory_space<vmem>> -> memref<1x128xi32, #tpu.memory_space<vmem>>
        %dma_wait3A_606 = tpu.memref_squeeze %dma_wait3A_605 : memref<1x128xi32, #tpu.memory_space<vmem>> -> memref<128xi32, #tpu.memory_space<vmem>>
        %dma_wait3A_607 = arith.constant 0 : i32
        %dma_wait3A_608 = tpu.memref_slice %arg13[%dma_wait3A_607] : memref<10240xf32, #tpu.memory_space<vmem_shared>> -> memref<10240xf32, #tpu.memory_space<vmem_shared>>
        tpu.wait_indirect_dma semaphore(%run_scoped3A_590 : memref<!tpu.dma_semaphore, #tpu.memory_space<semaphore_mem>>) src(%arg10 : memref<128xf32, #tpu.memory_space<vmem>>) dst(%dma_wait3A_608 : memref<10240xf32, #tpu.memory_space<vmem_shared>>)
        tpu.yield
      }) : () -> ()
      %dma_wait3A_469 = arith.constant 1 : i32
      %dma_wait3A_470 = arith.constant 5 : i32
      %dma_wait3A_471 = arith.constant 0 : i32
      %dma_wait3A_472 = arith.constant 0 : i32
      %dma_wait3A_473 = tpu.memref_slice %arg9[%dma_wait3A_469, %dma_wait3A_471, %dma_wait3A_472] : memref<2x128x128xf32, #tpu.memory_space<vmem>> -> memref<1x128x128xf32, #tpu.memory_space<vmem>>
      %dma_wait3A_474 = tpu.memref_squeeze %dma_wait3A_473 : memref<1x128x128xf32, #tpu.memory_space<vmem>> -> memref<128x128xf32, #tpu.memory_space<vmem>>
      %dma_wait3A_475 = arith.constant 0 : i32
      %dma_wait3A_476 = arith.constant 0 : i32
      %dma_wait3A_477 = tpu.memref_slice %arg7[%and3A_96, %dma_wait3A_475, %dma_wait3A_476] : memref<2x8x128xi32, #tpu.memory_space<vmem>> -> memref<1x8x128xi32, #tpu.memory_space<vmem>>
      %dma_wait3A_478 = tpu.memref_squeeze %dma_wait3A_477 : memref<1x8x128xi32, #tpu.memory_space<vmem>> -> memref<8x128xi32, #tpu.memory_space<vmem>>
      %dma_wait3A_479 = arith.constant 0 : i32
      %dma_wait3A_480 = tpu.memref_slice %dma_wait3A_478[%dma_wait3A_470, %dma_wait3A_479] : memref<8x128xi32, #tpu.memory_space<vmem>> -> memref<1x128xi32, #tpu.memory_space<vmem>>
      %dma_wait3A_481 = tpu.memref_squeeze %dma_wait3A_480 : memref<1x128xi32, #tpu.memory_space<vmem>> -> memref<128xi32, #tpu.memory_space<vmem>>
      %dma_wait3A_482 = arith.constant 0 : i32
      %dma_wait3A_483 = arith.constant 0 : i32
      %dma_wait3A_484 = tpu.memref_slice %arg12[%dma_wait3A_482, %dma_wait3A_483] : memref<10240x128xf32, #tpu.memory_space<vmem_shared>> -> memref<10240x128xf32, #tpu.memory_space<vmem_shared>>
      tpu.wait_indirect_dma semaphore(%arg17 : memref<!tpu.dma_semaphore, #tpu.memory_space<semaphore_mem>>) src(%dma_wait3A_474 : memref<128x128xf32, #tpu.memory_space<vmem>>) dst(%dma_wait3A_484 : memref<10240x128xf32, #tpu.memory_space<vmem_shared>>)
      %dma_start3A_485 = arith.constant 7 : i32
      %dma_start3A_486 = arith.constant 1 : i32
      %dma_start3A_487 = arith.constant 0 : i32
      %dma_start3A_488 = arith.constant 0 : i32
      %dma_start3A_489 = tpu.memref_slice %arg9[%dma_start3A_486, %dma_start3A_487, %dma_start3A_488] : memref<2x128x128xf32, #tpu.memory_space<vmem>> -> memref<1x128x128xf32, #tpu.memory_space<vmem>>
      %dma_start3A_490 = tpu.memref_squeeze %dma_start3A_489 : memref<1x128x128xf32, #tpu.memory_space<vmem>> -> memref<128x128xf32, #tpu.memory_space<vmem>>
      %dma_start3A_491 = arith.constant 0 : i32
      %dma_start3A_492 = arith.constant 0 : i32
      %dma_start3A_493 = tpu.memref_slice %arg8[%and3A_96, %dma_start3A_491, %dma_start3A_492] : memref<2x8x128xi32, #tpu.memory_space<vmem>> -> memref<1x8x128xi32, #tpu.memory_space<vmem>>
      %dma_start3A_494 = tpu.memref_squeeze %dma_start3A_493 : memref<1x8x128xi32, #tpu.memory_space<vmem>> -> memref<8x128xi32, #tpu.memory_space<vmem>>
      %dma_start3A_495 = arith.constant 0 : i32
      %dma_start3A_496 = tpu.memref_slice %dma_start3A_494[%dma_start3A_485, %dma_start3A_495] : memref<8x128xi32, #tpu.memory_space<vmem>> -> memref<1x128xi32, #tpu.memory_space<vmem>>
      %dma_start3A_497 = tpu.memref_squeeze %dma_start3A_496 : memref<1x128xi32, #tpu.memory_space<vmem>> -> memref<128xi32, #tpu.memory_space<vmem>>
      %dma_start3A_498 = arith.constant 0 : i32
      %dma_start3A_499 = arith.constant 0 : i32
      %dma_start3A_500 = tpu.memref_slice %arg2[%dma_start3A_498, %dma_start3A_499] : memref<10000x128xf32, #tpu.memory_space<hbm>> -> memref<10000x128xf32, #tpu.memory_space<hbm>>
      tpu.enqueue_indirect_dma source(%dma_start3A_500 : memref<10000x128xf32, #tpu.memory_space<hbm>>) target(%dma_start3A_490 : memref<128x128xf32, #tpu.memory_space<vmem>>) offsets(%dma_start3A_497 : memref<128xi32, #tpu.memory_space<vmem>>) semaphore(%arg14 : memref<!tpu.dma_semaphore, #tpu.memory_space<semaphore_mem>>)
      %dma_wait3A_501 = arith.constant 6 : i32
      %dma_wait3A_502 = arith.constant 0 : i32
      %dma_wait3A_503 = arith.constant 0 : i32
      %dma_wait3A_504 = arith.constant 0 : i32
      %dma_wait3A_505 = tpu.memref_slice %arg9[%dma_wait3A_502, %dma_wait3A_503, %dma_wait3A_504] : memref<2x128x128xf32, #tpu.memory_space<vmem>> -> memref<1x128x128xf32, #tpu.memory_space<vmem>>
      %dma_wait3A_506 = tpu.memref_squeeze %dma_wait3A_505 : memref<1x128x128xf32, #tpu.memory_space<vmem>> -> memref<128x128xf32, #tpu.memory_space<vmem>>
      %dma_wait3A_507 = arith.constant 0 : i32
      %dma_wait3A_508 = arith.constant 0 : i32
      %dma_wait3A_509 = tpu.memref_slice %arg8[%and3A_96, %dma_wait3A_507, %dma_wait3A_508] : memref<2x8x128xi32, #tpu.memory_space<vmem>> -> memref<1x8x128xi32, #tpu.memory_space<vmem>>
      %dma_wait3A_510 = tpu.memref_squeeze %dma_wait3A_509 : memref<1x8x128xi32, #tpu.memory_space<vmem>> -> memref<8x128xi32, #tpu.memory_space<vmem>>
      %dma_wait3A_511 = arith.constant 0 : i32
      %dma_wait3A_512 = tpu.memref_slice %dma_wait3A_510[%dma_wait3A_501, %dma_wait3A_511] : memref<8x128xi32, #tpu.memory_space<vmem>> -> memref<1x128xi32, #tpu.memory_space<vmem>>
      %dma_wait3A_513 = tpu.memref_squeeze %dma_wait3A_512 : memref<1x128xi32, #tpu.memory_space<vmem>> -> memref<128xi32, #tpu.memory_space<vmem>>
      %dma_wait3A_514 = arith.constant 0 : i32
      %dma_wait3A_515 = arith.constant 0 : i32
      %dma_wait3A_516 = tpu.memref_slice %arg2[%dma_wait3A_514, %dma_wait3A_515] : memref<10000x128xf32, #tpu.memory_space<hbm>> -> memref<10000x128xf32, #tpu.memory_space<hbm>>
      tpu.wait_indirect_dma semaphore(%arg14 : memref<!tpu.dma_semaphore, #tpu.memory_space<semaphore_mem>>) src(%dma_wait3A_516 : memref<10000x128xf32, #tpu.memory_space<hbm>>) dst(%dma_wait3A_506 : memref<128x128xf32, #tpu.memory_space<vmem>>)
      %dma_start3A_517 = arith.constant 0 : i32
      %dma_start3A_518 = arith.constant 6 : i32
      %dma_start3A_519 = arith.constant 0 : i32
      %dma_start3A_520 = arith.constant 0 : i32
      %dma_start3A_521 = tpu.memref_slice %arg9[%dma_start3A_517, %dma_start3A_519, %dma_start3A_520] : memref<2x128x128xf32, #tpu.memory_space<vmem>> -> memref<1x128x128xf32, #tpu.memory_space<vmem>>
      %dma_start3A_522 = tpu.memref_squeeze %dma_start3A_521 : memref<1x128x128xf32, #tpu.memory_space<vmem>> -> memref<128x128xf32, #tpu.memory_space<vmem>>
      %dma_start3A_523 = arith.constant 0 : i32
      %dma_start3A_524 = arith.constant 0 : i32
      %dma_start3A_525 = tpu.memref_slice %arg7[%and3A_96, %dma_start3A_523, %dma_start3A_524] : memref<2x8x128xi32, #tpu.memory_space<vmem>> -> memref<1x8x128xi32, #tpu.memory_space<vmem>>
      %dma_start3A_526 = tpu.memref_squeeze %dma_start3A_525 : memref<1x8x128xi32, #tpu.memory_space<vmem>> -> memref<8x128xi32, #tpu.memory_space<vmem>>
      %dma_start3A_527 = arith.constant 0 : i32
      %dma_start3A_528 = tpu.memref_slice %dma_start3A_526[%dma_start3A_518, %dma_start3A_527] : memref<8x128xi32, #tpu.memory_space<vmem>> -> memref<1x128xi32, #tpu.memory_space<vmem>>
      %dma_start3A_529 = tpu.memref_squeeze %dma_start3A_528 : memref<1x128xi32, #tpu.memory_space<vmem>> -> memref<128xi32, #tpu.memory_space<vmem>>
      %dma_start3A_530 = arith.constant 0 : i32
      %dma_start3A_531 = arith.constant 0 : i32
      %dma_start3A_532 = tpu.memref_slice %arg12[%dma_start3A_530, %dma_start3A_531] : memref<10240x128xf32, #tpu.memory_space<vmem_shared>> -> memref<10240x128xf32, #tpu.memory_space<vmem_shared>>
      tpu.enqueue_indirect_dma source(%dma_start3A_522 : memref<128x128xf32, #tpu.memory_space<vmem>>) target(%dma_start3A_532 : memref<10240x128xf32, #tpu.memory_space<vmem_shared>>) offsets(%dma_start3A_529 : memref<128xi32, #tpu.memory_space<vmem>>) semaphore(%arg17 : memref<!tpu.dma_semaphore, #tpu.memory_space<semaphore_mem>>) {add = true}
      %run_scoped3A_533 = arith.constant 6 : i32
      "tpu.region"() ({
        %run_scoped3A_590 = tpu.sem_alloc : memref<!tpu.dma_semaphore, #tpu.memory_space<semaphore_mem>>
        %dma_start3A_591 = arith.constant 0 : i32
        %dma_start3A_592 = arith.constant 0 : i32
        %dma_start3A_593 = tpu.memref_slice %arg7[%and3A_96, %dma_start3A_591, %dma_start3A_592] : memref<2x8x128xi32, #tpu.memory_space<vmem>> -> memref<1x8x128xi32, #tpu.memory_space<vmem>>
        %dma_start3A_594 = tpu.memref_squeeze %dma_start3A_593 : memref<1x8x128xi32, #tpu.memory_space<vmem>> -> memref<8x128xi32, #tpu.memory_space<vmem>>
        %dma_start3A_595 = arith.constant 0 : i32
        %dma_start3A_596 = tpu.memref_slice %dma_start3A_594[%run_scoped3A_533, %dma_start3A_595] : memref<8x128xi32, #tpu.memory_space<vmem>> -> memref<1x128xi32, #tpu.memory_space<vmem>>
        %dma_start3A_597 = tpu.memref_squeeze %dma_start3A_596 : memref<1x128xi32, #tpu.memory_space<vmem>> -> memref<128xi32, #tpu.memory_space<vmem>>
        %dma_start3A_598 = arith.constant 0 : i32
        %dma_start3A_599 = tpu.memref_slice %arg13[%dma_start3A_598] : memref<10240xf32, #tpu.memory_space<vmem_shared>> -> memref<10240xf32, #tpu.memory_space<vmem_shared>>
        tpu.enqueue_indirect_dma source(%arg10 : memref<128xf32, #tpu.memory_space<vmem>>) target(%dma_start3A_599 : memref<10240xf32, #tpu.memory_space<vmem_shared>>) offsets(%dma_start3A_597 : memref<128xi32, #tpu.memory_space<vmem>>) semaphore(%run_scoped3A_590 : memref<!tpu.dma_semaphore, #tpu.memory_space<semaphore_mem>>) {add = true}
        %dma_wait3A_600 = arith.constant 0 : i32
        %dma_wait3A_601 = arith.constant 0 : i32
        %dma_wait3A_602 = tpu.memref_slice %arg7[%and3A_96, %dma_wait3A_600, %dma_wait3A_601] : memref<2x8x128xi32, #tpu.memory_space<vmem>> -> memref<1x8x128xi32, #tpu.memory_space<vmem>>
        %dma_wait3A_603 = tpu.memref_squeeze %dma_wait3A_602 : memref<1x8x128xi32, #tpu.memory_space<vmem>> -> memref<8x128xi32, #tpu.memory_space<vmem>>
        %dma_wait3A_604 = arith.constant 0 : i32
        %dma_wait3A_605 = tpu.memref_slice %dma_wait3A_603[%run_scoped3A_533, %dma_wait3A_604] : memref<8x128xi32, #tpu.memory_space<vmem>> -> memref<1x128xi32, #tpu.memory_space<vmem>>
        %dma_wait3A_606 = tpu.memref_squeeze %dma_wait3A_605 : memref<1x128xi32, #tpu.memory_space<vmem>> -> memref<128xi32, #tpu.memory_space<vmem>>
        %dma_wait3A_607 = arith.constant 0 : i32
        %dma_wait3A_608 = tpu.memref_slice %arg13[%dma_wait3A_607] : memref<10240xf32, #tpu.memory_space<vmem_shared>> -> memref<10240xf32, #tpu.memory_space<vmem_shared>>
        tpu.wait_indirect_dma semaphore(%run_scoped3A_590 : memref<!tpu.dma_semaphore, #tpu.memory_space<semaphore_mem>>) src(%arg10 : memref<128xf32, #tpu.memory_space<vmem>>) dst(%dma_wait3A_608 : memref<10240xf32, #tpu.memory_space<vmem_shared>>)
        tpu.yield
      }) : () -> ()
      %dma_wait3A_534 = arith.constant 0 : i32
      %dma_wait3A_535 = arith.constant 6 : i32
      %dma_wait3A_536 = arith.constant 0 : i32
      %dma_wait3A_537 = arith.constant 0 : i32
      %dma_wait3A_538 = tpu.memref_slice %arg9[%dma_wait3A_534, %dma_wait3A_536, %dma_wait3A_537] : memref<2x128x128xf32, #tpu.memory_space<vmem>> -> memref<1x128x128xf32, #tpu.memory_space<vmem>>
      %dma_wait3A_539 = tpu.memref_squeeze %dma_wait3A_538 : memref<1x128x128xf32, #tpu.memory_space<vmem>> -> memref<128x128xf32, #tpu.memory_space<vmem>>
      %dma_wait3A_540 = arith.constant 0 : i32
      %dma_wait3A_541 = arith.constant 0 : i32
      %dma_wait3A_542 = tpu.memref_slice %arg7[%and3A_96, %dma_wait3A_540, %dma_wait3A_541] : memref<2x8x128xi32, #tpu.memory_space<vmem>> -> memref<1x8x128xi32, #tpu.memory_space<vmem>>
      %dma_wait3A_543 = tpu.memref_squeeze %dma_wait3A_542 : memref<1x8x128xi32, #tpu.memory_space<vmem>> -> memref<8x128xi32, #tpu.memory_space<vmem>>
      %dma_wait3A_544 = arith.constant 0 : i32
      %dma_wait3A_545 = tpu.memref_slice %dma_wait3A_543[%dma_wait3A_535, %dma_wait3A_544] : memref<8x128xi32, #tpu.memory_space<vmem>> -> memref<1x128xi32, #tpu.memory_space<vmem>>
      %dma_wait3A_546 = tpu.memref_squeeze %dma_wait3A_545 : memref<1x128xi32, #tpu.memory_space<vmem>> -> memref<128xi32, #tpu.memory_space<vmem>>
      %dma_wait3A_547 = arith.constant 0 : i32
      %dma_wait3A_548 = arith.constant 0 : i32
      %dma_wait3A_549 = tpu.memref_slice %arg12[%dma_wait3A_547, %dma_wait3A_548] : memref<10240x128xf32, #tpu.memory_space<vmem_shared>> -> memref<10240x128xf32, #tpu.memory_space<vmem_shared>>
      tpu.wait_indirect_dma semaphore(%arg17 : memref<!tpu.dma_semaphore, #tpu.memory_space<semaphore_mem>>) src(%dma_wait3A_539 : memref<128x128xf32, #tpu.memory_space<vmem>>) dst(%dma_wait3A_549 : memref<10240x128xf32, #tpu.memory_space<vmem_shared>>)
      %add3A_550 = arith.constant 1 : i32
      %add3A_551 = arith.addi %scan3A_94, %add3A_550 : i32
      %lt3A_552 = arith.constant 10 : i32
      %lt3A_553 = arith.cmpi slt, %add3A_551, %lt3A_552 : i32
      %convert_element_type3A_554 = arith.extui %lt3A_553 : i1 to i32
      %cond3A_555 = arith.constant 0 : i32
      %cond3A_556 = arith.cmpi ne, %convert_element_type3A_554, %cond3A_555 : i32
      scf.if %cond3A_556 {
        %add3A_590 = arith.constant 1 : i32
        %add3A_591 = arith.addi %scan3A_94, %add3A_590 : i32
        %dma_wait3A_592 = arith.constant 0 : i32
        %dma_wait3A_593 = arith.constant 0 : i32
        %dma_wait3A_594 = tpu.memref_slice %arg7[%xor3A_97, %dma_wait3A_592, %dma_wait3A_593] : memref<2x8x128xi32, #tpu.memory_space<vmem>> -> memref<1x8x128xi32, #tpu.memory_space<vmem>>
        %dma_wait3A_595 = tpu.memref_squeeze %dma_wait3A_594 : memref<1x8x128xi32, #tpu.memory_space<vmem>> -> memref<8x128xi32, #tpu.memory_space<vmem>>
        %dma_wait3A_596 = arith.constant 0 : i32
        %dma_wait3A_597 = arith.constant 0 : i32
        %dma_wait3A_598 = tpu.memref_slice %arg3[%arg0, %arg1, %add3A_591, %dma_wait3A_596, %dma_wait3A_597] : memref<2x16x10x8x128xi32, #tpu.memory_space<hbm>> -> memref<1x1x1x8x128xi32, #tpu.memory_space<hbm>>
        %dma_wait3A_599 = tpu.memref_squeeze %dma_wait3A_598 : memref<1x1x1x8x128xi32, #tpu.memory_space<hbm>> -> memref<8x128xi32, #tpu.memory_space<hbm>>
        %dma_wait3A_600 = arith.constant 0 : i32
        %dma_wait3A_601 = arith.constant 0 : i32
        %dma_wait3A_602 = tpu.memref_slice %arg7[%xor3A_97, %dma_wait3A_600, %dma_wait3A_601] : memref<2x8x128xi32, #tpu.memory_space<vmem>> -> memref<1x8x128xi32, #tpu.memory_space<vmem>>
        %dma_wait3A_603 = tpu.memref_squeeze %dma_wait3A_602 : memref<1x8x128xi32, #tpu.memory_space<vmem>> -> memref<8x128xi32, #tpu.memory_space<vmem>>
        %dma_wait3A_604 = arith.constant 0 : i32
        %dma_wait3A_605 = arith.constant 0 : i32
        %dma_wait3A_606 = tpu.memref_slice %arg3[%arg0, %arg1, %add3A_591, %dma_wait3A_604, %dma_wait3A_605] : memref<2x16x10x8x128xi32, #tpu.memory_space<hbm>> -> memref<1x1x1x8x128xi32, #tpu.memory_space<hbm>>
        %dma_wait3A_607 = tpu.memref_squeeze %dma_wait3A_606 : memref<1x1x1x8x128xi32, #tpu.memory_space<hbm>> -> memref<8x128xi32, #tpu.memory_space<hbm>>
        tpu.wait_dma2 semaphore(%arg15 : memref<!tpu.dma_semaphore, #tpu.memory_space<semaphore_mem>>) src(%dma_wait3A_607 : memref<8x128xi32, #tpu.memory_space<hbm>>) dst(%dma_wait3A_603 : memref<8x128xi32, #tpu.memory_space<vmem>>)
        %add3A_608 = arith.constant 1 : i32
        %add3A_609 = arith.addi %scan3A_94, %add3A_608 : i32
        %dma_wait3A_610 = arith.constant 0 : i32
        %dma_wait3A_611 = arith.constant 0 : i32
        %dma_wait3A_612 = tpu.memref_slice %arg8[%xor3A_97, %dma_wait3A_610, %dma_wait3A_611] : memref<2x8x128xi32, #tpu.memory_space<vmem>> -> memref<1x8x128xi32, #tpu.memory_space<vmem>>
        %dma_wait3A_613 = tpu.memref_squeeze %dma_wait3A_612 : memref<1x8x128xi32, #tpu.memory_space<vmem>> -> memref<8x128xi32, #tpu.memory_space<vmem>>
        %dma_wait3A_614 = arith.constant 0 : i32
        %dma_wait3A_615 = arith.constant 0 : i32
        %dma_wait3A_616 = tpu.memref_slice %arg4[%arg0, %arg1, %add3A_609, %dma_wait3A_614, %dma_wait3A_615] : memref<2x16x10x8x128xi32, #tpu.memory_space<hbm>> -> memref<1x1x1x8x128xi32, #tpu.memory_space<hbm>>
        %dma_wait3A_617 = tpu.memref_squeeze %dma_wait3A_616 : memref<1x1x1x8x128xi32, #tpu.memory_space<hbm>> -> memref<8x128xi32, #tpu.memory_space<hbm>>
        %dma_wait3A_618 = arith.constant 0 : i32
        %dma_wait3A_619 = arith.constant 0 : i32
        %dma_wait3A_620 = tpu.memref_slice %arg8[%xor3A_97, %dma_wait3A_618, %dma_wait3A_619] : memref<2x8x128xi32, #tpu.memory_space<vmem>> -> memref<1x8x128xi32, #tpu.memory_space<vmem>>
        %dma_wait3A_621 = tpu.memref_squeeze %dma_wait3A_620 : memref<1x8x128xi32, #tpu.memory_space<vmem>> -> memref<8x128xi32, #tpu.memory_space<vmem>>
        %dma_wait3A_622 = arith.constant 0 : i32
        %dma_wait3A_623 = arith.constant 0 : i32
        %dma_wait3A_624 = tpu.memref_slice %arg4[%arg0, %arg1, %add3A_609, %dma_wait3A_622, %dma_wait3A_623] : memref<2x16x10x8x128xi32, #tpu.memory_space<hbm>> -> memref<1x1x1x8x128xi32, #tpu.memory_space<hbm>>
        %dma_wait3A_625 = tpu.memref_squeeze %dma_wait3A_624 : memref<1x1x1x8x128xi32, #tpu.memory_space<hbm>> -> memref<8x128xi32, #tpu.memory_space<hbm>>
        tpu.wait_dma2 semaphore(%arg16 : memref<!tpu.dma_semaphore, #tpu.memory_space<semaphore_mem>>) src(%dma_wait3A_625 : memref<8x128xi32, #tpu.memory_space<hbm>>) dst(%dma_wait3A_621 : memref<8x128xi32, #tpu.memory_space<vmem>>)
        %dma_start3A_626 = arith.constant 0 : i32
        %dma_start3A_627 = arith.constant 0 : i32
        %dma_start3A_628 = arith.constant 0 : i32
        %dma_start3A_629 = arith.constant 0 : i32
        %dma_start3A_630 = tpu.memref_slice %arg9[%dma_start3A_627, %dma_start3A_628, %dma_start3A_629] : memref<2x128x128xf32, #tpu.memory_space<vmem>> -> memref<1x128x128xf32, #tpu.memory_space<vmem>>
        %dma_start3A_631 = tpu.memref_squeeze %dma_start3A_630 : memref<1x128x128xf32, #tpu.memory_space<vmem>> -> memref<128x128xf32, #tpu.memory_space<vmem>>
        %dma_start3A_632 = arith.constant 0 : i32
        %dma_start3A_633 = arith.constant 0 : i32
        %dma_start3A_634 = tpu.memref_slice %arg8[%xor3A_97, %dma_start3A_632, %dma_start3A_633] : memref<2x8x128xi32, #tpu.memory_space<vmem>> -> memref<1x8x128xi32, #tpu.memory_space<vmem>>
        %dma_start3A_635 = tpu.memref_squeeze %dma_start3A_634 : memref<1x8x128xi32, #tpu.memory_space<vmem>> -> memref<8x128xi32, #tpu.memory_space<vmem>>
        %dma_start3A_636 = arith.constant 0 : i32
        %dma_start3A_637 = tpu.memref_slice %dma_start3A_635[%dma_start3A_626, %dma_start3A_636] : memref<8x128xi32, #tpu.memory_space<vmem>> -> memref<1x128xi32, #tpu.memory_space<vmem>>
        %dma_start3A_638 = tpu.memref_squeeze %dma_start3A_637 : memref<1x128xi32, #tpu.memory_space<vmem>> -> memref<128xi32, #tpu.memory_space<vmem>>
        %dma_start3A_639 = arith.constant 0 : i32
        %dma_start3A_640 = arith.constant 0 : i32
        %dma_start3A_641 = tpu.memref_slice %arg2[%dma_start3A_639, %dma_start3A_640] : memref<10000x128xf32, #tpu.memory_space<hbm>> -> memref<10000x128xf32, #tpu.memory_space<hbm>>
        tpu.enqueue_indirect_dma source(%dma_start3A_641 : memref<10000x128xf32, #tpu.memory_space<hbm>>) target(%dma_start3A_631 : memref<128x128xf32, #tpu.memory_space<vmem>>) offsets(%dma_start3A_638 : memref<128xi32, #tpu.memory_space<vmem>>) semaphore(%arg14 : memref<!tpu.dma_semaphore, #tpu.memory_space<semaphore_mem>>)
      } else {
      }
      %dma_wait3A_557 = arith.constant 7 : i32
      %dma_wait3A_558 = arith.constant 1 : i32
      %dma_wait3A_559 = arith.constant 0 : i32
      %dma_wait3A_560 = arith.constant 0 : i32
      %dma_wait3A_561 = tpu.memref_slice %arg9[%dma_wait3A_558, %dma_wait3A_559, %dma_wait3A_560] : memref<2x128x128xf32, #tpu.memory_space<vmem>> -> memref<1x128x128xf32, #tpu.memory_space<vmem>>
      %dma_wait3A_562 = tpu.memref_squeeze %dma_wait3A_561 : memref<1x128x128xf32, #tpu.memory_space<vmem>> -> memref<128x128xf32, #tpu.memory_space<vmem>>
      %dma_wait3A_563 = arith.constant 0 : i32
      %dma_wait3A_564 = arith.constant 0 : i32
      %dma_wait3A_565 = tpu.memref_slice %arg8[%and3A_96, %dma_wait3A_563, %dma_wait3A_564] : memref<2x8x128xi32, #tpu.memory_space<vmem>> -> memref<1x8x128xi32, #tpu.memory_space<vmem>>
      %dma_wait3A_566 = tpu.memref_squeeze %dma_wait3A_565 : memref<1x8x128xi32, #tpu.memory_space<vmem>> -> memref<8x128xi32, #tpu.memory_space<vmem>>
      %dma_wait3A_567 = arith.constant 0 : i32
      %dma_wait3A_568 = tpu.memref_slice %dma_wait3A_566[%dma_wait3A_557, %dma_wait3A_567] : memref<8x128xi32, #tpu.memory_space<vmem>> -> memref<1x128xi32, #tpu.memory_space<vmem>>
      %dma_wait3A_569 = tpu.memref_squeeze %dma_wait3A_568 : memref<1x128xi32, #tpu.memory_space<vmem>> -> memref<128xi32, #tpu.memory_space<vmem>>
      %dma_wait3A_570 = arith.constant 0 : i32
      %dma_wait3A_571 = arith.constant 0 : i32
      %dma_wait3A_572 = tpu.memref_slice %arg2[%dma_wait3A_570, %dma_wait3A_571] : memref<10000x128xf32, #tpu.memory_space<hbm>> -> memref<10000x128xf32, #tpu.memory_space<hbm>>
      tpu.wait_indirect_dma semaphore(%arg14 : memref<!tpu.dma_semaphore, #tpu.memory_space<semaphore_mem>>) src(%dma_wait3A_572 : memref<10000x128xf32, #tpu.memory_space<hbm>>) dst(%dma_wait3A_562 : memref<128x128xf32, #tpu.memory_space<vmem>>)
      %dma_start3A_573 = arith.constant 1 : i32
      %dma_start3A_574 = arith.constant 7 : i32
      %dma_start3A_575 = arith.constant 0 : i32
      %dma_start3A_576 = arith.constant 0 : i32
      %dma_start3A_577 = tpu.memref_slice %arg9[%dma_start3A_573, %dma_start3A_575, %dma_start3A_576] : memref<2x128x128xf32, #tpu.memory_space<vmem>> -> memref<1x128x128xf32, #tpu.memory_space<vmem>>
      %dma_start3A_578 = tpu.memref_squeeze %dma_start3A_577 : memref<1x128x128xf32, #tpu.memory_space<vmem>> -> memref<128x128xf32, #tpu.memory_space<vmem>>
      %dma_start3A_579 = arith.constant 0 : i32
      %dma_start3A_580 = arith.constant 0 : i32
      %dma_start3A_581 = tpu.memref_slice %arg7[%and3A_96, %dma_start3A_579, %dma_start3A_580] : memref<2x8x128xi32, #tpu.memory_space<vmem>> -> memref<1x8x128xi32, #tpu.memory_space<vmem>>
      %dma_start3A_582 = tpu.memref_squeeze %dma_start3A_581 : memref<1x8x128xi32, #tpu.memory_space<vmem>> -> memref<8x128xi32, #tpu.memory_space<vmem>>
      %dma_start3A_583 = arith.constant 0 : i32
      %dma_start3A_584 = tpu.memref_slice %dma_start3A_582[%dma_start3A_574, %dma_start3A_583] : memref<8x128xi32, #tpu.memory_space<vmem>> -> memref<1x128xi32, #tpu.memory_space<vmem>>
      %dma_start3A_585 = tpu.memref_squeeze %dma_start3A_584 : memref<1x128xi32, #tpu.memory_space<vmem>> -> memref<128xi32, #tpu.memory_space<vmem>>
      %dma_start3A_586 = arith.constant 0 : i32
      %dma_start3A_587 = arith.constant 0 : i32
      %dma_start3A_588 = tpu.memref_slice %arg12[%dma_start3A_586, %dma_start3A_587] : memref<10240x128xf32, #tpu.memory_space<vmem_shared>> -> memref<10240x128xf32, #tpu.memory_space<vmem_shared>>
      tpu.enqueue_indirect_dma source(%dma_start3A_578 : memref<128x128xf32, #tpu.memory_space<vmem>>) target(%dma_start3A_588 : memref<10240x128xf32, #tpu.memory_space<vmem_shared>>) offsets(%dma_start3A_585 : memref<128xi32, #tpu.memory_space<vmem>>) semaphore(%arg17 : memref<!tpu.dma_semaphore, #tpu.memory_space<semaphore_mem>>) {add = true}
      %run_scoped3A_589 = arith.constant 7 : i32
      "tpu.region"() ({
        %run_scoped3A_590 = tpu.sem_alloc : memref<!tpu.dma_semaphore, #tpu.memory_space<semaphore_mem>>
        %dma_start3A_591 = arith.constant 0 : i32
        %dma_start3A_592 = arith.constant 0 : i32
        %dma_start3A_593 = tpu.memref_slice %arg7[%and3A_96, %dma_start3A_591, %dma_start3A_592] : memref<2x8x128xi32, #tpu.memory_space<vmem>> -> memref<1x8x128xi32, #tpu.memory_space<vmem>>
        %dma_start3A_594 = tpu.memref_squeeze %dma_start3A_593 : memref<1x8x128xi32, #tpu.memory_space<vmem>> -> memref<8x128xi32, #tpu.memory_space<vmem>>
        %dma_start3A_595 = arith.constant 0 : i32
        %dma_start3A_596 = tpu.memref_slice %dma_start3A_594[%run_scoped3A_589, %dma_start3A_595] : memref<8x128xi32, #tpu.memory_space<vmem>> -> memref<1x128xi32, #tpu.memory_space<vmem>>
        %dma_start3A_597 = tpu.memref_squeeze %dma_start3A_596 : memref<1x128xi32, #tpu.memory_space<vmem>> -> memref<128xi32, #tpu.memory_space<vmem>>
        %dma_start3A_598 = arith.constant 0 : i32
        %dma_start3A_599 = tpu.memref_slice %arg13[%dma_start3A_598] : memref<10240xf32, #tpu.memory_space<vmem_shared>> -> memref<10240xf32, #tpu.memory_space<vmem_shared>>
        tpu.enqueue_indirect_dma source(%arg10 : memref<128xf32, #tpu.memory_space<vmem>>) target(%dma_start3A_599 : memref<10240xf32, #tpu.memory_space<vmem_shared>>) offsets(%dma_start3A_597 : memref<128xi32, #tpu.memory_space<vmem>>) semaphore(%run_scoped3A_590 : memref<!tpu.dma_semaphore, #tpu.memory_space<semaphore_mem>>) {add = true}
        %dma_wait3A_600 = arith.constant 0 : i32
        %dma_wait3A_601 = arith.constant 0 : i32
        %dma_wait3A_602 = tpu.memref_slice %arg7[%and3A_96, %dma_wait3A_600, %dma_wait3A_601] : memref<2x8x128xi32, #tpu.memory_space<vmem>> -> memref<1x8x128xi32, #tpu.memory_space<vmem>>
        %dma_wait3A_603 = tpu.memref_squeeze %dma_wait3A_602 : memref<1x8x128xi32, #tpu.memory_space<vmem>> -> memref<8x128xi32, #tpu.memory_space<vmem>>
        %dma_wait3A_604 = arith.constant 0 : i32
        %dma_wait3A_605 = tpu.memref_slice %dma_wait3A_603[%run_scoped3A_589, %dma_wait3A_604] : memref<8x128xi32, #tpu.memory_space<vmem>> -> memref<1x128xi32, #tpu.memory_space<vmem>>
        %dma_wait3A_606 = tpu.memref_squeeze %dma_wait3A_605 : memref<1x128xi32, #tpu.memory_space<vmem>> -> memref<128xi32, #tpu.memory_space<vmem>>
        %dma_wait3A_607 = arith.constant 0 : i32
        %dma_wait3A_608 = tpu.memref_slice %arg13[%dma_wait3A_607] : memref<10240xf32, #tpu.memory_space<vmem_shared>> -> memref<10240xf32, #tpu.memory_space<vmem_shared>>
        tpu.wait_indirect_dma semaphore(%run_scoped3A_590 : memref<!tpu.dma_semaphore, #tpu.memory_space<semaphore_mem>>) src(%arg10 : memref<128xf32, #tpu.memory_space<vmem>>) dst(%dma_wait3A_608 : memref<10240xf32, #tpu.memory_space<vmem_shared>>)
        tpu.yield
      }) : () -> ()
    }
    %scan3A_59 = arith.constant 10 : i32
    %and3A = arith.constant 9 : i32
    %and3A_60 = arith.constant 1 : i32
    %and3A_61 = arith.andi %and3A, %and3A_60 : i32
    %dma_wait3A = arith.constant 0 : i32
    %dma_wait3A_62 = arith.constant 6 : i32
    %dma_wait3A_63 = arith.constant 0 : i32
    %dma_wait3A_64 = arith.constant 0 : i32
    %dma_wait3A_65 = tpu.memref_slice %arg9[%dma_wait3A, %dma_wait3A_63, %dma_wait3A_64] : memref<2x128x128xf32, #tpu.memory_space<vmem>> -> memref<1x128x128xf32, #tpu.memory_space<vmem>>
    %dma_wait3A_66 = tpu.memref_squeeze %dma_wait3A_65 : memref<1x128x128xf32, #tpu.memory_space<vmem>> -> memref<128x128xf32, #tpu.memory_space<vmem>>
    %dma_wait3A_67 = arith.constant 0 : i32
    %dma_wait3A_68 = arith.constant 0 : i32
    %dma_wait3A_69 = tpu.memref_slice %arg7[%and3A_61, %dma_wait3A_67, %dma_wait3A_68] : memref<2x8x128xi32, #tpu.memory_space<vmem>> -> memref<1x8x128xi32, #tpu.memory_space<vmem>>
    %dma_wait3A_70 = tpu.memref_squeeze %dma_wait3A_69 : memref<1x8x128xi32, #tpu.memory_space<vmem>> -> memref<8x128xi32, #tpu.memory_space<vmem>>
    %dma_wait3A_71 = arith.constant 0 : i32
    %dma_wait3A_72 = tpu.memref_slice %dma_wait3A_70[%dma_wait3A_62, %dma_wait3A_71] : memref<8x128xi32, #tpu.memory_space<vmem>> -> memref<1x128xi32, #tpu.memory_space<vmem>>
    %dma_wait3A_73 = tpu.memref_squeeze %dma_wait3A_72 : memref<1x128xi32, #tpu.memory_space<vmem>> -> memref<128xi32, #tpu.memory_space<vmem>>
    %dma_wait3A_74 = arith.constant 0 : i32
    %dma_wait3A_75 = arith.constant 0 : i32
    %dma_wait3A_76 = tpu.memref_slice %arg12[%dma_wait3A_74, %dma_wait3A_75] : memref<10240x128xf32, #tpu.memory_space<vmem_shared>> -> memref<10240x128xf32, #tpu.memory_space<vmem_shared>>
    tpu.wait_indirect_dma semaphore(%arg17 : memref<!tpu.dma_semaphore, #tpu.memory_space<semaphore_mem>>) src(%dma_wait3A_66 : memref<128x128xf32, #tpu.memory_space<vmem>>) dst(%dma_wait3A_76 : memref<10240x128xf32, #tpu.memory_space<vmem_shared>>)
    %dma_wait3A_77 = arith.constant 1 : i32
    %dma_wait3A_78 = arith.constant 7 : i32
    %dma_wait3A_79 = arith.constant 0 : i32
    %dma_wait3A_80 = arith.constant 0 : i32
    %dma_wait3A_81 = tpu.memref_slice %arg9[%dma_wait3A_77, %dma_wait3A_79, %dma_wait3A_80] : memref<2x128x128xf32, #tpu.memory_space<vmem>> -> memref<1x128x128xf32, #tpu.memory_space<vmem>>
    %dma_wait3A_82 = tpu.memref_squeeze %dma_wait3A_81 : memref<1x128x128xf32, #tpu.memory_space<vmem>> -> memref<128x128xf32, #tpu.memory_space<vmem>>
    %dma_wait3A_83 = arith.constant 0 : i32
    %dma_wait3A_84 = arith.constant 0 : i32
    %dma_wait3A_85 = tpu.memref_slice %arg7[%and3A_61, %dma_wait3A_83, %dma_wait3A_84] : memref<2x8x128xi32, #tpu.memory_space<vmem>> -> memref<1x8x128xi32, #tpu.memory_space<vmem>>
    %dma_wait3A_86 = tpu.memref_squeeze %dma_wait3A_85 : memref<1x8x128xi32, #tpu.memory_space<vmem>> -> memref<8x128xi32, #tpu.memory_space<vmem>>
    %dma_wait3A_87 = arith.constant 0 : i32
    %dma_wait3A_88 = tpu.memref_slice %dma_wait3A_86[%dma_wait3A_78, %dma_wait3A_87] : memref<8x128xi32, #tpu.memory_space<vmem>> -> memref<1x128xi32, #tpu.memory_space<vmem>>
    %dma_wait3A_89 = tpu.memref_squeeze %dma_wait3A_88 : memref<1x128xi32, #tpu.memory_space<vmem>> -> memref<128xi32, #tpu.memory_space<vmem>>
    %dma_wait3A_90 = arith.constant 0 : i32
    %dma_wait3A_91 = arith.constant 0 : i32
    %dma_wait3A_92 = tpu.memref_slice %arg12[%dma_wait3A_90, %dma_wait3A_91] : memref<10240x128xf32, #tpu.memory_space<vmem_shared>> -> memref<10240x128xf32, #tpu.memory_space<vmem_shared>>
    tpu.wait_indirect_dma semaphore(%arg17 : memref<!tpu.dma_semaphore, #tpu.memory_space<semaphore_mem>>) src(%dma_wait3A_82 : memref<128x128xf32, #tpu.memory_space<vmem>>) dst(%dma_wait3A_92 : memref<10240x128xf32, #tpu.memory_space<vmem_shared>>)
    %barrier3A_93 = arith.constant 0 : index
    tpu.barrier barrier_id(%barrier3A_93)
    "tpu.region"() ({
      %run_scoped3A_94 = tpu.sem_alloc : memref<!tpu.dma_semaphore, #tpu.memory_space<semaphore_mem>>
      %dma_start3A_95 = arith.constant 0 : i32
      %dma_start3A_96 = tpu.memref_slice %arg5[%arg0, %mul3A_0, %dma_start3A_95] : memref<2x10240x128xf32, #tpu.memory_space<hbm>> -> memref<1x640x128xf32, #tpu.memory_space<hbm>>
      %dma_start3A_97 = tpu.memref_squeeze %dma_start3A_96 : memref<1x640x128xf32, #tpu.memory_space<hbm>> -> memref<640x128xf32, #tpu.memory_space<hbm>>
      %dma_start3A_98 = arith.constant 0 : i32
      %dma_start3A_99 = tpu.memref_slice %arg12[%mul3A_0, %dma_start3A_98] : memref<10240x128xf32, #tpu.memory_space<vmem_shared>> -> memref<640x128xf32, #tpu.memory_space<vmem_shared>>
      tpu.enqueue_dma source(%dma_start3A_99 : memref<640x128xf32, #tpu.memory_space<vmem_shared>>) target(%dma_start3A_97 : memref<640x128xf32, #tpu.memory_space<hbm>>) target_semaphore(%run_scoped3A_94 : memref<!tpu.dma_semaphore, #tpu.memory_space<semaphore_mem>>)
      %dma_wait3A_100 = arith.constant 0 : i32
      %dma_wait3A_101 = tpu.memref_slice %arg5[%arg0, %mul3A_0, %dma_wait3A_100] : memref<2x10240x128xf32, #tpu.memory_space<hbm>> -> memref<1x640x128xf32, #tpu.memory_space<hbm>>
      %dma_wait3A_102 = tpu.memref_squeeze %dma_wait3A_101 : memref<1x640x128xf32, #tpu.memory_space<hbm>> -> memref<640x128xf32, #tpu.memory_space<hbm>>
      %dma_wait3A_103 = arith.constant 0 : i32
      %dma_wait3A_104 = tpu.memref_slice %arg12[%mul3A_0, %dma_wait3A_103] : memref<10240x128xf32, #tpu.memory_space<vmem_shared>> -> memref<640x128xf32, #tpu.memory_space<vmem_shared>>
      tpu.wait_dma2 semaphore(%run_scoped3A_94 : memref<!tpu.dma_semaphore, #tpu.memory_space<semaphore_mem>>) src(%dma_wait3A_104 : memref<640x128xf32, #tpu.memory_space<vmem_shared>>) dst(%dma_wait3A_102 : memref<640x128xf32, #tpu.memory_space<hbm>>)
      tpu.yield
    }) : () -> ()
    "tpu.region"() ({
      %run_scoped3A_94 = tpu.sem_alloc : memref<!tpu.dma_semaphore, #tpu.memory_space<semaphore_mem>>
      %dma_start3A_95 = tpu.memref_slice %arg6[%arg0, %mul3A_0] : memref<2x10240xf32, #tpu.memory_space<hbm>> -> memref<1x640xf32, #tpu.memory_space<hbm>>
      %dma_start3A_96 = tpu.memref_squeeze %dma_start3A_95 : memref<1x640xf32, #tpu.memory_space<hbm>> -> memref<640xf32, #tpu.memory_space<hbm>>
      %dma_start3A_97 = tpu.memref_slice %arg13[%mul3A_0] : memref<10240xf32, #tpu.memory_space<vmem_shared>> -> memref<640xf32, #tpu.memory_space<vmem_shared>>
      tpu.enqueue_dma source(%dma_start3A_97 : memref<640xf32, #tpu.memory_space<vmem_shared>>) target(%dma_start3A_96 : memref<640xf32, #tpu.memory_space<hbm>>) target_semaphore(%run_scoped3A_94 : memref<!tpu.dma_semaphore, #tpu.memory_space<semaphore_mem>>)
      %dma_wait3A_98 = tpu.memref_slice %arg6[%arg0, %mul3A_0] : memref<2x10240xf32, #tpu.memory_space<hbm>> -> memref<1x640xf32, #tpu.memory_space<hbm>>
      %dma_wait3A_99 = tpu.memref_squeeze %dma_wait3A_98 : memref<1x640xf32, #tpu.memory_space<hbm>> -> memref<640xf32, #tpu.memory_space<hbm>>
      %dma_wait3A_100 = tpu.memref_slice %arg13[%mul3A_0] : memref<10240xf32, #tpu.memory_space<vmem_shared>> -> memref<640xf32, #tpu.memory_space<vmem_shared>>
      tpu.wait_dma2 semaphore(%run_scoped3A_94 : memref<!tpu.dma_semaphore, #tpu.memory_space<semaphore_mem>>) src(%dma_wait3A_100 : memref<640xf32, #tpu.memory_space<vmem_shared>>) dst(%dma_wait3A_99 : memref<640xf32, #tpu.memory_space<hbm>>)
      tpu.yield
    }) : () -> ()
    return
  }
}

module attributes {stable_mosaic.version = 14 : i64} {
  func.func @_tc1_body(%arg0: i32, %arg1: memref<1000x128xf32, #tpu.memory_space<vmem>>, %arg2: memref<128x128xf32, #tpu.memory_space<vmem>>, %arg3: memref<1x128xf32, #tpu.memory_space<vmem>>, %arg4: memref<256x128xf32, #tpu.memory_space<vmem>>, %arg5: memref<1x128xf32, #tpu.memory_space<vmem>>, %arg6: memref<1000x128xf32, #tpu.memory_space<vmem>>, %arg7: memref<1000x128xf32, #tpu.memory_space<vmem>>) attributes {dimension_semantics = [#tpu.dimension_semantics<arbitrary>], iteration_bounds = array<i64: 10>, scalar_prefetch = 0 : i64, scratch_operands = 0 : i64, tpu.core_type = #tpu.core_type<tc>, window_params = [{transform_indices = @transform_0, window_bounds = array<i64: 1000, 128>}, {pipeline_mode = #tpu.pipeline_mode<synchronous>, transform_indices = @transform_1, window_bounds = array<i64: 128, 128>}, {pipeline_mode = #tpu.pipeline_mode<synchronous>, transform_indices = @transform_2, window_bounds = array<i64: 1, 128>}, {pipeline_mode = #tpu.pipeline_mode<synchronous>, transform_indices = @transform_3, window_bounds = array<i64: 256, 128>}, {pipeline_mode = #tpu.pipeline_mode<synchronous>, transform_indices = @transform_4, window_bounds = array<i64: 1, 128>}, {transform_indices = @transform_5, window_bounds = array<i64: 1000, 128>}, {transform_indices = @transform_6, window_bounds = array<i64: 1000, 128>}]} {
    %get3A = arith.constant 0 : index
    %get3A_0 = arith.constant 0 : index
    %get3A_1 = vector.load %arg1[%get3A, %get3A_0] : memref<1000x128xf32, #tpu.memory_space<vmem>>, vector<1000x128xf32>
    %get3A_2 = arith.constant 0 : index
    %get3A_3 = arith.constant 0 : index
    %get3A_4 = vector.load %arg2[%get3A_2, %get3A_3] : memref<128x128xf32, #tpu.memory_space<vmem>>, vector<128x128xf32>
    %dot_general3A = arith.constant dense<0.000000e+00> : vector<1000x128xf32>
    %dot_general3A_5 = tpu.matmul %get3A_1, %get3A_4, %dot_general3A {dimension_numbers = #tpu.dot_dimension_numbers<[1], [0], [0], [1], [0, 0, 1, 1], [], []>, transpose_lhs_hint = false} : vector<1000x128xf32>, vector<128x128xf32>, vector<1000x128xf32> -> vector<1000x128xf32>
    %get3A_6 = arith.constant 0 : index
    %get3A_7 = arith.constant 0 : index
    %get3A_8 = vector.load %arg3[%get3A_6, %get3A_7] : memref<1x128xf32, #tpu.memory_space<vmem>>, vector<1x128xf32>
    %add3A = vector.broadcast %get3A_8 : vector<1x128xf32> to vector<1000x128xf32>
    %add3A_9 = arith.addf %dot_general3A_5, %add3A : vector<1000x128xf32>
    %swap3A = arith.constant 0 : index
    %swap3A_10 = arith.constant 0 : index
    %swap3A_11 = vector.load %arg6[%swap3A, %swap3A_10] : memref<1000x128xf32, #tpu.memory_space<vmem>>, vector<1000x128xf32>
    tpu.vector_store %arg6[%swap3A, %swap3A_10], %add3A_9 {strides = array<i32>} : memref<1000x128xf32, #tpu.memory_space<vmem>>, vector<1000x128xf32>,
    %get3A_12 = arith.constant 0 : index
    %get3A_13 = arith.constant 0 : index
    %get3A_14 = vector.load %arg4[%get3A_12, %get3A_13] : memref<256x128xf32, #tpu.memory_space<vmem>>, vector<128x128xf32>
    %dot_general3A_15 = arith.constant dense<0.000000e+00> : vector<1000x128xf32>
    %dot_general3A_16 = tpu.matmul %add3A_9, %get3A_14, %dot_general3A_15 {dimension_numbers = #tpu.dot_dimension_numbers<[1], [0], [0], [1], [0, 0, 1, 1], [], []>, transpose_lhs_hint = false} : vector<1000x128xf32>, vector<128x128xf32>, vector<1000x128xf32> -> vector<1000x128xf32>
    %get3A_17 = arith.constant 0 : index
    %get3A_18 = arith.constant 0 : index
    %get3A_19 = vector.load %arg5[%get3A_17, %get3A_18] : memref<1x128xf32, #tpu.memory_space<vmem>>, vector<1x128xf32>
    %add3A_20 = vector.broadcast %get3A_19 : vector<1x128xf32> to vector<1000x128xf32>
    %add3A_21 = arith.addf %dot_general3A_16, %add3A_20 : vector<1000x128xf32>
    %swap3A_22 = arith.constant 0 : index
    %swap3A_23 = arith.constant 0 : index
    %swap3A_24 = vector.load %arg7[%swap3A_22, %swap3A_23] : memref<1000x128xf32, #tpu.memory_space<vmem>>, vector<1000x128xf32>
    tpu.vector_store %arg7[%swap3A_22, %swap3A_23], %add3A_21 {strides = array<i32>} : memref<1000x128xf32, #tpu.memory_space<vmem>>, vector<1000x128xf32>,
    return
  }
  func.func @transform_0(%arg0: i32) -> (i32, i32) {
    %c0_i32 = arith.constant 0 : i32
    %c0_i32_0 = arith.constant 0 : i32
    return %arg0, %c0_i32 : i32, i32
  }
  func.func @transform_1(%arg0: i32) -> (i32, i32) {
    %c0_i32 = arith.constant 0 : i32
    %c0_i32_0 = arith.constant 0 : i32
    %c0_i32_1 = arith.constant 0 : i32
    return %c0_i32, %c0_i32_0 : i32, i32
  }
  func.func @transform_2(%arg0: i32) -> (i32, i32) {
    %c0_i32 = arith.constant 0 : i32
    %c0_i32_0 = arith.constant 0 : i32
    %c0_i32_1 = arith.constant 0 : i32
    return %c0_i32, %c0_i32_0 : i32, i32
  }
  func.func @transform_3(%arg0: i32) -> (i32, i32) {
    %c0_i32 = arith.constant 0 : i32
    %c0_i32_0 = arith.constant 0 : i32
    %c0_i32_1 = arith.constant 0 : i32
    return %c0_i32, %c0_i32_0 : i32, i32
  }
  func.func @transform_4(%arg0: i32) -> (i32, i32) {
    %c0_i32 = arith.constant 0 : i32
    %c0_i32_0 = arith.constant 0 : i32
    %c0_i32_1 = arith.constant 0 : i32
    return %c0_i32, %c0_i32_0 : i32, i32
  }
  func.func @transform_5(%arg0: i32) -> (i32, i32) {
    %c0_i32 = arith.constant 0 : i32
    %c0_i32_0 = arith.constant 0 : i32
    return %arg0, %c0_i32 : i32, i32
  }
  func.func @transform_6(%arg0: i32) -> (i32, i32) {
    %c0_i32 = arith.constant 0 : i32
    %c0_i32_0 = arith.constant 0 : i32
    return %arg0, %c0_i32 : i32, i32
  }
}

module attributes {stable_mosaic.version = 14 : i64} {
  func.func @_tc2_body(%arg0: i32, %arg1: memref<1000x128xf32, #tpu.memory_space<vmem>>, %arg2: memref<2x1000x128xf32, #tpu.memory_space<vmem>>, %arg3: memref<2x1000x1xf32, #tpu.memory_space<vmem>>, %arg4: memref<1000x128xf32, #tpu.memory_space<vmem>>, %arg5: memref<256x128xf32, #tpu.memory_space<vmem>>, %arg6: memref<384x128xf32, #tpu.memory_space<vmem>>, %arg7: memref<1x128xf32, #tpu.memory_space<vmem>>, %arg8: memref<1000x128xf32, #tpu.memory_space<vmem>>) attributes {dimension_semantics = [#tpu.dimension_semantics<arbitrary>], iteration_bounds = array<i64: 10>, scalar_prefetch = 0 : i64, scratch_operands = 0 : i64, tpu.core_type = #tpu.core_type<tc>, window_params = [{transform_indices = @transform_0, window_bounds = array<i64: 1000, 128>}, {transform_indices = @transform_1, window_bounds = array<i64: 2, 1000, 128>}, {transform_indices = @transform_2, window_bounds = array<i64: 2, 1000, 1>}, {transform_indices = @transform_3, window_bounds = array<i64: 1000, 128>}, {pipeline_mode = #tpu.pipeline_mode<synchronous>, transform_indices = @transform_4, window_bounds = array<i64: 256, 128>}, {pipeline_mode = #tpu.pipeline_mode<synchronous>, transform_indices = @transform_5, window_bounds = array<i64: 384, 128>}, {pipeline_mode = #tpu.pipeline_mode<synchronous>, transform_indices = @transform_6, window_bounds = array<i64: 1, 128>}, {transform_indices = @transform_7, window_bounds = array<i64: 1000, 128>}]} {
    %get3A = arith.constant 0 : index
    %get3A_0 = arith.constant 0 : index
    %get3A_1 = vector.load %arg1[%get3A, %get3A_0] : memref<1000x128xf32, #tpu.memory_space<vmem>>, vector<1000x128xf32>
    %get3A_2 = arith.constant 0 : index
    %get3A_3 = arith.constant 0 : index
    %get3A_4 = arith.constant 0 : index
    %get3A_5 = vector.load %arg2[%get3A_2, %get3A_3, %get3A_4] : memref<2x1000x128xf32, #tpu.memory_space<vmem>>, vector<1x1000x128xf32>
    %get3A_6 = vector.shape_cast %get3A_5 : vector<1x1000x128xf32> to vector<1000x128xf32>
    %get3A_7 = arith.constant 1 : index
    %get3A_8 = arith.constant 0 : index
    %get3A_9 = arith.constant 0 : index
    %get3A_10 = vector.load %arg2[%get3A_7, %get3A_8, %get3A_9] : memref<2x1000x128xf32, #tpu.memory_space<vmem>>, vector<1x1000x128xf32>
    %get3A_11 = vector.shape_cast %get3A_10 : vector<1x1000x128xf32> to vector<1000x128xf32>
    %add3A = arith.addf %get3A_6, %get3A_11 : vector<1000x128xf32>
    %get3A_12 = arith.constant 0 : index
    %get3A_13 = arith.constant 0 : index
    %get3A_14 = arith.constant 0 : index
    %get3A_15 = vector.load %arg3[%get3A_12, %get3A_13, %get3A_14] : memref<2x1000x1xf32, #tpu.memory_space<vmem>>, vector<1x1000x1xf32>
    %get3A_16 = vector.shape_cast %get3A_15 : vector<1x1000x1xf32> to vector<1000x1xf32>
    %get3A_17 = arith.constant 1 : index
    %get3A_18 = arith.constant 0 : index
    %get3A_19 = arith.constant 0 : index
    %get3A_20 = vector.load %arg3[%get3A_17, %get3A_18, %get3A_19] : memref<2x1000x1xf32, #tpu.memory_space<vmem>>, vector<1x1000x1xf32>
    %get3A_21 = vector.shape_cast %get3A_20 : vector<1x1000x1xf32> to vector<1000x1xf32>
    %add3A_22 = arith.addf %get3A_16, %get3A_21 : vector<1000x1xf32>
    %get3A_23 = arith.constant 128 : index
    %get3A_24 = arith.constant 0 : index
    %get3A_25 = vector.load %arg5[%get3A_23, %get3A_24] : memref<256x128xf32, #tpu.memory_space<vmem>>, vector<128x128xf32>
    %dot_general3A = arith.constant dense<0.000000e+00> : vector<1000x128xf32>
    %dot_general3A_26 = tpu.matmul %add3A, %get3A_25, %dot_general3A {dimension_numbers = #tpu.dot_dimension_numbers<[1], [0], [0], [1], [0, 0, 1, 1], [], []>, transpose_lhs_hint = false} : vector<1000x128xf32>, vector<128x128xf32>, vector<1000x128xf32> -> vector<1000x128xf32>
    %get3A_27 = arith.constant 0 : index
    %get3A_28 = arith.constant 0 : index
    %get3A_29 = vector.load %arg4[%get3A_27, %get3A_28] : memref<1000x128xf32, #tpu.memory_space<vmem>>, vector<1000x128xf32>
    %mul3A = vector.broadcast %add3A_22 : vector<1000x1xf32> to vector<1000x128xf32>
    %mul3A_30 = arith.mulf %mul3A, %get3A_29 : vector<1000x128xf32>
    %add3A_31 = arith.addf %mul3A_30, %dot_general3A_26 : vector<1000x128xf32>
    %mul3A_32 = arith.constant 5.000000e-01 : f32
    %mul3A_33 = vector.broadcast %mul3A_32 : f32 to vector<1000x128xf32>
    %mul3A_34 = arith.mulf %mul3A_33, %get3A_1 : vector<1000x128xf32>
    %mul3A_35 = arith.constant 0.707106769 : f32
    %mul3A_36 = vector.broadcast %mul3A_35 : f32 to vector<1000x128xf32>
    %mul3A_37 = arith.mulf %get3A_1, %mul3A_36 : vector<1000x128xf32>
    %erf3A = math.erf %mul3A_37 : vector<1000x128xf32>
    %add3A_38 = arith.constant 1.000000e+00 : f32
    %add3A_39 = vector.broadcast %add3A_38 : f32 to vector<1000x128xf32>
    %add3A_40 = arith.addf %add3A_39, %erf3A : vector<1000x128xf32>
    %mul3A_41 = arith.mulf %mul3A_34, %add3A_40 : vector<1000x128xf32>
    %get3A_42 = arith.constant 0 : index
    %get3A_43 = arith.constant 0 : index
    %get3A_44 = vector.load %arg6[%get3A_42, %get3A_43] : memref<384x128xf32, #tpu.memory_space<vmem>>, vector<128x128xf32>
    %dot_general3A_45 = arith.constant dense<0.000000e+00> : vector<1000x128xf32>
    %dot_general3A_46 = tpu.matmul %mul3A_41, %get3A_44, %dot_general3A_45 {dimension_numbers = #tpu.dot_dimension_numbers<[1], [0], [0], [1], [0, 0, 1, 1], [], []>, transpose_lhs_hint = false} : vector<1000x128xf32>, vector<128x128xf32>, vector<1000x128xf32> -> vector<1000x128xf32>
    %mul3A_47 = arith.constant 5.000000e-01 : f32
    %mul3A_48 = vector.broadcast %mul3A_47 : f32 to vector<1000x128xf32>
    %mul3A_49 = arith.mulf %mul3A_48, %add3A : vector<1000x128xf32>
    %mul3A_50 = arith.constant 0.707106769 : f32
    %mul3A_51 = vector.broadcast %mul3A_50 : f32 to vector<1000x128xf32>
    %mul3A_52 = arith.mulf %add3A, %mul3A_51 : vector<1000x128xf32>
    %erf3A_53 = math.erf %mul3A_52 : vector<1000x128xf32>
    %add3A_54 = arith.constant 1.000000e+00 : f32
    %add3A_55 = vector.broadcast %add3A_54 : f32 to vector<1000x128xf32>
    %add3A_56 = arith.addf %add3A_55, %erf3A_53 : vector<1000x128xf32>
    %mul3A_57 = arith.mulf %mul3A_49, %add3A_56 : vector<1000x128xf32>
    %get3A_58 = arith.constant 128 : index
    %get3A_59 = arith.constant 0 : index
    %get3A_60 = vector.load %arg6[%get3A_58, %get3A_59] : memref<384x128xf32, #tpu.memory_space<vmem>>, vector<128x128xf32>
    %dot_general3A_61 = arith.constant dense<0.000000e+00> : vector<1000x128xf32>
    %dot_general3A_62 = tpu.matmul %mul3A_57, %get3A_60, %dot_general3A_61 {dimension_numbers = #tpu.dot_dimension_numbers<[1], [0], [0], [1], [0, 0, 1, 1], [], []>, transpose_lhs_hint = false} : vector<1000x128xf32>, vector<128x128xf32>, vector<1000x128xf32> -> vector<1000x128xf32>
    %add3A_63 = arith.addf %dot_general3A_46, %dot_general3A_62 : vector<1000x128xf32>
    %mul3A_64 = arith.constant 5.000000e-01 : f32
    %mul3A_65 = vector.broadcast %mul3A_64 : f32 to vector<1000x128xf32>
    %mul3A_66 = arith.mulf %mul3A_65, %add3A_31 : vector<1000x128xf32>
    %mul3A_67 = arith.constant 0.707106769 : f32
    %mul3A_68 = vector.broadcast %mul3A_67 : f32 to vector<1000x128xf32>
    %mul3A_69 = arith.mulf %add3A_31, %mul3A_68 : vector<1000x128xf32>
    %erf3A_70 = math.erf %mul3A_69 : vector<1000x128xf32>
    %add3A_71 = arith.constant 1.000000e+00 : f32
    %add3A_72 = vector.broadcast %add3A_71 : f32 to vector<1000x128xf32>
    %add3A_73 = arith.addf %add3A_72, %erf3A_70 : vector<1000x128xf32>
    %mul3A_74 = arith.mulf %mul3A_66, %add3A_73 : vector<1000x128xf32>
    %get3A_75 = arith.constant 256 : index
    %get3A_76 = arith.constant 0 : index
    %get3A_77 = vector.load %arg6[%get3A_75, %get3A_76] : memref<384x128xf32, #tpu.memory_space<vmem>>, vector<128x128xf32>
    %dot_general3A_78 = arith.constant dense<0.000000e+00> : vector<1000x128xf32>
    %dot_general3A_79 = tpu.matmul %mul3A_74, %get3A_77, %dot_general3A_78 {dimension_numbers = #tpu.dot_dimension_numbers<[1], [0], [0], [1], [0, 0, 1, 1], [], []>, transpose_lhs_hint = false} : vector<1000x128xf32>, vector<128x128xf32>, vector<1000x128xf32> -> vector<1000x128xf32>
    %add3A_80 = arith.addf %add3A_63, %dot_general3A_79 : vector<1000x128xf32>
    %get3A_81 = arith.constant 0 : index
    %get3A_82 = arith.constant 0 : index
    %get3A_83 = vector.load %arg7[%get3A_81, %get3A_82] : memref<1x128xf32, #tpu.memory_space<vmem>>, vector<1x128xf32>
    %add3A_84 = vector.broadcast %get3A_83 : vector<1x128xf32> to vector<1000x128xf32>
    %add3A_85 = arith.addf %add3A_80, %add3A_84 : vector<1000x128xf32>
    %swap3A = arith.constant 0 : index
    %swap3A_86 = arith.constant 0 : index
    %swap3A_87 = vector.load %arg8[%swap3A, %swap3A_86] : memref<1000x128xf32, #tpu.memory_space<vmem>>, vector<1000x128xf32>
    tpu.vector_store %arg8[%swap3A, %swap3A_86], %add3A_85 {strides = array<i32>} : memref<1000x128xf32, #tpu.memory_space<vmem>>, vector<1000x128xf32>,
    return
  }
  func.func @transform_0(%arg0: i32) -> (i32, i32) {
    %c0_i32 = arith.constant 0 : i32
    %c0_i32_0 = arith.constant 0 : i32
    return %arg0, %c0_i32 : i32, i32
  }
  func.func @transform_1(%arg0: i32) -> (i32, i32, i32) {
    %c0_i32 = arith.constant 0 : i32
    %c0_i32_0 = arith.constant 0 : i32
    %c0_i32_1 = arith.constant 0 : i32
    return %c0_i32, %arg0, %c0_i32_0 : i32, i32, i32
  }
  func.func @transform_2(%arg0: i32) -> (i32, i32, i32) {
    %c0_i32 = arith.constant 0 : i32
    %c0_i32_0 = arith.constant 0 : i32
    %c0_i32_1 = arith.constant 0 : i32
    return %c0_i32, %arg0, %c0_i32_0 : i32, i32, i32
  }
  func.func @transform_3(%arg0: i32) -> (i32, i32) {
    %c0_i32 = arith.constant 0 : i32
    %c0_i32_0 = arith.constant 0 : i32
    return %arg0, %c0_i32 : i32, i32
  }
  func.func @transform_4(%arg0: i32) -> (i32, i32) {
    %c0_i32 = arith.constant 0 : i32
    %c0_i32_0 = arith.constant 0 : i32
    %c0_i32_1 = arith.constant 0 : i32
    return %c0_i32, %c0_i32_0 : i32, i32
  }
  func.func @transform_5(%arg0: i32) -> (i32, i32) {
    %c0_i32 = arith.constant 0 : i32
    %c0_i32_0 = arith.constant 0 : i32
    %c0_i32_1 = arith.constant 0 : i32
    return %c0_i32, %c0_i32_0 : i32, i32
  }
  func.func @transform_6(%arg0: i32) -> (i32, i32) {
    %c0_i32 = arith.constant 0 : i32
    %c0_i32_0 = arith.constant 0 : i32
    %c0_i32_1 = arith.constant 0 : i32
    return %c0_i32, %c0_i32_0 : i32, i32
  }
  func.func @transform_7(%arg0: i32) -> (i32, i32) {
    %c0_i32 = arith.constant 0 : i32
    %c0_i32_0 = arith.constant 0 : i32
    return %arg0, %c0_i32 : i32, i32
  }
}

</mosaic_0001>

<sc_bundles>
// kernel: kernel.5.cloned.1.call-start
scs
__scs_entry_jumppad:
0x0: {  	(pc) =	sbr.rel $0x88, $3  }
0x1: {  	(tag) =	ssettag $0x0;
	lr =	simm.s32 $0x1  }
0x2: {  	[smem:$0x3F99] =	sst lr;
	_ =	strace $0xD0000000  }
0x3: {  	_ = 	snop  }
0x4: {  	_ = 	snop  }
0x5: {  	_ = 	snop  }
0x6: {  	_ = 	snop  }
0x7: {  	_ = 	snop  }
__scs_overlays_trampoline_lowered:
0x8: {  	[smem:$0x3FA8] =	sst s0  }
0x9: {  	[smem:$0x3FA9] =	sst s1  }
0xa: {  	[smem:$0x3FAA] =	sst s2  }
0xb: {  	[smem:$0x3FAB] =	sst s3  }
0xc: {  	[smem:$0x3FAC] =	sst s4  }
0xd: {  	[smem:$0x3FAD] =	sst s5  }
0xe: {  	[smem:$0x3FAE] =	sst s6  }
0xf: {  	[smem:$0x3FAF] =	sst s7  }
0x10: {  	[smem:$0x3FB0] =	sst s8  }
0x11: {  	[smem:$0x3FB1] =	sst s9;
	s0 =	simm.s32 @!p0 $0x0  }
0x12: {  	s1 =	sld [smem:$0x3F97];
	s0 =	simm.s32 @p0 $0x1  }
0x13: {  	[smem:$0x3FB2] =	sst s0;
	s0 =	simm.s32 @!p1 $0x0  }
0x14: {  	s2 =	sld [smem:$0x3F96];
	s0 =	simm.s32 @p1 $0x1  }
0x15: {  	[smem:$0x3FB3] =	sst s0;
	s0 =	simm.s32 @!p2 $0x0  }
0x16: {  	s3 =	sld [smem:$0x3FDB];
	s0 =	simm.s32 @p2 $0x1  }
0x17: {  	s4 =	simm.s32 $0x1BF5;
	[smem:$0x3FB5] =	sst s0  }
0x18: {  	s0 =	sld [smem:$0x3F98];
	_ =	swait.ge [sflag:s4], $0x0  }
0x19: {  	s7 =	sld [smem:$0x3F99]  }
0x1a: {  	s8 =	sadd.s32 $0xFFFFE003, lr  }
0x1b: {  	s9 =	sadd.s32 $0xFFFFFEF7, lr;
	s5 =	simm.s32 $0xFFFFFFFF;
	p2 =	slt.u32 s8, $0xFFFFF086  }
0x1c: {  	p1 =	slt.u32 s9, $0xF7A;
	s5 =	simm.s32 @!p2 $0x0  }
0x1d: {  	s5 =	simm.s32 @p1 $0x1;
	p0 =	seq.s32 s7, s2  }
0x1e: {  	s7 =	smul.u32 @!p0 $0xF7A, s2;
	p2 =	seq.s32 @!p0 s5, $0x0  }
0x1f: {  	s9 =	smul.u32 $0xF7A, s1;
	s8 =	simm.s32 @!p0 $0x1BF5;
	p2 =	por !p2, p0  }
0x20: {  	[sflag:s8] =	ssyncset.s32 @!p0 $0xFFFFF086;
	s6 =	sadd.s32 @!p0 s3, s7;
	s7 =	simm.s32 @!p0 $0x108  }
0x21: {  	s3 =	sadd.s32 s3, s9;
	s6 =	sadd.s32 @!p0 $0x88, s6;
	s7 =	simm.s32 @p2 $0x1082  }
0x22: {  	[simem:s7], [sflag:s8] =	dma.local @!p0 [hbm:s6], $0xF7A  }
0x23: {  	s9 =	sor.u32 $0xD0000000, s2;
	s6 =	simm.s32 $0x108;
	_ =	swait.ge @!p0 [sflag:s8], $0x0  }
0x24: {  	s3 =	sadd.s32 $0x88, s3;
	s6 =	simm.s32 @!p1 $0x1082;
	[sflag:s4] =	ssyncset.s32 $0xFFFFF086  }
0x25: {  	[simem:s6], [sflag:s4] =	dma.local [hbm:s3], $0xF7A  }
0x26: {  	[smem:$0x3F99] =	sst s1;
	(tag) =	ssettag s2;
	_ =	strace s9  }
0x27: {  	s1 =	sld [smem:$0x3FA9]  }
0x28: {  	s2 =	sld [smem:$0x3FAA]  }
0x29: {  	s4 =	sld [smem:$0x3FAC]  }
0x2a: {  	p0 =	seq.s32 s5, $0x0;
	s5 =	sld [smem:$0x3FAD]  }
0x2b: {  	s6 =	sld [smem:$0x3FAE]  }
0x2c: {  	s7 =	sld [smem:$0x3FAF]  }
0x2d: {  	s3 =	simm.s32 $0x108;
	s8 =	sld [smem:$0x3FB0]  }
0x2e: {  	s3 =	simm.s32 @!p0 $0x1082;
	s9 =	sld [smem:$0x3FB1]  }
0x2f: {  	lr =	sadd.s32 s0, s3;
	s0 =	sld [smem:$0x3FA8]  }
0x30: {  	s3 =	sld [smem:$0x3FAB]  }
0x31: {  	[smem:$0x3FB4] =	sst s10  }
0x32: {  	s10 =	sld [smem:$0x3FB2];
	_ =	sdelay $0x3  }
0x33: {  	p0 =	seq.s32 s10, $0x1;
	s10 =	sld [smem:$0x3FB4];
	_ =	sdelay $0x3  }
0x34: {  	[smem:$0x3FB4] =	sst s10  }
0x35: {  	s10 =	sld [smem:$0x3FB3];
	_ =	sdelay $0x3  }
0x36: {  	p1 =	seq.s32 s10, $0x1;
	s10 =	sld [smem:$0x3FB4];
	_ =	sdelay $0x3  }
0x37: {  	[smem:$0x3FB4] =	sst s10  }
0x38: {  	s10 =	sld [smem:$0x3FB5]  }
0x39: {  	_ = 	snop;
	(pc) =	sbr.ind lr, $3  }
0x3a: {  	_ = 	snop  }
0x3b: {  	_ = 	snop  }
0x3c: {  	p2 =	seq.s32 s10, $0x1;
	s10 =	sld [smem:$0x3FB4]  }
0x3d: {  	_ =	shalt  }
0x3e: {  	_ =	shalt  }
0x3f: {  	_ =	shalt  }
0x40: {  	_ =	shalt  }
0x41: {  	_ =	shalt  }
0x42: {  	_ =	shalt  }
0x43: {  	_ =	shalt  }
0x44: {  	_ =	shalt  }
0x45: {  	_ =	shalt  }
0x46: {  	_ =	shalt  }
0x47: {  	_ =	shalt  }
0x48: {  	_ =	shalt  }
0x49: {  	_ =	shalt  }
0x4a: {  	_ =	shalt  }
0x4b: {  	_ =	shalt  }
0x4c: {  	_ =	shalt  }
0x4d: {  	_ =	shalt  }
0x4e: {  	_ =	shalt  }
0x4f: {  	_ =	shalt  }
0x50: {  	_ =	shalt  }
0x51: {  	_ =	shalt  }
0x52: {  	_ =	shalt  }
0x53: {  	_ =	shalt  }
0x54: {  	_ =	shalt  }
0x55: {  	_ =	shalt  }
0x56: {  	_ =	shalt  }
0x57: {  	_ =	shalt  }
0x58: {  	_ =	shalt  }
0x59: {  	_ =	shalt  }
0x5a: {  	_ =	shalt  }
0x5b: {  	_ =	shalt  }
0x5c: {  	_ =	shalt  }
0x5d: {  	_ =	shalt  }
0x5e: {  	_ =	shalt  }
0x5f: {  	_ =	shalt  }
0x60: {  	_ =	shalt  }
0x61: {  	_ =	shalt  }
0x62: {  	_ =	shalt  }
0x63: {  	_ =	shalt  }
0x64: {  	_ =	shalt  }
0x65: {  	_ =	shalt  }
0x66: {  	_ =	shalt  }
0x67: {  	_ =	shalt  }
0x68: {  	_ =	shalt  }
0x69: {  	_ =	shalt  }
0x6a: {  	_ =	shalt  }
0x6b: {  	_ =	shalt  }
0x6c: {  	_ =	shalt  }
0x6d: {  	_ =	shalt  }
0x6e: {  	_ =	shalt  }
0x6f: {  	_ =	shalt  }
0x70: {  	_ =	shalt  }
0x71: {  	_ =	shalt  }
0x72: {  	_ =	shalt  }
0x73: {  	_ =	shalt  }
0x74: {  	_ =	shalt  }
0x75: {  	_ =	shalt  }
0x76: {  	_ =	shalt  }
0x77: {  	_ =	shalt  }
0x78: {  	_ =	shalt  }
0x79: {  	_ =	shalt  }
0x7a: {  	_ =	shalt  }
0x7b: {  	_ =	shalt  }
0x7c: {  	_ =	shalt  }
0x7d: {  	_ =	shalt  }
0x7e: {  	_ =	shalt  }
0x7f: {  	_ =	shalt  }
0x80: {  	_ =	shalt  }
0x81: {  	_ =	shalt  }
0x82: {  	_ =	shalt  }
0x83: {  	_ =	shalt  }
0x84: {  	_ =	shalt  }
0x85: {  	_ =	shalt  }
0x86: {  	_ =	shalt  }
0x87: {  	_ =	shalt  }
.Lfunc_end0:
.L_simem_size_0:
called_computation_lowered:
.L_overlay_start_0:
0x88: {  	s2 =	sld [smem:$0x3FD9]  }
0x89: {  	s3 =	sld [smem:$0x3FFE];
	_ =	sdelay $0x1  }
0x8a: {  	s1 =	srdreg.scid  }
0x8b: {  	s0 =	sand.u32 $0x1, s1  }
0x8c: {  	s17 =	sshll.u32 s0, $0xA;
	s2 =	sadd.s32 s3, s2  }
0x8d: {  	s2 =	sadd.s32 s2, s17  }
0x8e: {  	[smem:$0x3FC0] =	sst s2  }
0x8f: {  	_ = 	snop  }
0x90: {  	s2 =	sld [smem:$0x3FD0];
	(tm) =	ssettm $0x1  }
0x91: {  	s18 =	sld [smem:$0x3FFB];
	_ =	sdelay $0x3  }
0x92: {  	_ =	strace s18  }
0x93: {  	s3 =	sld [smem:$0x3FFC];
	_ =	sdelay $0x3  }
0x94: {  	_ =	strace s3  }
0x95: {  	s3 =	sld [smem:$0x3FFD];
	_ =	sdelay $0x3  }
0x96: {  	_ =	strace s3  }
0x97: {  	_ =	strace $0x8FFFFFFF  }
0x98: {  	s19 =	sld [smem:$0x3FDB];
	_ =	sdelay $0x1  }
0x99: {  	s4 =	simm.s32 $_scs_section_size  }
0x9a: {  	s5 =	simm.s32 $_size__tile_overlayer_lowered;
	s6 =	simm.s32 $_tile_overlayer_lowered  }
0x9b: {  	s22 =	simm.s32 $0x1BFF;
	s21 =	sshll.u32 s6, $0x1;
	s3 =	sadd.s32 s4, s19  }
0x9c: {  	s7 =	simm.s32 $0x0;
	s20 =	sshll.u32 s5, $0x1;
	s5 =	sadd.s32 s21, s3  }
0x9d: {  	[timem:s7], [sflag:s22] =	dma.local [hbm:s5], s20  }
0x9e: {  	_ =	swait.ge [sflag:s22], s20  }
0x9f: {  	s4 =	ssub.s32 $0x0, s20;
	[sflag:s22] =	ssyncset.done $0x0  }
0xa0: {  	[sflag:s22] =	ssyncadd.s32 s4;
	_ =	sdelay $0x1  }
0xa1: {  	s23 =	simm.s32 $0x1B8B  }
0xa2: {  	_ =	swait.ge [sflag:s23], $0x1  }
0xa3: {  	[sflag:s23] =	ssyncset.done $0x0  }
0xa4: {  	s25 =	simm.s32 $0x1B8E;
	s24 =	sld [smem:$0x3FFE];
	[sflag:s23] =	ssyncadd.s32 $0xFFFFFFFF  }
0xa5: {  	s26 =	simm.s32 $execute0_lowered;
	[smem:$0x3FD2] =	sst s25  }
0xa6: {  	s5 =	sshll.u32 s26, $0x1;
	_ =	strace $0x80000046;
	[dreg:$0x1] =	wrdreg $0xFFFFFFFF  }
0xa7: {  	s28 =	simm.s32 $_size_execute0_lowered;
	s3 =	sadd.s32 s3, s5;
	[dreg:$0x0] =	wrdreg $0x0  }
0xa8: {  	s5 =	sshll.u32 s28, $0x1;
	[dreg:$0x2] =	wrdreg s3  }
0xa9: {  	[dreg:$0x3] =	wrdreg s5  }
0xaa: {  	[dreg:$0x4] =	wrdreg $0xC0  }
0xab: {  	_ =	task [dreg:s7], $0x5FFFF  }
0xac: {  	[dreg:$0x1] =	wrdreg $0xFFFFFFFF  }
0xad: {  	[dreg:$0x0] =	wrdreg $0x60  }
0xae: {  	[dreg:$0x2] =	wrdreg s2  }
0xaf: {  	[dreg:$0x3] =	wrdreg s24  }
0xb0: {  	[dreg:$0x4] =	wrdreg $0x93000  }
0xb1: {  	[dreg:$0x5] =	wrdreg $0x1D3000  }
0xb2: {  	[dreg:$0x6] =	wrdreg $0x9  }
0xb3: {  	_ =	task.clear_ibuf [dreg:s7], $0x7FFFF;
	_ =	strace $0x90000046  }
0xb4: {  	s29 =	simm.s32 $0x9;
	_ =	strace $0x80000048  }
0xb5: {  	_ =	swait.ge [sflag:s29], $0x1  }
0xb6: {  	[sflag:s29] =	ssyncadd.s32 $0xFFFFFFFF  }
0xb7: {  	_ =	strace $0x90000048  }
0xb8: {  	_ =	sfence  }
0xb9: {  	s30 =	sld [smem:$0x0];
	_ =	sdelay $0x2  }
0xba: {  	s31 =	sshll.u32 s1, $0xD;
	s1 =	sshrl.u32 s1, $0x2  }
0xbb: {  	s3 =	sand.u32 $0x4000, s31;
	s1 =	sadd.s32 s1, s30  }
0xbc: {  	s0 =	sor.u32 s3, s0;
	s1 =	sshll.u32 s1, $0x11  }
0xbd: {  	s0 =	sor.u32 s1, s0  }
0xbe: {  	s0 =	sadd.s32 $0x8F2B, s0  }
0xbf: {  	[sflag:s0] =	ssyncadd.remote.s32 $0x1  }
0xc0: {  	_ =	sfence.sel $0xFFFF  }
0xc1: {  	[dreg:$0x0] =	wrdreg $0xFFFFFFFF;
	(pc) =	sbr.abs _section_cstart, $3  }
0xc2: {  	[dreg:$0x1] =	wrdreg $0xFFFFFFFF  }
0xc3: {  	_ =	task.clear_ibuf [dreg:s7], $0x2FFFF;
	_ =	strace $0x9FFFFFFF  }
0xc4: {  	(tm) =	ssettm $0x7FFFFFFF  }
0xc5: {  	_ =	shalt  }
tec
execute0_lowered:
.L_overlay_start_1:
0x0: {  	(tag) =	ssettag $0x1  }
0x1: {  	s0 =	rddreg [dreg:$0x0]  }
0x2: {  	s1 =	rddreg [dreg:$0x1]  }
0x3: {  	s3 =	rddreg [dreg:$0x2];
	s11 =	stileid.u32  }
0x4: {  	s2 =	srdreg.scid;
	s7 =	smul.u32 $0x14000, s11  }
0x5: {  	s4 =	rddreg [dreg:$0x3];
	s8 =	smul.u32 $0x500, s11  }
0x6: {  	s5 =	simm.s32 $0x0;
	s19 =	simm.s32 $0x1000;
	s23 =	smul.u32 $0x50000, s11  }
0x7: {  	s20 =	simm.s32 $0x5;
	s28 =	simm.s32 $0x4;
	s10 =	smul.u32 $0x2800, s11  }
0x8: {  	s2 =	sand.u32 $0x1, s2;
	[smem:$0x7FF] =	sst s5;
	s11 =	smul.u32 $0xA00, s11  }
0x9: {  	s18 =	sadd.s32 $0xBC00, s1;
	s17 =	sadd.s32 $0x1C00, s1;
	s6 =	smul.u32 $0x140000, s2  }
0xa: {  	_ =	strace $0x80000047;
	s9 =	sshll.u32 s2, $0x7;
	s24 =	ssub.s32 $0x2, s2  }
0xb: {  	s2 =	smul.u32 $0x28000, s2;
	s22 =	sor.u32 s9, s8;
	s25 =	sshrl.u32 s23, $0x2  }
0xc: {  	s26 =	sshrl.u32 s24, $0x1;
	s11 =	sshrl.u32 s11, $0x2;
	s23 =	simm.s32 $0x80  }
0xd: {  	s6 =	sadd.s32 s7, s6;
	s7 =	sshrl.u32 s22, $0x3;
	s16 =	ssub.s32 s24, s26  }
0xe: {  	s2 =	sadd.s32 s10, s2;
	s11 =	sadd.s32 s11, s4;
	s22 =	simm.s32 $0x800  }
0xf: {  	s24 =	simm.s32 $0x5000;
	s26 =	simm.s32 $0x9000;
	s6 =	sshrl.u32 s6, $0x3  }
0x10: {  	s13 =	sshrl.u32 s2, $0x3;
	s2 =	sor.u32 $0x400, s2;
	s16 =	smax.u32 s16, $0x1  }
0x11: {  	s14 =	sadd.s32 s6, s1;
	s1 =	sadd.s32 s7, s1;
	s6 =	sadd.s32 s25, s3  }
0x12: {  	s12 =	sadd.s32 s18, s13;
	s13 =	sadd.s32 s17, s13;
	s2 =	sshrl.u32 s2, $0x3  }
0x13: {  	s25 =	simm.s32 $0x1;
	s29 =	sadd.s32 $0x4000, s6;
	s30 =	sadd.s32 $0x8000, s6  }
0x14: {  	s31 =	sadd.s32 $0xC000, s6;
	s10 =	sadd.s32 $0x10000, s6;
	[dreg:$0x5] =	wrdreg s29  }
0x15: {  	s14 =	sadd.s32 $0x16600, s14;
	s15 =	sadd.s32 $0x15C00, s1;
	[dreg:$0x6] =	wrdreg s30  }
0x16: {  	v0 =	vimm.f32 $1.000000000e+00;
	v1 =	vimm.f32 $0.0e+00;
	s17 =	sadd.s32 s2, s17;
	s18 =	sadd.s32 s2, s18;
	[dreg:$0x7] =	wrdreg s31  }
.LBB2_1:
0x17: {  	[tilespmem:$0x9000] =	vst v0  }
0x18: {  	[tilespmem:$0x9010] =	vst v0  }
0x19: {  	[tilespmem:$0x9020] =	vst v0  }
0x1a: {  	[tilespmem:$0x9030] =	vst v0  }
0x1b: {  	[tilespmem:$0x9040] =	vst v0  }
0x1c: {  	[tilespmem:$0x9050] =	vst v0  }
0x1d: {  	[tilespmem:$0x9060] =	vst v0  }
0x1e: {  	[tilespmem:$0x9070] =	vst v0  }
0x1f: {  	[tilespmem:$0x9080] =	vst v1  }
0x20: {  	[tilespmem:$0x9090] =	vst v1  }
0x21: {  	[tilespmem:$0x90A0] =	vst v1  }
0x22: {  	[tilespmem:$0x90B0] =	vst v1  }
0x23: {  	[tilespmem:$0x90C0] =	vst v1  }
0x24: {  	[tilespmem:$0x90D0] =	vst v1  }
0x25: {  	[tilespmem:$0x90E0] =	vst v1  }
0x26: {  	[tilespmem:$0x90F0] =	vst v1  }
0x27: {  	[tilespmem:$0x9100] =	vst v1  }
0x28: {  	[tilespmem:$0x9110] =	vst v1  }
0x29: {  	[tilespmem:$0x9120] =	vst v1  }
0x2a: {  	[tilespmem:$0x9130] =	vst v1  }
0x2b: {  	[tilespmem:$0x9140] =	vst v1  }
0x2c: {  	[tilespmem:$0x9150] =	vst v1  }
0x2d: {  	[tilespmem:$0x9160] =	vst v1  }
0x2e: {  	[tilespmem:$0x9170] =	vst v1  }
0x2f: {  	[tilespmem:$0x9180] =	vst v1  }
0x30: {  	[tilespmem:$0x9190] =	vst v1  }
0x31: {  	[tilespmem:$0x91A0] =	vst v1  }
0x32: {  	[tilespmem:$0x91B0] =	vst v1  }
0x33: {  	[tilespmem:$0x91C0] =	vst v1  }
0x34: {  	[tilespmem:$0x91D0] =	vst v1  }
0x35: {  	[tilespmem:$0x91E0] =	vst v1  }
0x36: {  	[tilespmem:$0x91F0] =	vst v1  }
0x37: {  	[tilespmem:$0x9200] =	vst v1  }
0x38: {  	[tilespmem:$0x9210] =	vst v1  }
0x39: {  	[tilespmem:$0x9220] =	vst v1  }
0x3a: {  	[tilespmem:$0x9230] =	vst v1  }
0x3b: {  	[tilespmem:$0x9240] =	vst v1  }
0x3c: {  	[tilespmem:$0x9250] =	vst v1  }
0x3d: {  	[tilespmem:$0x9260] =	vst v1  }
0x3e: {  	[tilespmem:$0x9270] =	vst v1  }
0x3f: {  	[tilespmem:$0x9280] =	vst v1  }
0x40: {  	[tilespmem:$0x9290] =	vst v1  }
0x41: {  	[tilespmem:$0x92A0] =	vst v1  }
0x42: {  	[tilespmem:$0x92B0] =	vst v1  }
0x43: {  	[tilespmem:$0x92C0] =	vst v1  }
0x44: {  	[tilespmem:$0x92D0] =	vst v1  }
0x45: {  	[tilespmem:$0x92E0] =	vst v1  }
0x46: {  	[tilespmem:$0x92F0] =	vst v1;
	s1 =	simm.s32 $0x0;
	s2 =	simm.s32 $0x200  }
.LBB2_2:
0x47: {  	p0 =	sne.s32 s2, $0xFE00;
	[tilespmem:s1+$0x1070] =	vst v1  }
0x48: {  	[tilespmem:s1+$0x1000] =	vst v1  }
0x49: {  	[tilespmem:s1+$0x1010] =	vst v1  }
.Ltmp0:
0x4a: {  	[tilespmem:s1+$0x1020] =	vst v1;
	(pc) =	sbr.rel @p0 .LBB2_2-.Ltmp0, $4  }
0x4b: {  	[tilespmem:s1+$0x1030] =	vst v1  }
0x4c: {  	[tilespmem:s1+$0x1040] =	vst v1  }
0x4d: {  	[tilespmem:s1+$0x1050] =	vst v1  }
0x4e: {  	[tilespmem:s1+$0x1060] =	vst v1;
	s1 =	sshra.s32 s2, $0x2;
	s2 =	sadd.s32 $0x200, s2  }
0x4f: {  	[tilespmem:s1+$0x1070] =	vst v1  }
0x50: {  	[tilespmem:s1+$0x1000] =	vst v1  }
0x51: {  	[tilespmem:s1+$0x1010] =	vst v1  }
0x52: {  	[tilespmem:s1+$0x1020] =	vst v1  }
0x53: {  	[tilespmem:s1+$0x1030] =	vst v1  }
0x54: {  	[tilespmem:s1+$0x1040] =	vst v1  }
0x55: {  	[tilespmem:s1+$0x1050] =	vst v1  }
0x56: {  	[tilespmem:s1+$0x1060] =	vst v1  }
0x57: {  	[spmem:s6] =	stream.linear.scatter [tilespmem:s19], [sflag:$0x5], $0x4000, $0x38;
	[tilespmem:$0x1D580] =	vst v63  }
0x58: {  	_ =	swait.ge [sflag:s20], $0x4000  }
0x59: {  	[sflag:s20] =	ssyncset.done $0x0  }
0x5a: {  	s7 =	rddreg [dreg:$0x5];
	[sflag:s20] =	ssyncadd.s32 $0xFFFFC000  }
0x5b: {  	[spmem:s7] =	stream.linear.scatter [tilespmem:s19], [sflag:$0x5], $0x4000, $0x38;
	[tilespmem:$0x1D580] =	vst v63  }
0x5c: {  	_ =	swait.ge [sflag:s20], $0x4000  }
0x5d: {  	[sflag:s20] =	ssyncset.done $0x0  }
0x5e: {  	s8 =	rddreg [dreg:$0x6];
	[sflag:s20] =	ssyncadd.s32 $0xFFFFC000  }
0x5f: {  	[spmem:s8] =	stream.linear.scatter [tilespmem:s19], [sflag:$0x5], $0x4000, $0x38;
	[tilespmem:$0x1D580] =	vst v63  }
0x60: {  	_ =	swait.ge [sflag:s20], $0x4000  }
0x61: {  	[sflag:s20] =	ssyncset.done $0x0  }
0x62: {  	s9 =	rddreg [dreg:$0x7];
	[sflag:s20] =	ssyncadd.s32 $0xFFFFC000  }
0x63: {  	[spmem:s9] =	stream.linear.scatter [tilespmem:s19], [sflag:$0x5], $0x4000, $0x38;
	[tilespmem:$0x1D580] =	vst v63  }
0x64: {  	_ =	swait.ge [sflag:s20], $0x4000  }
0x65: {  	[sflag:s20] =	ssyncset.done $0x0  }
0x66: {  	[sflag:s20] =	ssyncadd.s32 $0xFFFFC000  }
0x67: {  	[spmem:s10] =	stream.linear.scatter [tilespmem:s19], [sflag:$0x5], $0x4000, $0x38;
	[tilespmem:$0x1D580] =	vst v63  }
0x68: {  	_ =	swait.ge [sflag:s20], $0x4000  }
0x69: {  	[sflag:s20] =	ssyncset.done $0x0  }
0x6a: {  	s21 =	simm.s32 $0x9080;
	[sflag:s20] =	ssyncadd.s32 $0xFFFFC000  }
0x6b: {  	[spmem:s11] =	stream.linear.scatter [tilespmem:s21], [sflag:$0x5], $0x280, $0x38;
	[tilespmem:$0x1D580] =	vst v63  }
0x6c: {  	_ =	swait.ge [sflag:s20], $0x280  }
0x6d: {  	[sflag:s20] =	ssyncset.done $0x0  }
0x6e: {  	s30 =	simm.s32 $0x0;
	[sflag:s20] =	ssyncadd.s32 $0xFFFFFD80  }
0x6f: {  	[tilespmem:s30], [sflag:$0x5] =	stream.linear.gather [hbm4b:s12+s30], $0x400, $0x38;
	[tilespmem:$0x1D580] =	vst v63  }
0x70: {  	_ =	swait.ge [sflag:s20], $0x400  }
0x71: {  	[sflag:s20] =	ssyncset.done $0x0  }
0x72: {  	[sflag:s20] =	ssyncadd.s32 $0xFFFFFC00  }
0x73: {  	[tilespmem:s22], [sflag:$0x5] =	stream.linear.gather [hbm4b:s13+s30], $0x400, $0x38;
	[tilespmem:$0x1D580] =	vst v63  }
0x74: {  	_ =	swait.ge [sflag:s20], $0x400  }
0x75: {  	[sflag:s20] =	ssyncset.done $0x0  }
0x76: {  	p0 =	por $0x1, $0x1;
	[sflag:s20] =	ssyncadd.s32 $0xFFFFFC00  }
0x77: {  	s2 =	simm.s32 @!p0 $0x4;
	[bflag:$0x0] =	sbarrier.arrive $0xFFFF  }
0x78: {  	[tilespmem:s19], [sflag:$0x1] =	stream.indirect.gather [hbm4b:s0+s23], $0x80, s22, s23, $0xb8;
	[tilespmem:$0x1D580] =	vst v63  }
0x79: {  	s21 =	sand.u32 $0x1, s30;
	_ =	swait.ge @!p0 [sflag:s2], $0x4000  }
0x7a: {  	s1 =	sshll.u32 s21, $0xA;
	[sflag:s2] =	ssyncset.done @!p0 $0x0  }
0x7b: {  	s29 =	sor.u32 $0x880, s1;
	[sflag:s2] =	ssyncadd.s32 @!p0 $0xFFFFC000  }
0x7c: {  	[tilespmem:s24], [sflag:$0x1] =	stream.indirect.gather [hbm4b:s0+s23], $0x80, s29, s23, $0xb8;
	[tilespmem:$0x1D580] =	vst v63  }
0x7d: {  	_ =	swait.ge [sflag:s25], $0x4000  }
0x7e: {  	[sflag:s25] =	ssyncset.done $0x0  }
0x7f: {  	[sflag:s25] =	ssyncadd.s32 $0xFFFFC000  }
0x80: {  	[spmem:s3] =	stream.indirect.scatter.add.f32 [tilespmem:s19], [sflag:$0x4], $0x80, s1, s23, $0xb8;
	[tilespmem:$0x1D580] =	vst v63  }
0x81: {  	_ = 	snop  }
0x82: {  	[spmem:s4] =	stream.indirect.scatter.add.f32 [tilespmem:s26], [sflag:$0x5], $0x1, s1, s23, $0xb8;
	[tilespmem:$0x1D580] =	vst v63  }
0x83: {  	_ =	swait.ge [sflag:s20], $0x80  }
0x84: {  	[sflag:s20] =	ssyncset.done $0x0  }
0x85: {  	[sflag:s20] =	ssyncadd.s32 $0xFFFFFF80  }
0x86: {  	_ =	swait.ge @!p0 [sflag:s2], $0x4000  }
0x87: {  	[sflag:s2] =	ssyncset.done @!p0 $0x0  }
0x88: {  	s7 =	sadd.s32 $0x900, s1;
	[sflag:s2] =	ssyncadd.s32 @!p0 $0xFFFFC000  }
0x89: {  	[tilespmem:s19], [sflag:$0x1] =	stream.indirect.gather [hbm4b:s0+s23], $0x80, s7, s23, $0xb8;
	[tilespmem:$0x1D580] =	vst v63  }
0x8a: {  	_ =	swait.ge [sflag:s25], $0x4000  }
0x8b: {  	[sflag:s25] =	ssyncset.done $0x0  }
0x8c: {  	s8 =	sadd.s32 $0x80, s1;
	[sflag:s25] =	ssyncadd.s32 $0xFFFFC000  }
0x8d: {  	[spmem:s3] =	stream.indirect.scatter.add.f32 [tilespmem:s24], [sflag:$0x4], $0x80, s8, s23, $0xb8;
	[tilespmem:$0x1D580] =	vst v63  }
0x8e: {  	_ = 	snop  }
0x8f: {  	[spmem:s4] =	stream.indirect.scatter.add.f32 [tilespmem:s26], [sflag:$0x5], $0x1, s8, s23, $0xb8;
	[tilespmem:$0x1D580] =	vst v63  }
0x90: {  	_ =	swait.ge [sflag:s20], $0x80  }
0x91: {  	s2 =	sxor.u32 $0x1, s21;
	p0 =	por $0x0, $0x0;
	[sflag:s20] =	ssyncset.done $0x0  }
0x92: {  	s2 =	sshll.u32 @!p0 s2, $0xA;
	s21 =	simm.s32 @!p0 $0x0;
	[sflag:s20] =	ssyncadd.s32 $0xFFFFFF80  }
0x93: {  	[tilespmem:s2], [sflag:$0x2] =	stream.linear.gather @!p0 [hbm4b:s18+s21], $0x400, $0x38;
	[tilespmem:$0x1D580] =	vst v63  }
0x94: {  	s2 =	sor.u32 @!p0 $0x800, s2  }
0x95: {  	[tilespmem:s2], [sflag:$0x3] =	stream.linear.gather @!p0 [hbm4b:s17+s21], $0x400, $0x38;
	[tilespmem:$0x1D580] =	vst v63  }
0x96: {  	_ =	swait.ge [sflag:s28], $0x4000  }
0x97: {  	[sflag:s28] =	ssyncset.done $0x0  }
0x98: {  	s9 =	sadd.s32 $0x980, s1;
	[sflag:s28] =	ssyncadd.s32 $0xFFFFC000  }
0x99: {  	[tilespmem:s24], [sflag:$0x1] =	stream.indirect.gather [hbm4b:s0+s23], $0x80, s9, s23, $0xb8;
	[tilespmem:$0x1D580] =	vst v63  }
0x9a: {  	_ =	swait.ge [sflag:s25], $0x4000  }
0x9b: {  	[sflag:s25] =	ssyncset.done $0x0  }
0x9c: {  	s30 =	sadd.s32 $0x100, s1;
	[sflag:s25] =	ssyncadd.s32 $0xFFFFC000  }
0x9d: {  	[spmem:s3] =	stream.indirect.scatter.add.f32 [tilespmem:s19], [sflag:$0x4], $0x80, s30, s23, $0xb8;
	[tilespmem:$0x1D580] =	vst v63  }
0x9e: {  	_ = 	snop  }
0x9f: {  	[spmem:s4] =	stream.indirect.scatter.add.f32 [tilespmem:s26], [sflag:$0x5], $0x1, s30, s23, $0xb8;
	[tilespmem:$0x1D580] =	vst v63  }
0xa0: {  	_ =	swait.ge [sflag:s20], $0x80  }
0xa1: {  	[sflag:s20] =	ssyncset.done $0x0  }
0xa2: {  	[sflag:s20] =	ssyncadd.s32 $0xFFFFFF80  }
0xa3: {  	_ =	swait.ge [sflag:s28], $0x4000  }
0xa4: {  	[sflag:s28] =	ssyncset.done $0x0  }
0xa5: {  	s7 =	sadd.s32 $0xA00, s1;
	[sflag:s28] =	ssyncadd.s32 $0xFFFFC000  }
0xa6: {  	[tilespmem:s19], [sflag:$0x1] =	stream.indirect.gather [hbm4b:s0+s23], $0x80, s7, s23, $0xb8;
	[tilespmem:$0x1D580] =	vst v63  }
0xa7: {  	_ =	swait.ge [sflag:s25], $0x4000  }
0xa8: {  	[sflag:s25] =	ssyncset.done $0x0  }
0xa9: {  	s8 =	sadd.s32 $0x180, s1;
	[sflag:s25] =	ssyncadd.s32 $0xFFFFC000  }
0xaa: {  	[spmem:s3] =	stream.indirect.scatter.add.f32 [tilespmem:s24], [sflag:$0x4], $0x80, s8, s23, $0xb8;
	[tilespmem:$0x1D580] =	vst v63  }
0xab: {  	_ = 	snop  }
0xac: {  	[spmem:s4] =	stream.indirect.scatter.add.f32 [tilespmem:s26], [sflag:$0x5], $0x1, s8, s23, $0xb8;
	[tilespmem:$0x1D580] =	vst v63  }
0xad: {  	_ =	swait.ge [sflag:s20], $0x80  }
0xae: {  	[sflag:s20] =	ssyncset.done $0x0  }
0xaf: {  	[sflag:s20] =	ssyncadd.s32 $0xFFFFFF80  }
0xb0: {  	_ =	swait.ge [sflag:s28], $0x4000  }
0xb1: {  	[sflag:s28] =	ssyncset.done $0x0  }
0xb2: {  	s9 =	sadd.s32 $0xA80, s1;
	[sflag:s28] =	ssyncadd.s32 $0xFFFFC000  }
0xb3: {  	[tilespmem:s24], [sflag:$0x1] =	stream.indirect.gather [hbm4b:s0+s23], $0x80, s9, s23, $0xb8;
	[tilespmem:$0x1D580] =	vst v63  }
0xb4: {  	_ =	swait.ge [sflag:s25], $0x4000  }
0xb5: {  	[sflag:s25] =	ssyncset.done $0x0  }
0xb6: {  	s30 =	sadd.s32 $0x200, s1;
	[sflag:s25] =	ssyncadd.s32 $0xFFFFC000  }
0xb7: {  	[spmem:s3] =	stream.indirect.scatter.add.f32 [tilespmem:s19], [sflag:$0x4], $0x80, s30, s23, $0xb8;
	[tilespmem:$0x1D580] =	vst v63  }
0xb8: {  	_ = 	snop  }
0xb9: {  	[spmem:s4] =	stream.indirect.scatter.add.f32 [tilespmem:s26], [sflag:$0x5], $0x1, s30, s23, $0xb8;
	[tilespmem:$0x1D580] =	vst v63  }
0xba: {  	_ =	swait.ge [sflag:s20], $0x80  }
0xbb: {  	[sflag:s20] =	ssyncset.done $0x0  }
0xbc: {  	[sflag:s20] =	ssyncadd.s32 $0xFFFFFF80  }
0xbd: {  	_ =	swait.ge [sflag:s28], $0x4000  }
0xbe: {  	[sflag:s28] =	ssyncset.done $0x0  }
0xbf: {  	s7 =	sadd.s32 $0xB00, s1;
	[sflag:s28] =	ssyncadd.s32 $0xFFFFC000  }
0xc0: {  	[tilespmem:s19], [sflag:$0x1] =	stream.indirect.gather [hbm4b:s0+s23], $0x80, s7, s23, $0xb8;
	[tilespmem:$0x1D580] =	vst v63  }
0xc1: {  	_ =	swait.ge [sflag:s25], $0x4000  }
0xc2: {  	[sflag:s25] =	ssyncset.done $0x0  }
0xc3: {  	s8 =	sadd.s32 $0x280, s1;
	[sflag:s25] =	ssyncadd.s32 $0xFFFFC000  }
0xc4: {  	[spmem:s3] =	stream.indirect.scatter.add.f32 [tilespmem:s24], [sflag:$0x4], $0x80, s8, s23, $0xb8;
	[tilespmem:$0x1D580] =	vst v63  }
0xc5: {  	_ = 	snop  }
0xc6: {  	[spmem:s4] =	stream.indirect.scatter.add.f32 [tilespmem:s26], [sflag:$0x5], $0x1, s8, s23, $0xb8;
	[tilespmem:$0x1D580] =	vst v63  }
0xc7: {  	_ =	swait.ge [sflag:s20], $0x80  }
0xc8: {  	[sflag:s20] =	ssyncset.done $0x0  }
0xc9: {  	[sflag:s20] =	ssyncadd.s32 $0xFFFFFF80  }
0xca: {  	_ =	swait.ge [sflag:s28], $0x4000  }
0xcb: {  	[sflag:s28] =	ssyncset.done $0x0  }
0xcc: {  	s9 =	sadd.s32 $0xB80, s1;
	[sflag:s28] =	ssyncadd.s32 $0xFFFFC000  }
0xcd: {  	[tilespmem:s24], [sflag:$0x1] =	stream.indirect.gather [hbm4b:s0+s23], $0x80, s9, s23, $0xb8;
	[tilespmem:$0x1D580] =	vst v63  }
0xce: {  	_ =	swait.ge [sflag:s25], $0x4000  }
0xcf: {  	[sflag:s25] =	ssyncset.done $0x0  }
0xd0: {  	s30 =	sadd.s32 $0x300, s1;
	[sflag:s25] =	ssyncadd.s32 $0xFFFFC000  }
0xd1: {  	[spmem:s3] =	stream.indirect.scatter.add.f32 [tilespmem:s19], [sflag:$0x4], $0x80, s30, s23, $0xb8;
	[tilespmem:$0x1D580] =	vst v63  }
0xd2: {  	_ = 	snop  }
0xd3: {  	[spmem:s4] =	stream.indirect.scatter.add.f32 [tilespmem:s26], [sflag:$0x5], $0x1, s30, s23, $0xb8;
	[tilespmem:$0x1D580] =	vst v63  }
0xd4: {  	_ =	swait.ge [sflag:s20], $0x80  }
0xd5: {  	[sflag:s20] =	ssyncset.done $0x0  }
0xd6: {  	[sflag:s20] =	ssyncadd.s32 $0xFFFFFF80  }
0xd7: {  	_ =	swait.ge [sflag:s28], $0x4000  }
0xd8: {  	[sflag:s28] =	ssyncset.done $0x0  }
0xd9: {  	s21 =	simm.s32 @!p0 $0x2;
	[sflag:s28] =	ssyncadd.s32 $0xFFFFC000  }
0xda: {  	_ =	swait.ge @!p0 [sflag:s21], $0x400  }
0xdb: {  	[sflag:s21] =	ssyncset.done @!p0 $0x0  }
0xdc: {  	[sflag:s21] =	ssyncadd.s32 @!p0 $0xFFFFFC00;
	s21 =	simm.s32 @!p0 $0x3  }
0xdd: {  	_ =	swait.ge @!p0 [sflag:s21], $0x400  }
0xde: {  	[sflag:s21] =	ssyncset.done @!p0 $0x0  }
0xdf: {  	s29 =	simm.s32 @!p0 $0x1000;
	[sflag:s21] =	ssyncadd.s32 @!p0 $0xFFFFFC00;
	s21 =	simm.s32 @!p0 $0x80  }
0xe0: {  	[tilespmem:s29], [sflag:$0x1] =	stream.indirect.gather @!p0 [hbm4b:s0+s21], $0x80, s2, s21, $0xb8;
	[tilespmem:$0x1D580] =	vst v63  }
0xe1: {  	_ =	swait.ge [sflag:s25], $0x4000  }
0xe2: {  	[sflag:s25] =	ssyncset.done $0x0  }
0xe3: {  	s1 =	sadd.s32 $0x380, s1;
	[sflag:s25] =	ssyncadd.s32 $0xFFFFC000  }
0xe4: {  	[spmem:s3] =	stream.indirect.scatter.add.f32 [tilespmem:s24], [sflag:$0x4], $0x80, s1, s23, $0xb8;
	[tilespmem:$0x1D580] =	vst v63  }
0xe5: {  	_ = 	snop  }
0xe6: {  	[spmem:s4] =	stream.indirect.scatter.add.f32 [tilespmem:s26], [sflag:$0x5], $0x1, s1, s23, $0xb8;
	[tilespmem:$0x1D580] =	vst v63  }
0xe7: {  	s31 =	sadd.s32 $0x80, s17;
	s29 =	simm.s32 $0x2;
	_ =	swait.ge [sflag:s20], $0x80  }
0xe8: {  	s21 =	sadd.s32 $0x80, s18;
	s1 =	simm.s32 $0x1;
	[sflag:s20] =	ssyncset.done $0x0  }
.LBB2_4:
0xe9: {  	p1 =	seq.s32 s1, $0x0  }
0xea: {  	[sflag:s20] =	ssyncadd.s32 $0xFFFFFF80;
	s2 =	smov.u32 s29;
	s29 =	sadd.s32 $0x1, s29  }
0xeb: {  	p0 =	sne.s32 s29, $0xA;
	s7 =	simm.s32 @!p1 $0x4  }
0xec: {  	s30 =	sand.u32 $0x1, s1;
	_ =	swait.ge @!p1 [sflag:s7], $0x4000  }
0xed: {  	s8 =	sxor.u32 $0x1, s30;
	s30 =	sshll.u32 s30, $0xA;
	[sflag:s7] =	ssyncset.done @!p1 $0x0  }
0xee: {  	s9 =	sor.u32 $0x880, s30;
	[sflag:s7] =	ssyncadd.s32 @!p1 $0xFFFFC000  }
0xef: {  	[tilespmem:s24], [sflag:$0x1] =	stream.indirect.gather [hbm4b:s0+s23], $0x80, s9, s23, $0xb8;
	[tilespmem:$0x1D580] =	vst v63  }
0xf0: {  	_ =	swait.ge [sflag:s25], $0x4000  }
0xf1: {  	[sflag:s25] =	ssyncset.done $0x0  }
0xf2: {  	[sflag:s25] =	ssyncadd.s32 $0xFFFFC000  }
0xf3: {  	[spmem:s3] =	stream.indirect.scatter.add.f32 [tilespmem:s19], [sflag:$0x4], $0x80, s30, s23, $0xb8;
	[tilespmem:$0x1D580] =	vst v63  }
0xf4: {  	_ = 	snop  }
0xf5: {  	[spmem:s4] =	stream.indirect.scatter.add.f32 [tilespmem:s26], [sflag:$0x5], $0x1, s30, s23, $0xb8;
	[tilespmem:$0x1D580] =	vst v63  }
0xf6: {  	_ =	swait.ge [sflag:s20], $0x80  }
0xf7: {  	[sflag:s20] =	ssyncset.done $0x0  }
0xf8: {  	[sflag:s20] =	ssyncadd.s32 $0xFFFFFF80  }
0xf9: {  	_ =	swait.ge @!p1 [sflag:s7], $0x4000  }
0xfa: {  	[sflag:s7] =	ssyncset.done @!p1 $0x0  }
0xfb: {  	[sflag:s7] =	ssyncadd.s32 @!p1 $0xFFFFC000;
	s7 =	sadd.s32 $0x900, s30  }
0xfc: {  	[tilespmem:s19], [sflag:$0x1] =	stream.indirect.gather [hbm4b:s0+s23], $0x80, s7, s23, $0xb8;
	[tilespmem:$0x1D580] =	vst v63  }
0xfd: {  	_ =	swait.ge [sflag:s25], $0x4000  }
0xfe: {  	[sflag:s25] =	ssyncset.done $0x0  }
0xff: {  	s7 =	sadd.s32 $0x80, s30;
	[sflag:s25] =	ssyncadd.s32 $0xFFFFC000  }
0x100: {  	[spmem:s3] =	stream.indirect.scatter.add.f32 [tilespmem:s24], [sflag:$0x4], $0x80, s7, s23, $0xb8;
	[tilespmem:$0x1D580] =	vst v63  }
0x101: {  	_ = 	snop  }
0x102: {  	[spmem:s4] =	stream.indirect.scatter.add.f32 [tilespmem:s26], [sflag:$0x5], $0x1, s7, s23, $0xb8;
	[tilespmem:$0x1D580] =	vst v63  }
0x103: {  	_ =	swait.ge [sflag:s20], $0x80  }
0x104: {  	p1 =	seq.s32 s1, $0x9;
	s1 =	smov.u32 s2;
	[sflag:s20] =	ssyncset.done $0x0  }
0x105: {  	s2 =	sshll.u32 @!p1 s8, $0xA;
	s7 =	simm.s32 @!p1 $0x0;
	[sflag:s20] =	ssyncadd.s32 $0xFFFFFF80  }
0x106: {  	[tilespmem:s2], [sflag:$0x2] =	stream.linear.gather @!p1 [hbm4b:s21+s7], $0x400, $0x38;
	[tilespmem:$0x1D580] =	vst v63  }
0x107: {  	s2 =	sor.u32 @!p1 $0x800, s2  }
0x108: {  	[tilespmem:s2], [sflag:$0x3] =	stream.linear.gather @!p1 [hbm4b:s31+s7], $0x400, $0x38;
	[tilespmem:$0x1D580] =	vst v63  }
0x109: {  	_ =	swait.ge [sflag:s28], $0x4000  }
0x10a: {  	[sflag:s28] =	ssyncset.done $0x0  }
0x10b: {  	s7 =	sadd.s32 $0x980, s30;
	[sflag:s28] =	ssyncadd.s32 $0xFFFFC000  }
0x10c: {  	[tilespmem:s24], [sflag:$0x1] =	stream.indirect.gather [hbm4b:s0+s23], $0x80, s7, s23, $0xb8;
	[tilespmem:$0x1D580] =	vst v63  }
0x10d: {  	_ =	swait.ge [sflag:s25], $0x4000  }
0x10e: {  	[sflag:s25] =	ssyncset.done $0x0  }
0x10f: {  	s7 =	sadd.s32 $0x100, s30;
	[sflag:s25] =	ssyncadd.s32 $0xFFFFC000  }
0x110: {  	[spmem:s3] =	stream.indirect.scatter.add.f32 [tilespmem:s19], [sflag:$0x4], $0x80, s7, s23, $0xb8;
	[tilespmem:$0x1D580] =	vst v63  }
0x111: {  	_ = 	snop  }
0x112: {  	[spmem:s4] =	stream.indirect.scatter.add.f32 [tilespmem:s26], [sflag:$0x5], $0x1, s7, s23, $0xb8;
	[tilespmem:$0x1D580] =	vst v63  }
0x113: {  	_ =	swait.ge [sflag:s20], $0x80  }
0x114: {  	[sflag:s20] =	ssyncset.done $0x0  }
0x115: {  	[sflag:s20] =	ssyncadd.s32 $0xFFFFFF80  }
0x116: {  	_ =	swait.ge [sflag:s28], $0x4000  }
0x117: {  	[sflag:s28] =	ssyncset.done $0x0  }
0x118: {  	s7 =	sadd.s32 $0xA00, s30;
	[sflag:s28] =	ssyncadd.s32 $0xFFFFC000  }
0x119: {  	[tilespmem:s19], [sflag:$0x1] =	stream.indirect.gather [hbm4b:s0+s23], $0x80, s7, s23, $0xb8;
	[tilespmem:$0x1D580] =	vst v63  }
0x11a: {  	_ =	swait.ge [sflag:s25], $0x4000  }
0x11b: {  	[sflag:s25] =	ssyncset.done $0x0  }
0x11c: {  	s7 =	sadd.s32 $0x180, s30;
	[sflag:s25] =	ssyncadd.s32 $0xFFFFC000  }
0x11d: {  	[spmem:s3] =	stream.indirect.scatter.add.f32 [tilespmem:s24], [sflag:$0x4], $0x80, s7, s23, $0xb8;
	[tilespmem:$0x1D580] =	vst v63  }
0x11e: {  	_ = 	snop  }
0x11f: {  	[spmem:s4] =	stream.indirect.scatter.add.f32 [tilespmem:s26], [sflag:$0x5], $0x1, s7, s23, $0xb8;
	[tilespmem:$0x1D580] =	vst v63  }
0x120: {  	_ =	swait.ge [sflag:s20], $0x80  }
0x121: {  	[sflag:s20] =	ssyncset.done $0x0  }
0x122: {  	[sflag:s20] =	ssyncadd.s32 $0xFFFFFF80  }
0x123: {  	_ =	swait.ge [sflag:s28], $0x4000  }
0x124: {  	[sflag:s28] =	ssyncset.done $0x0  }
0x125: {  	s7 =	sadd.s32 $0xA80, s30;
	[sflag:s28] =	ssyncadd.s32 $0xFFFFC000  }
0x126: {  	[tilespmem:s24], [sflag:$0x1] =	stream.indirect.gather [hbm4b:s0+s23], $0x80, s7, s23, $0xb8;
	[tilespmem:$0x1D580] =	vst v63  }
0x127: {  	_ =	swait.ge [sflag:s25], $0x4000  }
0x128: {  	[sflag:s25] =	ssyncset.done $0x0  }
0x129: {  	s7 =	sadd.s32 $0x200, s30;
	[sflag:s25] =	ssyncadd.s32 $0xFFFFC000  }
0x12a: {  	[spmem:s3] =	stream.indirect.scatter.add.f32 [tilespmem:s19], [sflag:$0x4], $0x80, s7, s23, $0xb8;
	[tilespmem:$0x1D580] =	vst v63  }
0x12b: {  	_ = 	snop  }
0x12c: {  	[spmem:s4] =	stream.indirect.scatter.add.f32 [tilespmem:s26], [sflag:$0x5], $0x1, s7, s23, $0xb8;
	[tilespmem:$0x1D580] =	vst v63  }
0x12d: {  	_ =	swait.ge [sflag:s20], $0x80  }
0x12e: {  	[sflag:s20] =	ssyncset.done $0x0  }
0x12f: {  	[sflag:s20] =	ssyncadd.s32 $0xFFFFFF80  }
0x130: {  	_ =	swait.ge [sflag:s28], $0x4000  }
0x131: {  	[sflag:s28] =	ssyncset.done $0x0  }
0x132: {  	s7 =	sadd.s32 $0xB00, s30;
	[sflag:s28] =	ssyncadd.s32 $0xFFFFC000  }
0x133: {  	[tilespmem:s19], [sflag:$0x1] =	stream.indirect.gather [hbm4b:s0+s23], $0x80, s7, s23, $0xb8;
	[tilespmem:$0x1D580] =	vst v63  }
0x134: {  	_ =	swait.ge [sflag:s25], $0x4000  }
0x135: {  	[sflag:s25] =	ssyncset.done $0x0  }
0x136: {  	s7 =	sadd.s32 $0x280, s30;
	[sflag:s25] =	ssyncadd.s32 $0xFFFFC000  }
0x137: {  	[spmem:s3] =	stream.indirect.scatter.add.f32 [tilespmem:s24], [sflag:$0x4], $0x80, s7, s23, $0xb8;
	[tilespmem:$0x1D580] =	vst v63  }
0x138: {  	_ = 	snop  }
0x139: {  	[spmem:s4] =	stream.indirect.scatter.add.f32 [tilespmem:s26], [sflag:$0x5], $0x1, s7, s23, $0xb8;
	[tilespmem:$0x1D580] =	vst v63  }
0x13a: {  	_ =	swait.ge [sflag:s20], $0x80  }
0x13b: {  	[sflag:s20] =	ssyncset.done $0x0  }
0x13c: {  	[sflag:s20] =	ssyncadd.s32 $0xFFFFFF80  }
0x13d: {  	_ =	swait.ge [sflag:s28], $0x4000  }
0x13e: {  	[sflag:s28] =	ssyncset.done $0x0  }
0x13f: {  	s7 =	sadd.s32 $0xB80, s30;
	[sflag:s28] =	ssyncadd.s32 $0xFFFFC000  }
0x140: {  	[tilespmem:s24], [sflag:$0x1] =	stream.indirect.gather [hbm4b:s0+s23], $0x80, s7, s23, $0xb8;
	[tilespmem:$0x1D580] =	vst v63  }
0x141: {  	_ =	swait.ge [sflag:s25], $0x4000  }
0x142: {  	[sflag:s25] =	ssyncset.done $0x0  }
0x143: {  	s7 =	sadd.s32 $0x300, s30;
	[sflag:s25] =	ssyncadd.s32 $0xFFFFC000  }
0x144: {  	[spmem:s3] =	stream.indirect.scatter.add.f32 [tilespmem:s19], [sflag:$0x4], $0x80, s7, s23, $0xb8;
	[tilespmem:$0x1D580] =	vst v63  }
0x145: {  	_ = 	snop  }
0x146: {  	[spmem:s4] =	stream.indirect.scatter.add.f32 [tilespmem:s26], [sflag:$0x5], $0x1, s7, s23, $0xb8;
	[tilespmem:$0x1D580] =	vst v63  }
0x147: {  	_ =	swait.ge [sflag:s20], $0x80  }
0x148: {  	[sflag:s20] =	ssyncset.done $0x0  }
0x149: {  	[sflag:s20] =	ssyncadd.s32 $0xFFFFFF80  }
0x14a: {  	_ =	swait.ge [sflag:s28], $0x4000  }
0x14b: {  	[sflag:s28] =	ssyncset.done $0x0  }
0x14c: {  	s7 =	simm.s32 @!p1 $0x2;
	[sflag:s28] =	ssyncadd.s32 $0xFFFFC000  }
0x14d: {  	_ =	swait.ge @!p1 [sflag:s7], $0x400  }
0x14e: {  	[sflag:s7] =	ssyncset.done @!p1 $0x0  }
0x14f: {  	[sflag:s7] =	ssyncadd.s32 @!p1 $0xFFFFFC00;
	s7 =	simm.s32 @!p1 $0x3  }
0x150: {  	_ =	swait.ge @!p1 [sflag:s7], $0x400  }
0x151: {  	[sflag:s7] =	ssyncset.done @!p1 $0x0  }
0x152: {  	s8 =	simm.s32 @!p1 $0x1000;
	[sflag:s7] =	ssyncadd.s32 @!p1 $0xFFFFFC00;
	s7 =	simm.s32 @!p1 $0x80  }
0x153: {  	[tilespmem:s8], [sflag:$0x1] =	stream.indirect.gather @!p1 [hbm4b:s0+s7], $0x80, s2, s7, $0xb8;
	[tilespmem:$0x1D580] =	vst v63  }
0x154: {  	_ =	swait.ge [sflag:s25], $0x4000  }
0x155: {  	[sflag:s25] =	ssyncset.done $0x0  }
0x156: {  	s2 =	sadd.s32 $0x380, s30;
	[sflag:s25] =	ssyncadd.s32 $0xFFFFC000  }
0x157: {  	[spmem:s3] =	stream.indirect.scatter.add.f32 [tilespmem:s24], [sflag:$0x4], $0x80, s2, s23, $0xb8;
	[tilespmem:$0x1D580] =	vst v63  }
.Ltmp1:
0x158: {  	_ = 	snop;
	(pc) =	sbr.rel @p0 .LBB2_4-.Ltmp1, $4  }
0x159: {  	_ = 	snop  }
0x15a: {  	[spmem:s4] =	stream.indirect.scatter.add.f32 [tilespmem:s26], [sflag:$0x5], $0x1, s2, s23, $0xb8;
	[tilespmem:$0x1D580] =	vst v63  }
0x15b: {  	_ =	swait.ge [sflag:s20], $0x80  }
0x15c: {  	s21 =	sadd.s32 $0x80, s21;
	s31 =	sadd.s32 $0x80, s31;
	[sflag:s20] =	ssyncset.done $0x0  }
0x15d: {  	p0 =	seq.s32 s1, $0x0  }
0x15e: {  	[sflag:s20] =	ssyncadd.s32 $0xFFFFFF80;
	s7 =	simm.s32 @!p0 $0x4  }
0x15f: {  	s8 =	sand.u32 $0x1, s1;
	_ =	swait.ge @!p0 [sflag:s7], $0x4000  }
0x160: {  	s2 =	sshll.u32 s8, $0xA;
	[sflag:s7] =	ssyncset.done @!p0 $0x0  }
0x161: {  	s9 =	sor.u32 $0x880, s2;
	[sflag:s7] =	ssyncadd.s32 @!p0 $0xFFFFC000  }
0x162: {  	[tilespmem:s24], [sflag:$0x1] =	stream.indirect.gather [hbm4b:s0+s23], $0x80, s9, s23, $0xb8;
	[tilespmem:$0x1D580] =	vst v63  }
0x163: {  	_ =	swait.ge [sflag:s25], $0x4000  }
0x164: {  	[sflag:s25] =	ssyncset.done $0x0  }
0x165: {  	[sflag:s25] =	ssyncadd.s32 $0xFFFFC000  }
0x166: {  	[spmem:s3] =	stream.indirect.scatter.add.f32 [tilespmem:s19], [sflag:$0x4], $0x80, s2, s23, $0xb8;
	[tilespmem:$0x1D580] =	vst v63  }
0x167: {  	_ = 	snop  }
0x168: {  	[spmem:s4] =	stream.indirect.scatter.add.f32 [tilespmem:s26], [sflag:$0x5], $0x1, s2, s23, $0xb8;
	[tilespmem:$0x1D580] =	vst v63  }
0x169: {  	_ =	swait.ge [sflag:s20], $0x80  }
0x16a: {  	[sflag:s20] =	ssyncset.done $0x0  }
0x16b: {  	[sflag:s20] =	ssyncadd.s32 $0xFFFFFF80  }
0x16c: {  	_ =	swait.ge @!p0 [sflag:s7], $0x4000  }
0x16d: {  	[sflag:s7] =	ssyncset.done @!p0 $0x0  }
0x16e: {  	s30 =	sadd.s32 $0x900, s2;
	[sflag:s7] =	ssyncadd.s32 @!p0 $0xFFFFC000  }
0x16f: {  	[tilespmem:s19], [sflag:$0x1] =	stream.indirect.gather [hbm4b:s0+s23], $0x80, s30, s23, $0xb8;
	[tilespmem:$0x1D580] =	vst v63  }
0x170: {  	_ =	swait.ge [sflag:s25], $0x4000  }
0x171: {  	[sflag:s25] =	ssyncset.done $0x0  }
0x172: {  	s9 =	sadd.s32 $0x80, s2;
	[sflag:s25] =	ssyncadd.s32 $0xFFFFC000  }
0x173: {  	[spmem:s3] =	stream.indirect.scatter.add.f32 [tilespmem:s24], [sflag:$0x4], $0x80, s9, s23, $0xb8;
	[tilespmem:$0x1D580] =	vst v63  }
0x174: {  	_ = 	snop  }
0x175: {  	[spmem:s4] =	stream.indirect.scatter.add.f32 [tilespmem:s26], [sflag:$0x5], $0x1, s9, s23, $0xb8;
	[tilespmem:$0x1D580] =	vst v63  }
0x176: {  	_ =	swait.ge [sflag:s20], $0x80  }
0x177: {  	s7 =	sxor.u32 $0x1, s8;
	p0 =	seq.s32 s1, $0x9;
	[sflag:s20] =	ssyncset.done $0x0  }
0x178: {  	s1 =	sshll.u32 @!p0 s7, $0xA;
	s7 =	simm.s32 @!p0 $0x0;
	[sflag:s20] =	ssyncadd.s32 $0xFFFFFF80  }
0x179: {  	[tilespmem:s1], [sflag:$0x2] =	stream.linear.gather @!p0 [hbm4b:s21+s7], $0x400, $0x38;
	[tilespmem:$0x1D580] =	vst v63  }
0x17a: {  	s1 =	sor.u32 @!p0 $0x800, s1  }
0x17b: {  	[tilespmem:s1], [sflag:$0x3] =	stream.linear.gather @!p0 [hbm4b:s31+s7], $0x400, $0x38;
	[tilespmem:$0x1D580] =	vst v63  }
0x17c: {  	_ =	swait.ge [sflag:s28], $0x4000  }
0x17d: {  	[sflag:s28] =	ssyncset.done $0x0  }
0x17e: {  	s21 =	sadd.s32 $0x980, s2;
	[sflag:s28] =	ssyncadd.s32 $0xFFFFC000  }
0x17f: {  	[tilespmem:s24], [sflag:$0x1] =	stream.indirect.gather [hbm4b:s0+s23], $0x80, s21, s23, $0xb8;
	[tilespmem:$0x1D580] =	vst v63  }
0x180: {  	_ =	swait.ge [sflag:s25], $0x4000  }
0x181: {  	[sflag:s25] =	ssyncset.done $0x0  }
0x182: {  	s29 =	sadd.s32 $0x100, s2;
	[sflag:s25] =	ssyncadd.s32 $0xFFFFC000  }
0x183: {  	[spmem:s3] =	stream.indirect.scatter.add.f32 [tilespmem:s19], [sflag:$0x4], $0x80, s29, s23, $0xb8;
	[tilespmem:$0x1D580] =	vst v63  }
0x184: {  	_ = 	snop  }
0x185: {  	[spmem:s4] =	stream.indirect.scatter.add.f32 [tilespmem:s26], [sflag:$0x5], $0x1, s29, s23, $0xb8;
	[tilespmem:$0x1D580] =	vst v63  }
0x186: {  	_ =	swait.ge [sflag:s20], $0x80  }
0x187: {  	[sflag:s20] =	ssyncset.done $0x0  }
0x188: {  	[sflag:s20] =	ssyncadd.s32 $0xFFFFFF80  }
0x189: {  	_ =	swait.ge [sflag:s28], $0x4000  }
0x18a: {  	[sflag:s28] =	ssyncset.done $0x0  }
0x18b: {  	s30 =	sadd.s32 $0xA00, s2;
	[sflag:s28] =	ssyncadd.s32 $0xFFFFC000  }
0x18c: {  	[tilespmem:s19], [sflag:$0x1] =	stream.indirect.gather [hbm4b:s0+s23], $0x80, s30, s23, $0xb8;
	[tilespmem:$0x1D580] =	vst v63  }
0x18d: {  	_ =	swait.ge [sflag:s25], $0x4000  }
0x18e: {  	[sflag:s25] =	ssyncset.done $0x0  }
0x18f: {  	s31 =	sadd.s32 $0x180, s2;
	[sflag:s25] =	ssyncadd.s32 $0xFFFFC000  }
0x190: {  	[spmem:s3] =	stream.indirect.scatter.add.f32 [tilespmem:s24], [sflag:$0x4], $0x80, s31, s23, $0xb8;
	[tilespmem:$0x1D580] =	vst v63  }
0x191: {  	_ = 	snop  }
0x192: {  	[spmem:s4] =	stream.indirect.scatter.add.f32 [tilespmem:s26], [sflag:$0x5], $0x1, s31, s23, $0xb8;
	[tilespmem:$0x1D580] =	vst v63  }
0x193: {  	_ =	swait.ge [sflag:s20], $0x80  }
0x194: {  	[sflag:s20] =	ssyncset.done $0x0  }
0x195: {  	[sflag:s20] =	ssyncadd.s32 $0xFFFFFF80  }
0x196: {  	_ =	swait.ge [sflag:s28], $0x4000  }
0x197: {  	[sflag:s28] =	ssyncset.done $0x0  }
0x198: {  	s8 =	sadd.s32 $0xA80, s2;
	[sflag:s28] =	ssyncadd.s32 $0xFFFFC000  }
0x199: {  	[tilespmem:s24], [sflag:$0x1] =	stream.indirect.gather [hbm4b:s0+s23], $0x80, s8, s23, $0xb8;
	[tilespmem:$0x1D580] =	vst v63  }
0x19a: {  	_ =	swait.ge [sflag:s25], $0x4000  }
0x19b: {  	[sflag:s25] =	ssyncset.done $0x0  }
0x19c: {  	s9 =	sadd.s32 $0x200, s2;
	[sflag:s25] =	ssyncadd.s32 $0xFFFFC000  }
0x19d: {  	[spmem:s3] =	stream.indirect.scatter.add.f32 [tilespmem:s19], [sflag:$0x4], $0x80, s9, s23, $0xb8;
	[tilespmem:$0x1D580] =	vst v63  }
0x19e: {  	_ = 	snop  }
0x19f: {  	[spmem:s4] =	stream.indirect.scatter.add.f32 [tilespmem:s26], [sflag:$0x5], $0x1, s9, s23, $0xb8;
	[tilespmem:$0x1D580] =	vst v63  }
0x1a0: {  	_ =	swait.ge [sflag:s20], $0x80  }
0x1a1: {  	[sflag:s20] =	ssyncset.done $0x0  }
0x1a2: {  	[sflag:s20] =	ssyncadd.s32 $0xFFFFFF80  }
0x1a3: {  	_ =	swait.ge [sflag:s28], $0x4000  }
0x1a4: {  	[sflag:s28] =	ssyncset.done $0x0  }
0x1a5: {  	s21 =	sadd.s32 $0xB00, s2;
	[sflag:s28] =	ssyncadd.s32 $0xFFFFC000  }
0x1a6: {  	[tilespmem:s19], [sflag:$0x1] =	stream.indirect.gather [hbm4b:s0+s23], $0x80, s21, s23, $0xb8;
	[tilespmem:$0x1D580] =	vst v63  }
0x1a7: {  	_ =	swait.ge [sflag:s25], $0x4000  }
0x1a8: {  	[sflag:s25] =	ssyncset.done $0x0  }
0x1a9: {  	s29 =	sadd.s32 $0x280, s2;
	[sflag:s25] =	ssyncadd.s32 $0xFFFFC000  }
0x1aa: {  	[spmem:s3] =	stream.indirect.scatter.add.f32 [tilespmem:s24], [sflag:$0x4], $0x80, s29, s23, $0xb8;
	[tilespmem:$0x1D580] =	vst v63  }
0x1ab: {  	_ = 	snop  }
0x1ac: {  	[spmem:s4] =	stream.indirect.scatter.add.f32 [tilespmem:s26], [sflag:$0x5], $0x1, s29, s23, $0xb8;
	[tilespmem:$0x1D580] =	vst v63  }
0x1ad: {  	_ =	swait.ge [sflag:s20], $0x80  }
0x1ae: {  	[sflag:s20] =	ssyncset.done $0x0  }
0x1af: {  	[sflag:s20] =	ssyncadd.s32 $0xFFFFFF80  }
0x1b0: {  	_ =	swait.ge [sflag:s28], $0x4000  }
0x1b1: {  	[sflag:s28] =	ssyncset.done $0x0  }
0x1b2: {  	s30 =	sadd.s32 $0xB80, s2;
	[sflag:s28] =	ssyncadd.s32 $0xFFFFC000  }
0x1b3: {  	[tilespmem:s24], [sflag:$0x1] =	stream.indirect.gather [hbm4b:s0+s23], $0x80, s30, s23, $0xb8;
	[tilespmem:$0x1D580] =	vst v63  }
0x1b4: {  	_ =	swait.ge [sflag:s25], $0x4000  }
0x1b5: {  	[sflag:s25] =	ssyncset.done $0x0  }
0x1b6: {  	s31 =	sadd.s32 $0x300, s2;
	[sflag:s25] =	ssyncadd.s32 $0xFFFFC000  }
0x1b7: {  	[spmem:s3] =	stream.indirect.scatter.add.f32 [tilespmem:s19], [sflag:$0x4], $0x80, s31, s23, $0xb8;
	[tilespmem:$0x1D580] =	vst v63  }
0x1b8: {  	_ = 	snop  }
0x1b9: {  	[spmem:s4] =	stream.indirect.scatter.add.f32 [tilespmem:s26], [sflag:$0x5], $0x1, s31, s23, $0xb8;
	[tilespmem:$0x1D580] =	vst v63  }
0x1ba: {  	_ =	swait.ge [sflag:s20], $0x80  }
0x1bb: {  	[sflag:s20] =	ssyncset.done $0x0  }
0x1bc: {  	[sflag:s20] =	ssyncadd.s32 $0xFFFFFF80  }
0x1bd: {  	_ =	swait.ge [sflag:s28], $0x4000  }
0x1be: {  	[sflag:s28] =	ssyncset.done $0x0  }
0x1bf: {  	s7 =	simm.s32 @!p0 $0x2;
	[sflag:s28] =	ssyncadd.s32 $0xFFFFC000  }
0x1c0: {  	_ =	swait.ge @!p0 [sflag:s7], $0x400  }
0x1c1: {  	[sflag:s7] =	ssyncset.done @!p0 $0x0  }
0x1c2: {  	[sflag:s7] =	ssyncadd.s32 @!p0 $0xFFFFFC00;
	s7 =	simm.s32 @!p0 $0x3  }
0x1c3: {  	_ =	swait.ge @!p0 [sflag:s7], $0x400  }
0x1c4: {  	[sflag:s7] =	ssyncset.done @!p0 $0x0  }
0x1c5: {  	s8 =	simm.s32 @!p0 $0x1000;
	[sflag:s7] =	ssyncadd.s32 @!p0 $0xFFFFFC00;
	s7 =	simm.s32 @!p0 $0x80  }
0x1c6: {  	[tilespmem:s8], [sflag:$0x1] =	stream.indirect.gather @!p0 [hbm4b:s0+s7], $0x80, s1, s7, $0xb8;
	[tilespmem:$0x1D580] =	vst v63  }
0x1c7: {  	_ =	swait.ge [sflag:s25], $0x4000  }
0x1c8: {  	[sflag:s25] =	ssyncset.done $0x0  }
0x1c9: {  	s8 =	sadd.s32 $0x380, s2;
	[sflag:s25] =	ssyncadd.s32 $0xFFFFC000  }
0x1ca: {  	[spmem:s3] =	stream.indirect.scatter.add.f32 [tilespmem:s24], [sflag:$0x4], $0x80, s8, s23, $0xb8;
	[tilespmem:$0x1D580] =	vst v63  }
0x1cb: {  	_ = 	snop  }
0x1cc: {  	[spmem:s4] =	stream.indirect.scatter.add.f32 [tilespmem:s26], [sflag:$0x5], $0x1, s8, s23, $0xb8;
	[tilespmem:$0x1D580] =	vst v63  }
0x1cd: {  	_ =	swait.ge [sflag:s20], $0x80  }
0x1ce: {  	[sflag:s20] =	ssyncset.done $0x0  }
0x1cf: {  	[sflag:s20] =	ssyncadd.s32 $0xFFFFFF80  }
0x1d0: {  	_ =	swait.ge [sflag:s28], $0x4000  }
0x1d1: {  	[sflag:s28] =	ssyncset.done $0x0  }
0x1d2: {  	[sflag:s28] =	ssyncadd.s32 $0xFFFFC000  }
0x1d3: {  	_ =	swait.ge [sflag:s28], $0x4000  }
0x1d4: {  	s9 =	stileid.u32;
	[sflag:s28] =	ssyncset.done $0x0  }
0x1d5: {  	s1 =	sshll.u32 s9, $0x6;
	[sflag:s28] =	ssyncadd.s32 $0xFFFFC000  }
0x1d6: {  	s21 =	sshrl.u32 s6, $0x3;
	s1 =	sor.u32 $0x1C05, s1;
	[bflag:$0x0] =	sbarrier.arrive $0xFFFF  }
0x1d7: {  	[hbm:s14], [sflag:s1] =	dma.local [spmem:s21], $0x2800  }
0x1d8: {  	s5 =	sadd.s32 $0x1, s5;
	s29 =	sshrl.u32 s11, $0x3;
	_ =	swait.ge [sflag:s20], $0x2800  }
0x1d9: {  	s30 =	simm.s32 $0x20;
	p0 =	sne.s32 s5, s16;
	[sflag:s20] =	ssyncset.done $0x0  }
.Ltmp2:
0x1da: {  	s31 =	simm.s32 $0x10;
	[sflag:s20] =	ssyncadd.s32 $0xFFFFD800;
	(pc) =	sbr.rel @p0 .LBB2_1-.Ltmp2, $4  }
0x1db: {  	[hbm:s15@s30], [sflag:s1] =	dma.strided [spmem:s29@s31], $0x50, s25, $0x10   }
0x1dc: {  	_ =	swait.ge [sflag:s20], $0x50  }
0x1dd: {  	[sflag:s20] =	ssyncset.done $0x0  }
0x1de: {  	[sflag:s20] =	ssyncadd.s32 $0xFFFFFFB0  }
0x1df: {  	_ =	sfence.sel $0x180000  }
0x1e0: {  	[bflag:$0x0] =	sbarrier.arrive $0xFFFF  }
0x1e1: {  	_ =	strace $0x90000047  }
0x1e2: {  	s0 =	stileid.u32;
	[bflag:$0x2] =	sbarrier.arrive $0xFFFF  }
0x1e3: {  	p0 =	sne.s32 s0, $0x0;
	s0 =	rddreg [dreg:$0x4]  }
0x1e4: {  	s0 =	sadd.s32 @!p0 $0x100000, s0  }
0x1e5: {  	[sflag:s0] =	ssyncadd.tile.s32 @!p0 $0x1;
	_ =	shalt  }
.Lfunc_end2:
_tile_overlayer_lowered:
.L_overlay_start_2:
0x1e6: {  	(tag) =	ssettag $0x2  }
0x1e7: {  	s0 =	rddreg [dreg:$0x0];
	s2 =	stileid.u32  }
0x1e8: {  	s1 =	rddreg [dreg:$0x1];
	p0 =	sne.s32 s2, $0x0  }
0x1e9: {  	s3 =	rddreg [dreg:$0x2];
	[bflag:$0x3] =	sbarrier.arrive $0xFFFF;
	s2 =	simm.s32 @!p0 $0x1C05  }
0x1ea: {  	[timem:s3], [sflag:s2] =	dma.local @!p0 [hbm:s0], s1  }
0x1eb: {  	s0 =	simm.s32 @!p0 $0x5  }
0x1ec: {  	_ =	swait.ge @!p0 [sflag:s0], s1  }
0x1ed: {  	s1 =	ssub.s32 @!p0 $0x0, s1;
	[sflag:s0] =	ssyncset.done @!p0 $0x0  }
0x1ee: {  	[sflag:s0] =	ssyncadd.s32 @!p0 s1  }
0x1ef: {  	[bflag:$0x3] =	sbarrier.arrive $0xFFFF  }
0x1f0: {  	_ =	shalt  }

</sc_bundles>
